<compile_context>
chip_gen: v7x
topology: tpu7x:2x2x1
jax: 0.10.2.dev20260603
libtpu: 0.0.44.dev20260713+nightly
codegen_flags: <defaults>
</compile_context>

<pallas_src>
import functools

import jax
import jax.numpy as jnp
from jax import lax
from jax.experimental import pallas as pl
from jax.experimental.pallas import tpu as pltpu
from jax.experimental.pallas import tpu_sc as plsc

N = 10000
E = 320000
D = 128
H = 128

NC = 2
NS = 16
NW = NC * NS

F32 = jnp.float32


_EPT = E // NS
_CH = 128
_NFULL = _EPT // _CH
_TAIL = _EPT - _NFULL * _CH


def _segsum_body(vals0, idx0, vals1, idx1, zeros, out0, out1,
                 idx_bufs, vals_bufs, idxt_v, valst_v, acc,
                 sl0, sl1, ss0, ss1):
    cid = lax.axis_index("c")
    sid = lax.axis_index("s")
    sls = (sl0, sl1)
    sss = (ss0, ss1)

    @pl.when(sid == 0)
    def _():
        pltpu.sync_copy(zeros, acc)

    plsc.subcore_barrier()

    def run(vals_hbm, idx_hbm):
        base0 = sid * _EPT

        def start_load(c, m):
            b = pl.multiple_of(base0 + c * _CH, 8)
            pltpu.async_copy(idx_hbm.at[pl.ds(b, _CH)], idx_bufs[m], sls[m])
            pltpu.async_copy(vals_hbm.at[pl.ds(b, _CH)], vals_bufs[m], sls[m])

        def wait_load(m):
            pltpu.make_async_copy(idx_hbm.at[pl.ds(0, _CH)],
                                  idx_bufs[m], sls[m]).wait()
            pltpu.make_async_copy(vals_hbm.at[pl.ds(0, _CH)],
                                  vals_bufs[m], sls[m]).wait()

        start_load(0, 0)

        def wait_scatter(m):
            pltpu.make_async_copy(vals_bufs[m], acc.at[idx_bufs[m]],
                                  sss[m]).wait()

        def body(j, carry):
            for m in range(2):
                c = 2 * j + m
                other = (m + 1) % 2
                wait_load(m)
                pltpu.async_copy(vals_bufs[m], acc.at[idx_bufs[m]],
                                 sss[m], add=True)

                @pl.when(c >= 1)
                def _():
                    wait_scatter(other)

                nc = c + 1

                @pl.when(nc <= _NFULL - 1)
                def _():
                    start_load(nc, other)
            return carry

        lax.fori_loop(0, _NFULL // 2, body, 0)
        wait_scatter((_NFULL - 1) % 2)

        bt = pl.multiple_of(base0 + _NFULL * _CH, 8)
        pltpu.sync_copy(idx_hbm.at[pl.ds(bt, _TAIL)], idxt_v)
        pltpu.sync_copy(vals_hbm.at[pl.ds(bt, _TAIL)], valst_v)
        pltpu.sync_copy(valst_v, acc.at[idxt_v], add=True)

    @pl.when(cid == 0)
    def _():
        run(vals0, idx0)

    @pl.when(cid == 1)
    def _():
        run(vals1, idx1)

    plsc.subcore_barrier()

    @pl.when((sid == 0) & (cid == 0))
    def _():
        pltpu.sync_copy(acc, out0)

    @pl.when((sid == 0) & (cid == 1))
    def _():
        pltpu.sync_copy(acc, out1)


@functools.cache
def _segsum_fn():
    mesh = plsc.VectorSubcoreMesh(core_axis_name="c", subcore_axis_name="s")
    return pl.kernel(
        _segsum_body,
        out_type=[jax.ShapeDtypeStruct((N, D), F32),
                  jax.ShapeDtypeStruct((N, D), F32)],
        mesh=mesh,
        scratch_types=[
            [pltpu.VMEM((_CH,), jnp.int32) for _ in range(2)],
            [pltpu.VMEM((_CH, D), F32) for _ in range(2)],
            pltpu.VMEM((_TAIL,), jnp.int32),
            pltpu.VMEM((_TAIL, D), F32),
            pltpu.VMEM_SHARED((N, D), F32),
            pltpu.SemaphoreType.DMA,
            pltpu.SemaphoreType.DMA,
            pltpu.SemaphoreType.DMA,
            pltpu.SemaphoreType.DMA,
        ],
    )


def _segsum_pair(vals0, idx0, vals1, idx1, zeros):
    return _segsum_fn()(vals0, idx0, vals1, idx1, zeros)



_EPW = E // NW
_GNF = _EPW // _CH
_GTAIL = _EPW - _GNF * _CH


def _gather_body(table_s, table_t, src, tgt, gs_out, gt_out,
                 idx_bufs, rows_bufs, idxt_v, sem,
                 sl0, sl1, sl2, so0, so1, so2):
    cid = lax.axis_index("c")
    sid = lax.axis_index("s")
    wid = sid * NC + cid
    base0 = wid * _EPW
    sls = (sl0, sl1, sl2)
    sos = (so0, so1, so2)

    def run(table, idx_hbm, out_hbm):
        def start_idx(c, m):
            b = pl.multiple_of(base0 + c * _CH, 8)
            pltpu.async_copy(idx_hbm.at[pl.ds(b, _CH)], idx_bufs[m], sls[m])

        def wait_idx(m):
            pltpu.make_async_copy(idx_hbm.at[pl.ds(0, _CH)],
                                  idx_bufs[m], sls[m]).wait()

        def wait_out(m):
            pltpu.make_async_copy(rows_bufs[m],
                                  out_hbm.at[pl.ds(0, _CH)], sos[m]).wait()

        start_idx(0, 0)
        start_idx(1, 1)

        def body(j, carry):
            for m in range(3):
                c = 3 * j + m
                wait_idx(m)

                @pl.when(j >= 1)
                def _():
                    wait_out(m)

                pltpu.async_copy(table.at[idx_bufs[m]], rows_bufs[m],
                                 sem).wait()
                nc = c + 2

                @pl.when(nc <= _GNF - 1)
                def _():
                    start_idx(nc, (m + 2) % 3)

                b = pl.multiple_of(base0 + c * _CH, 8)
                pltpu.async_copy(rows_bufs[m], out_hbm.at[pl.ds(b, _CH)],
                                 sos[m])
            return carry

        lax.fori_loop(0, _GNF // 3, body, 0)
        for m in range(3):
            wait_out(m)

        bt = pl.multiple_of(base0 + _GNF * _CH, 8)
        pltpu.sync_copy(idx_hbm.at[pl.ds(bt, _GTAIL)], idxt_v)
        pltpu.async_copy(table.at[idxt_v], rows_bufs[0].at[pl.ds(0, _GTAIL)],
                         sem).wait()
        pltpu.sync_copy(rows_bufs[0].at[pl.ds(0, _GTAIL)],
                        out_hbm.at[pl.ds(bt, _GTAIL)])

    run(table_s, src, gs_out)
    run(table_t, tgt, gt_out)


def _gather_pair(table_s, table_t, src, tgt):
    mesh = plsc.VectorSubcoreMesh(core_axis_name="c", subcore_axis_name="s")
    w = table_s.shape[1]
    fn = pl.kernel(
        _gather_body,
        out_type=[jax.ShapeDtypeStruct((E, w), F32),
                  jax.ShapeDtypeStruct((E, w), F32)],
        mesh=mesh,
        scratch_types=[
            [pltpu.VMEM((_CH,), jnp.int32) for _ in range(3)],
            [pltpu.VMEM((_CH, w), F32) for _ in range(3)],
            pltpu.VMEM((_GTAIL,), jnp.int32),
            pltpu.SemaphoreType.DMA,
            pltpu.SemaphoreType.DMA,
            pltpu.SemaphoreType.DMA,
            pltpu.SemaphoreType.DMA,
            pltpu.SemaphoreType.DMA,
            pltpu.SemaphoreType.DMA,
            pltpu.SemaphoreType.DMA,
        ],
    )
    return fn(table_s, table_t, src, tgt)



_BE = 2000
_BN = 1000


def _edge_alpha_body(e_ref, ws_ref, wt_ref, as_ref, at_ref):
    e = e_ref[...]
    as_ref[...] = jnp.exp(jnp.dot(e, ws_ref[...],
                                  preferred_element_type=F32))
    at_ref[...] = jnp.exp(jnp.dot(e, wt_ref[...],
                                  preferred_element_type=F32))


def _edge_alpha(edge_feat, Wsrc, Wtgt):
    grid = (E // _BE,)
    return pl.pallas_call(
        _edge_alpha_body,
        grid=grid,
        in_specs=[
            pl.BlockSpec((_BE, D), lambda i: (i, 0)),
            pl.BlockSpec((D, D), lambda i: (0, 0)),
            pl.BlockSpec((D, D), lambda i: (0, 0)),
        ],
        out_specs=[
            pl.BlockSpec((_BE, D), lambda i: (i, 0)),
            pl.BlockSpec((_BE, D), lambda i: (i, 0)),
        ],
        out_shape=[jax.ShapeDtypeStruct((E, D), F32),
                   jax.ShapeDtypeStruct((E, D), F32)],
    )(edge_feat, Wsrc, Wtgt)


def _edge_mlp_body(e_ref, gt_ref, gs_ref, was_ref, wat_ref,
                   wg_ref, wgt_ref, wgs_ref, wu_ref, wut_ref, wus_ref,
                   wo_ref, gam_ref, bet_ref, erw_ref,
                   sw_ref, tw_ref, eo_ref):
    e = e_ref[...]
    gt = gt_ref[...]
    gs = gs_ref[...]
    asrc = jnp.exp(jnp.dot(e, was_ref[...], preferred_element_type=F32))
    atgt = jnp.exp(jnp.dot(e, wat_ref[...], preferred_element_type=F32))
    g = (jnp.dot(e, wg_ref[...], preferred_element_type=F32)
         + jnp.dot(gt, wgt_ref[...], preferred_element_type=F32)
         + jnp.dot(gs, wgs_ref[...], preferred_element_type=F32))
    u = (jnp.dot(e, wu_ref[...], preferred_element_type=F32)
         + jnp.dot(gt, wut_ref[...], preferred_element_type=F32)
         + jnp.dot(gs, wus_ref[...], preferred_element_type=F32))
    h = g * jax.nn.sigmoid(g) * u
    y = jnp.dot(h, wo_ref[...], preferred_element_type=F32)
    mu = jnp.mean(y, axis=-1, keepdims=True)
    yc = y - mu
    var = jnp.mean(yc * yc, axis=-1, keepdims=True)
    ae = yc * jax.lax.rsqrt(var + 1e-5) * gam_ref[...] + bet_ref[...]
    sw_ref[...] = asrc * ae
    tw_ref[...] = atgt * ae
    eo_ref[...] = ae + erw_ref[...] * e


def _edge_mlp(edge_feat, Gt, Gs, Wsrc, Wtgt,
              Wg0, Wg_t, Wg_s, Wu0, Wu_t, Wu_s, Wo, gam, bet, erw):
    grid = (E // _BE,)
    return pl.pallas_call(
        _edge_mlp_body,
        grid=grid,
        in_specs=[
            pl.BlockSpec((_BE, D), lambda i: (i, 0)),
            pl.BlockSpec((_BE, D), lambda i: (i, 0)),
            pl.BlockSpec((_BE, D), lambda i: (i, 0)),
            pl.BlockSpec((D, D), lambda i: (0, 0)),
            pl.BlockSpec((D, D), lambda i: (0, 0)),
            pl.BlockSpec((D, H), lambda i: (0, 0)),
            pl.BlockSpec((D, H), lambda i: (0, 0)),
            pl.BlockSpec((D, H), lambda i: (0, 0)),
            pl.BlockSpec((D, H), lambda i: (0, 0)),
            pl.BlockSpec((D, H), lambda i: (0, 0)),
            pl.BlockSpec((D, H), lambda i: (0, 0)),
            pl.BlockSpec((H, D), lambda i: (0, 0)),
            pl.BlockSpec((1, D), lambda i: (0, 0)),
            pl.BlockSpec((1, D), lambda i: (0, 0)),
            pl.BlockSpec((1, D), lambda i: (0, 0)),
        ],
        out_specs=[
            pl.BlockSpec((_BE, D), lambda i: (i, 0)),
            pl.BlockSpec((_BE, D), lambda i: (i, 0)),
            pl.BlockSpec((_BE, D), lambda i: (i, 0)),
        ],
        out_shape=[jax.ShapeDtypeStruct((E, D), F32),
                   jax.ShapeDtypeStruct((E, D), F32),
                   jax.ShapeDtypeStruct((E, D), F32)],
    )(edge_feat, Gt, Gs, Wsrc, Wtgt,
      Wg0, Wg_t, Wg_s, Wu0, Wu_t, Wu_s, Wo, gam, bet, erw)


def _node_mlp_body(n_ref, asf_ref, atf_ref, ds_ref, dt_ref,
                   wg0_ref, wgt_ref, wgs_ref, wu0_ref, wut_ref, wus_ref,
                   wo_ref, gam_ref, bet_ref, nrw_ref, out_ref):
    n = n_ref[...]
    asf = asf_ref[...] / (ds_ref[...] + 1e-16)
    atf = atf_ref[...] / (dt_ref[...] + 1e-16)
    g = (jnp.dot(n, wg0_ref[...], preferred_element_type=F32)
         + jnp.dot(atf, wgt_ref[...], preferred_element_type=F32)
         + jnp.dot(asf, wgs_ref[...], preferred_element_type=F32))
    u = (jnp.dot(n, wu0_ref[...], preferred_element_type=F32)
         + jnp.dot(atf, wut_ref[...], preferred_element_type=F32)
         + jnp.dot(asf, wus_ref[...], preferred_element_type=F32))
    h = g * jax.nn.sigmoid(g) * u
    y = jnp.dot(h, wo_ref[...], preferred_element_type=F32)
    mu = jnp.mean(y, axis=-1, keepdims=True)
    yc = y - mu
    var = jnp.mean(yc * yc, axis=-1, keepdims=True)
    out = yc * jax.lax.rsqrt(var + 1e-5) * gam_ref[...] + bet_ref[...]
    out_ref[...] = out + nrw_ref[...] * n


def _node_mlp(node_feat, asf0, atf0, Dsrc, Dtgt,
              Wg0, Wg_t, Wg_s, Wu0, Wu_t, Wu_s, Wo, gam, bet, nrw):
    grid = (N // _BN,)
    blk = lambda i: (i, 0)
    zero = lambda i: (0, 0)
    return pl.pallas_call(
        _node_mlp_body,
        grid=grid,
        in_specs=[
            pl.BlockSpec((_BN, D), blk),
            pl.BlockSpec((_BN, D), blk),
            pl.BlockSpec((_BN, D), blk),
            pl.BlockSpec((_BN, D), blk),
            pl.BlockSpec((_BN, D), blk),
            pl.BlockSpec((D, H), zero),
            pl.BlockSpec((D, H), zero),
            pl.BlockSpec((D, H), zero),
            pl.BlockSpec((D, H), zero),
            pl.BlockSpec((D, H), zero),
            pl.BlockSpec((D, H), zero),
            pl.BlockSpec((H, D), zero),
            pl.BlockSpec((1, D), zero),
            pl.BlockSpec((1, D), zero),
            pl.BlockSpec((1, D), zero),
        ],
        out_specs=pl.BlockSpec((_BN, D), blk),
        out_shape=jax.ShapeDtypeStruct((N, D), F32),
    )(node_feat, asf0, atf0, Dsrc, Dtgt,
      Wg0, Wg_t, Wg_s, Wu0, Wu_t, Wu_s, Wo, gam, bet, nrw)



def kernel(node_feat, edge_feat, source_index, target_index,
           source_bincount, target_bincount, Wsrc, Wtgt, Weg, Weu, Weo,
           e_gamma, e_beta, Wng, Wnu, Wno, n_gamma, n_beta,
           node_res_weight, edge_res_weight):
    e_gamma2 = e_gamma.reshape(1, D)
    e_beta2 = e_beta.reshape(1, D)
    n_gamma2 = n_gamma.reshape(1, D)
    n_beta2 = n_beta.reshape(1, D)

    Weg0, Weg_t, Weg_s = Weg[0:D], Weg[D:2 * D], Weg[2 * D:3 * D]
    Weu0, Weu_t, Weu_s = Weu[0:D], Weu[D:2 * D], Weu[2 * D:3 * D]
    Wng0, Wng_t, Wng_s = Wng[0:D], Wng[D:2 * D], Wng[2 * D:3 * D]
    Wnu0, Wnu_t, Wnu_s = Wnu[0:D], Wnu[D:2 * D], Wnu[2 * D:3 * D]

    zeros = jnp.zeros((N, D), F32)

    Gs, Gt = _gather_pair(node_feat, node_feat, source_index, target_index)

    Asrc, Atgt = _edge_alpha(edge_feat, Wsrc, Wtgt)

    Dsrc, Dtgt = _segsum_pair(Asrc, source_index, Atgt, target_index, zeros)

    sw, tw, eo = _edge_mlp(edge_feat, Gt, Gs, Wsrc, Wtgt,
                           Weg0, Weg_t, Weg_s, Weu0, Weu_t, Weu_s,
                           Weo, e_gamma2, e_beta2, edge_res_weight)

    asf0, atf0 = _segsum_pair(sw, source_index, tw, target_index, zeros)

    attn_node = _node_mlp(node_feat, asf0, atf0, Dsrc, Dtgt,
                          Wng0, Wng_t, Wng_s, Wnu0, Wnu_t, Wnu_s,
                          Wno, n_gamma2, n_beta2, node_res_weight)

    return (attn_node, eo)

# --- scband reference (transcript-rebuilt; emitter-appended) ---
"""Pipeline reference for scband-graph-attention-layer-515396076338 (READ-ONLY COPY).

The authoritative reference and input builder live on the scoring server;
editing this copy changes nothing except your own understanding.
"""

import jax, jax.numpy as jnp
import numpy as np

N = 10000
E = 320000
D = 128
H = 128

def _layer_norm(x, gamma, beta, eps=1e-5):
    mu = jnp.mean(x, axis=-1, keepdims=True)
    var = jnp.var(x, axis=-1, keepdims=True)
    return (x - mu) / jnp.sqrt(var + eps) * gamma + beta

def _gated_mlp(x, Wg, Wu, Wo, gamma, beta):
    h = jax.nn.silu(x @ Wg) * (x @ Wu)
    return _layer_norm(h @ Wo, gamma, beta)

def _dimwise_softmax(alpha, segment, num_segments):
    seg_max = jax.ops.segment_max(alpha, segment, num_segments=num_segments)
    seg_max = jnp.where(jnp.isfinite(seg_max), seg_max, 0.0)
    e = jnp.exp(alpha - seg_max[segment])
    denom = jax.ops.segment_sum(e, segment, num_segments=num_segments)
    return e / (denom[segment] + 1e-16)

def setup_inputs(seed: int = 0):
    key = jax.random.key(seed)
    ks = jax.random.split(key, 16)
    node_feat = jax.random.normal(ks[0], (N, D), dtype=jnp.float32)
    edge_feat = jax.random.normal(ks[1], (E, D), dtype=jnp.float32)
    source_index = jax.random.randint(ks[2], (E,), 0, N, dtype=jnp.int32)
    target_index = jax.random.randint(ks[3], (E,), 0, N, dtype=jnp.int32)
    source_bincount = jnp.bincount(source_index, length=N)
    target_bincount = jnp.bincount(target_index, length=N)
    s = 1.0 / np.sqrt(D)
    s3 = 1.0 / np.sqrt(3 * D)
    sh = 1.0 / np.sqrt(H)
    Wsrc = jax.random.normal(ks[4], (D, D), dtype=jnp.float32) * s
    Wtgt = jax.random.normal(ks[5], (D, D), dtype=jnp.float32) * s
    Weg = jax.random.normal(ks[6], (3 * D, H), dtype=jnp.float32) * s3
    Weu = jax.random.normal(ks[7], (3 * D, H), dtype=jnp.float32) * s3
    Weo = jax.random.normal(ks[8], (H, D), dtype=jnp.float32) * sh
    e_gamma = jnp.ones((D,), dtype=jnp.float32)
    e_beta = jnp.zeros((D,), dtype=jnp.float32)
    Wng = jax.random.normal(ks[9], (3 * D, H), dtype=jnp.float32) * s3
    Wnu = jax.random.normal(ks[10], (3 * D, H), dtype=jnp.float32) * s3
    Wno = jax.random.normal(ks[11], (H, D), dtype=jnp.float32) * sh
    n_gamma = jnp.ones((D,), dtype=jnp.float32)
    n_beta = jnp.zeros((D,), dtype=jnp.float32)
    node_res_weight = jnp.ones((1, D), dtype=jnp.float32)
    edge_res_weight = jnp.ones((1, D), dtype=jnp.float32)
    return {"node_feat": node_feat, "edge_feat": edge_feat, "source_index": source_index, "target_index": target_index, "source_bincount": source_bincount, "target_bincount": target_bincount, "Wsrc": Wsrc, "Wtgt": Wtgt, "Weg": Weg, "Weu": Weu, "Weo": Weo, "e_gamma": e_gamma, "e_beta": e_beta, "Wng": Wng, "Wnu": Wnu, "Wno": Wno, "n_gamma": n_gamma, "n_beta": n_beta, "node_res_weight": node_res_weight, "edge_res_weight": edge_res_weight}

def reference(node_feat, edge_feat, source_index, target_index, source_bincount, target_bincount, Wsrc, Wtgt, Weg, Weu, Weo, e_gamma, e_beta, Wng, Wnu, Wno, n_gamma, n_beta, node_res_weight, edge_res_weight):
    # directed2undirected is None -> edge_feat_0 = edge_feat
    source_node_feat = node_feat[source_index]
    target_node_feat = node_feat[target_index]
    attn_edge_feat = jnp.concatenate([edge_feat, target_node_feat, source_node_feat], axis=1)
    attn_edge_feat = _gated_mlp(attn_edge_feat, Weg, Weu, Weo, e_gamma, e_beta)
    source_alpha_0 = edge_feat @ Wsrc
    target_alpha_0 = edge_feat @ Wtgt
    source_alpha = _dimwise_softmax(source_alpha_0, source_index, N)
    target_alpha = _dimwise_softmax(target_alpha_0, target_index, N)
    source_weight = source_alpha * attn_edge_feat
    target_weight = target_alpha * attn_edge_feat
    attn_source_feat = jax.ops.segment_sum(source_weight, source_index, num_segments=N)
    attn_target_feat = jax.ops.segment_sum(target_weight, target_index, num_segments=N)
    fusion_node_feat = jnp.concatenate([node_feat, attn_target_feat, attn_source_feat], axis=1)
    attn_node_feat = _gated_mlp(fusion_node_feat, Wng, Wnu, Wno, n_gamma, n_beta)
    attn_node_feat = attn_node_feat + node_res_weight * node_feat
    attn_edge_out = attn_edge_feat + edge_res_weight * edge_feat
    return (attn_node_feat, attn_edge_out)

if __name__ == "__main__":
    import jax
    _d = setup_inputs()
    print(jax.jit(kernel)(*tuple(_d.values())))

</pallas_src>

<mosaic_0001>
#map = affine_map<(d0, d1) -> (0, 0)>
#map1 = affine_map<(d0, d1) -> (0)>
module attributes {stable_mosaic.version = 14 : i64} {
  func.func @_segsum_body(%arg0: i32, %arg1: i32, %arg2: memref<320000x128xf32, #tpu.memory_space<hbm>>, %arg3: memref<320000xi32, #tpu.memory_space<hbm>>, %arg4: memref<320000x128xf32, #tpu.memory_space<hbm>>, %arg5: memref<320000xi32, #tpu.memory_space<hbm>>, %arg6: memref<10000x128xf32, #tpu.memory_space<hbm>>, %arg7: memref<10000x128xf32, #tpu.memory_space<hbm>>, %arg8: memref<10000x128xf32, #tpu.memory_space<hbm>>, %arg9: memref<128xi32, #tpu.memory_space<vmem>>, %arg10: memref<128xi32, #tpu.memory_space<vmem>>, %arg11: memref<128x128xf32, #tpu.memory_space<vmem>>, %arg12: memref<128x128xf32, #tpu.memory_space<vmem>>, %arg13: memref<32xi32, #tpu.memory_space<vmem>>, %arg14: memref<32x128xf32, #tpu.memory_space<vmem>>, %arg15: memref<10000x128xf32, #tpu.memory_space<vmem_shared>>, %arg16: memref<!tpu.dma_semaphore, #tpu.memory_space<semaphore_mem>>, %arg17: memref<!tpu.dma_semaphore, #tpu.memory_space<semaphore_mem>>, %arg18: memref<!tpu.dma_semaphore, #tpu.memory_space<semaphore_mem>>, %arg19: memref<!tpu.dma_semaphore, #tpu.memory_space<semaphore_mem>>) attributes {dimension_semantics = [#tpu.dimension_semantics<core_parallel>, #tpu.dimension_semantics<subcore_parallel>], iteration_bounds = array<i64: 2, 16>, scalar_prefetch = 0 : i64, scratch_operands = 11 : i64, tpu.core_type = #tpu.core_type<sc_vector_subcore>, window_params = [{transform_indices = #map}, {transform_indices = #map1}, {transform_indices = #map}, {transform_indices = #map1}, {transform_indices = #map}, {transform_indices = #map}, {transform_indices = #map}]} {
    %eq3A = arith.constant 0 : i32
    %eq3A_0 = arith.cmpi eq, %arg1, %eq3A : i32
    %convert_element_type3A = arith.extui %eq3A_0 : i1 to i32
    %cond3A = arith.constant 0 : i32
    %cond3A_1 = arith.cmpi ne, %convert_element_type3A, %cond3A : i32
    scf.if %cond3A_1 {
      "tpu.region"() ({
        %run_scoped3A = tpu.sem_alloc : memref<!tpu.dma_semaphore, #tpu.memory_space<semaphore_mem>>
        tpu.enqueue_dma source(%arg6 : memref<10000x128xf32, #tpu.memory_space<hbm>>) target(%arg15 : memref<10000x128xf32, #tpu.memory_space<vmem_shared>>) target_semaphore(%run_scoped3A : memref<!tpu.dma_semaphore, #tpu.memory_space<semaphore_mem>>)
        tpu.wait_dma2 semaphore(%run_scoped3A : memref<!tpu.dma_semaphore, #tpu.memory_space<semaphore_mem>>) src(%arg6 : memref<10000x128xf32, #tpu.memory_space<hbm>>) dst(%arg15 : memref<10000x128xf32, #tpu.memory_space<vmem_shared>>)
        tpu.yield
      }) : () -> ()
    } else {
    }
    %barrier3A = arith.constant 0 : index
    tpu.barrier barrier_id(%barrier3A)
    %eq3A_2 = arith.constant 0 : i32
    %eq3A_3 = arith.cmpi eq, %arg0, %eq3A_2 : i32
    %convert_element_type3A_4 = arith.extui %eq3A_3 : i1 to i32
    %cond3A_5 = arith.constant 0 : i32
    %cond3A_6 = arith.cmpi ne, %convert_element_type3A_4, %cond3A_5 : i32
    scf.if %cond3A_6 {
      %mul3A = arith.constant 20000 : i32
      %mul3A_28 = arith.muli %arg1, %mul3A : i32
      %add3A = arith.constant 0 : i32
      %add3A_29 = arith.addi %mul3A_28, %add3A : i32
      %multiple_of3A = tpu.assume_multiple %add3A_29, 8 : i32
      %dma_start3A = tpu.memref_slice %arg3[%multiple_of3A] : memref<320000xi32, #tpu.memory_space<hbm>> -> memref<128xi32, #tpu.memory_space<hbm>>
      %dma_start3A_30 = tpu.memref_slice %arg3[%multiple_of3A] : memref<320000xi32, #tpu.memory_space<hbm>> -> memref<128xi32, #tpu.memory_space<hbm>>
      tpu.enqueue_dma source(%dma_start3A_30 : memref<128xi32, #tpu.memory_space<hbm>>) target(%arg9 : memref<128xi32, #tpu.memory_space<vmem>>) target_semaphore(%arg16 : memref<!tpu.dma_semaphore, #tpu.memory_space<semaphore_mem>>)
      %dma_start3A_31 = arith.constant 0 : i32
      %dma_start3A_32 = tpu.memref_slice %arg2[%multiple_of3A, %dma_start3A_31] : memref<320000x128xf32, #tpu.memory_space<hbm>> -> memref<128x128xf32, #tpu.memory_space<hbm>>
      %dma_start3A_33 = arith.constant 0 : i32
      %dma_start3A_34 = tpu.memref_slice %arg2[%multiple_of3A, %dma_start3A_33] : memref<320000x128xf32, #tpu.memory_space<hbm>> -> memref<128x128xf32, #tpu.memory_space<hbm>>
      tpu.enqueue_dma source(%dma_start3A_34 : memref<128x128xf32, #tpu.memory_space<hbm>>) target(%arg11 : memref<128x128xf32, #tpu.memory_space<vmem>>) target_semaphore(%arg16 : memref<!tpu.dma_semaphore, #tpu.memory_space<semaphore_mem>>)
      %scan3A = arith.constant 0 : i32
      %scan3A_35 = arith.constant 0 : i32
      %scan3A_36 = arith.constant 78 : i32
      %scan3A_37 = arith.addi %scan3A_35, %scan3A_36 : i32
      %scan3A_38 = arith.constant 1 : i32
      scf.for %scan3A_45 = %scan3A_35 to %scan3A_37 step %scan3A_38  : i32 {
        %mul3A_46 = arith.constant 2 : i32
        %mul3A_47 = arith.muli %mul3A_46, %scan3A_45 : i32
        %add3A_48 = arith.constant 0 : i32
        %add3A_49 = arith.addi %mul3A_47, %add3A_48 : i32
        %dma_wait3A_50 = arith.constant 0 : i32
        %dma_wait3A_51 = tpu.memref_slice %arg3[%dma_wait3A_50] : memref<320000xi32, #tpu.memory_space<hbm>> -> memref<128xi32, #tpu.memory_space<hbm>>
        %dma_wait3A_52 = arith.constant 0 : i32
        %dma_wait3A_53 = tpu.memref_slice %arg3[%dma_wait3A_52] : memref<320000xi32, #tpu.memory_space<hbm>> -> memref<128xi32, #tpu.memory_space<hbm>>
        tpu.wait_dma2 semaphore(%arg16 : memref<!tpu.dma_semaphore, #tpu.memory_space<semaphore_mem>>) src(%dma_wait3A_53 : memref<128xi32, #tpu.memory_space<hbm>>) dst(%arg9 : memref<128xi32, #tpu.memory_space<vmem>>)
        %dma_wait3A_54 = arith.constant 0 : i32
        %dma_wait3A_55 = arith.constant 0 : i32
        %dma_wait3A_56 = tpu.memref_slice %arg2[%dma_wait3A_54, %dma_wait3A_55] : memref<320000x128xf32, #tpu.memory_space<hbm>> -> memref<128x128xf32, #tpu.memory_space<hbm>>
        %dma_wait3A_57 = arith.constant 0 : i32
        %dma_wait3A_58 = arith.constant 0 : i32
        %dma_wait3A_59 = tpu.memref_slice %arg2[%dma_wait3A_57, %dma_wait3A_58] : memref<320000x128xf32, #tpu.memory_space<hbm>> -> memref<128x128xf32, #tpu.memory_space<hbm>>
        tpu.wait_dma2 semaphore(%arg16 : memref<!tpu.dma_semaphore, #tpu.memory_space<semaphore_mem>>) src(%dma_wait3A_59 : memref<128x128xf32, #tpu.memory_space<hbm>>) dst(%arg11 : memref<128x128xf32, #tpu.memory_space<vmem>>)
        %dma_start3A_60 = arith.constant 0 : i32
        %dma_start3A_61 = arith.constant 0 : i32
        %dma_start3A_62 = tpu.memref_slice %arg15[%dma_start3A_60, %dma_start3A_61] : memref<10000x128xf32, #tpu.memory_space<vmem_shared>> -> memref<10000x128xf32, #tpu.memory_space<vmem_shared>>
        tpu.enqueue_indirect_dma source(%arg11 : memref<128x128xf32, #tpu.memory_space<vmem>>) target(%dma_start3A_62 : memref<10000x128xf32, #tpu.memory_space<vmem_shared>>) offsets(%arg9 : memref<128xi32, #tpu.memory_space<vmem>>) semaphore(%arg18 : memref<!tpu.dma_semaphore, #tpu.memory_space<semaphore_mem>>) {add = true}
        %ge3A = arith.constant 1 : i32
        %ge3A_63 = arith.cmpi sge, %add3A_49, %ge3A : i32
        %convert_element_type3A_64 = arith.extui %ge3A_63 : i1 to i32
        %cond3A_65 = arith.constant 0 : i32
        %cond3A_66 = arith.cmpi ne, %convert_element_type3A_64, %cond3A_65 : i32
        scf.if %cond3A_66 {
          %dma_wait3A_102 = arith.constant 0 : i32
          %dma_wait3A_103 = arith.constant 0 : i32
          %dma_wait3A_104 = tpu.memref_slice %arg15[%dma_wait3A_102, %dma_wait3A_103] : memref<10000x128xf32, #tpu.memory_space<vmem_shared>> -> memref<10000x128xf32, #tpu.memory_space<vmem_shared>>
          tpu.wait_indirect_dma semaphore(%arg19 : memref<!tpu.dma_semaphore, #tpu.memory_space<semaphore_mem>>) src(%arg12 : memref<128x128xf32, #tpu.memory_space<vmem>>) dst(%dma_wait3A_104 : memref<10000x128xf32, #tpu.memory_space<vmem_shared>>)
        } else {
        }
        %add3A_67 = arith.constant 1 : i32
        %add3A_68 = arith.addi %add3A_49, %add3A_67 : i32
        %le3A = arith.constant 155 : i32
        %le3A_69 = arith.cmpi sle, %add3A_68, %le3A : i32
        %convert_element_type3A_70 = arith.extui %le3A_69 : i1 to i32
        %cond3A_71 = arith.constant 0 : i32
        %cond3A_72 = arith.cmpi ne, %convert_element_type3A_70, %cond3A_71 : i32
        scf.if %cond3A_72 {
          %mul3A_102 = arith.constant 128 : i32
          %mul3A_103 = arith.muli %add3A_68, %mul3A_102 : i32
          %add3A_104 = arith.addi %mul3A_28, %mul3A_103 : i32
          %multiple_of3A_105 = tpu.assume_multiple %add3A_104, 8 : i32
          %dma_start3A_106 = tpu.memref_slice %arg3[%multiple_of3A_105] : memref<320000xi32, #tpu.memory_space<hbm>> -> memref<128xi32, #tpu.memory_space<hbm>>
          %dma_start3A_107 = tpu.memref_slice %arg3[%multiple_of3A_105] : memref<320000xi32, #tpu.memory_space<hbm>> -> memref<128xi32, #tpu.memory_space<hbm>>
          tpu.enqueue_dma source(%dma_start3A_107 : memref<128xi32, #tpu.memory_space<hbm>>) target(%arg10 : memref<128xi32, #tpu.memory_space<vmem>>) target_semaphore(%arg17 : memref<!tpu.dma_semaphore, #tpu.memory_space<semaphore_mem>>)
          %dma_start3A_108 = arith.constant 0 : i32
          %dma_start3A_109 = tpu.memref_slice %arg2[%multiple_of3A_105, %dma_start3A_108] : memref<320000x128xf32, #tpu.memory_space<hbm>> -> memref<128x128xf32, #tpu.memory_space<hbm>>
          %dma_start3A_110 = arith.constant 0 : i32
          %dma_start3A_111 = tpu.memref_slice %arg2[%multiple_of3A_105, %dma_start3A_110] : memref<320000x128xf32, #tpu.memory_space<hbm>> -> memref<128x128xf32, #tpu.memory_space<hbm>>
          tpu.enqueue_dma source(%dma_start3A_111 : memref<128x128xf32, #tpu.memory_space<hbm>>) target(%arg12 : memref<128x128xf32, #tpu.memory_space<vmem>>) target_semaphore(%arg17 : memref<!tpu.dma_semaphore, #tpu.memory_space<semaphore_mem>>)
        } else {
        }
        %mul3A_73 = arith.constant 2 : i32
        %mul3A_74 = arith.muli %mul3A_73, %scan3A_45 : i32
        %add3A_75 = arith.constant 1 : i32
        %add3A_76 = arith.addi %mul3A_74, %add3A_75 : i32
        %dma_wait3A_77 = arith.constant 0 : i32
        %dma_wait3A_78 = tpu.memref_slice %arg3[%dma_wait3A_77] : memref<320000xi32, #tpu.memory_space<hbm>> -> memref<128xi32, #tpu.memory_space<hbm>>
        %dma_wait3A_79 = arith.constant 0 : i32
        %dma_wait3A_80 = tpu.memref_slice %arg3[%dma_wait3A_79] : memref<320000xi32, #tpu.memory_space<hbm>> -> memref<128xi32, #tpu.memory_space<hbm>>
        tpu.wait_dma2 semaphore(%arg17 : memref<!tpu.dma_semaphore, #tpu.memory_space<semaphore_mem>>) src(%dma_wait3A_80 : memref<128xi32, #tpu.memory_space<hbm>>) dst(%arg10 : memref<128xi32, #tpu.memory_space<vmem>>)
        %dma_wait3A_81 = arith.constant 0 : i32
        %dma_wait3A_82 = arith.constant 0 : i32
        %dma_wait3A_83 = tpu.memref_slice %arg2[%dma_wait3A_81, %dma_wait3A_82] : memref<320000x128xf32, #tpu.memory_space<hbm>> -> memref<128x128xf32, #tpu.memory_space<hbm>>
        %dma_wait3A_84 = arith.constant 0 : i32
        %dma_wait3A_85 = arith.constant 0 : i32
        %dma_wait3A_86 = tpu.memref_slice %arg2[%dma_wait3A_84, %dma_wait3A_85] : memref<320000x128xf32, #tpu.memory_space<hbm>> -> memref<128x128xf32, #tpu.memory_space<hbm>>
        tpu.wait_dma2 semaphore(%arg17 : memref<!tpu.dma_semaphore, #tpu.memory_space<semaphore_mem>>) src(%dma_wait3A_86 : memref<128x128xf32, #tpu.memory_space<hbm>>) dst(%arg12 : memref<128x128xf32, #tpu.memory_space<vmem>>)
        %dma_start3A_87 = arith.constant 0 : i32
        %dma_start3A_88 = arith.constant 0 : i32
        %dma_start3A_89 = tpu.memref_slice %arg15[%dma_start3A_87, %dma_start3A_88] : memref<10000x128xf32, #tpu.memory_space<vmem_shared>> -> memref<10000x128xf32, #tpu.memory_space<vmem_shared>>
        tpu.enqueue_indirect_dma source(%arg12 : memref<128x128xf32, #tpu.memory_space<vmem>>) target(%dma_start3A_89 : memref<10000x128xf32, #tpu.memory_space<vmem_shared>>) offsets(%arg10 : memref<128xi32, #tpu.memory_space<vmem>>) semaphore(%arg19 : memref<!tpu.dma_semaphore, #tpu.memory_space<semaphore_mem>>) {add = true}
        %ge3A_90 = arith.constant 1 : i32
        %ge3A_91 = arith.cmpi sge, %add3A_76, %ge3A_90 : i32
        %convert_element_type3A_92 = arith.extui %ge3A_91 : i1 to i32
        %cond3A_93 = arith.constant 0 : i32
        %cond3A_94 = arith.cmpi ne, %convert_element_type3A_92, %cond3A_93 : i32
        scf.if %cond3A_94 {
          %dma_wait3A_102 = arith.constant 0 : i32
          %dma_wait3A_103 = arith.constant 0 : i32
          %dma_wait3A_104 = tpu.memref_slice %arg15[%dma_wait3A_102, %dma_wait3A_103] : memref<10000x128xf32, #tpu.memory_space<vmem_shared>> -> memref<10000x128xf32, #tpu.memory_space<vmem_shared>>
          tpu.wait_indirect_dma semaphore(%arg18 : memref<!tpu.dma_semaphore, #tpu.memory_space<semaphore_mem>>) src(%arg11 : memref<128x128xf32, #tpu.memory_space<vmem>>) dst(%dma_wait3A_104 : memref<10000x128xf32, #tpu.memory_space<vmem_shared>>)
        } else {
        }
        %add3A_95 = arith.constant 1 : i32
        %add3A_96 = arith.addi %add3A_76, %add3A_95 : i32
        %le3A_97 = arith.constant 155 : i32
        %le3A_98 = arith.cmpi sle, %add3A_96, %le3A_97 : i32
        %convert_element_type3A_99 = arith.extui %le3A_98 : i1 to i32
        %cond3A_100 = arith.constant 0 : i32
        %cond3A_101 = arith.cmpi ne, %convert_element_type3A_99, %cond3A_100 : i32
        scf.if %cond3A_101 {
          %mul3A_102 = arith.constant 128 : i32
          %mul3A_103 = arith.muli %add3A_96, %mul3A_102 : i32
          %add3A_104 = arith.addi %mul3A_28, %mul3A_103 : i32
          %multiple_of3A_105 = tpu.assume_multiple %add3A_104, 8 : i32
          %dma_start3A_106 = tpu.memref_slice %arg3[%multiple_of3A_105] : memref<320000xi32, #tpu.memory_space<hbm>> -> memref<128xi32, #tpu.memory_space<hbm>>
          %dma_start3A_107 = tpu.memref_slice %arg3[%multiple_of3A_105] : memref<320000xi32, #tpu.memory_space<hbm>> -> memref<128xi32, #tpu.memory_space<hbm>>
          tpu.enqueue_dma source(%dma_start3A_107 : memref<128xi32, #tpu.memory_space<hbm>>) target(%arg9 : memref<128xi32, #tpu.memory_space<vmem>>) target_semaphore(%arg16 : memref<!tpu.dma_semaphore, #tpu.memory_space<semaphore_mem>>)
          %dma_start3A_108 = arith.constant 0 : i32
          %dma_start3A_109 = tpu.memref_slice %arg2[%multiple_of3A_105, %dma_start3A_108] : memref<320000x128xf32, #tpu.memory_space<hbm>> -> memref<128x128xf32, #tpu.memory_space<hbm>>
          %dma_start3A_110 = arith.constant 0 : i32
          %dma_start3A_111 = tpu.memref_slice %arg2[%multiple_of3A_105, %dma_start3A_110] : memref<320000x128xf32, #tpu.memory_space<hbm>> -> memref<128x128xf32, #tpu.memory_space<hbm>>
          tpu.enqueue_dma source(%dma_start3A_111 : memref<128x128xf32, #tpu.memory_space<hbm>>) target(%arg11 : memref<128x128xf32, #tpu.memory_space<vmem>>) target_semaphore(%arg16 : memref<!tpu.dma_semaphore, #tpu.memory_space<semaphore_mem>>)
        } else {
        }
      }
      %scan3A_39 = arith.constant 78 : i32
      %dma_wait3A = arith.constant 0 : i32
      %dma_wait3A_40 = arith.constant 0 : i32
      %dma_wait3A_41 = tpu.memref_slice %arg15[%dma_wait3A, %dma_wait3A_40] : memref<10000x128xf32, #tpu.memory_space<vmem_shared>> -> memref<10000x128xf32, #tpu.memory_space<vmem_shared>>
      tpu.wait_indirect_dma semaphore(%arg19 : memref<!tpu.dma_semaphore, #tpu.memory_space<semaphore_mem>>) src(%arg12 : memref<128x128xf32, #tpu.memory_space<vmem>>) dst(%dma_wait3A_41 : memref<10000x128xf32, #tpu.memory_space<vmem_shared>>)
      %add3A_42 = arith.constant 19968 : i32
      %add3A_43 = arith.addi %mul3A_28, %add3A_42 : i32
      %multiple_of3A_44 = tpu.assume_multiple %add3A_43, 8 : i32
      "tpu.region"() ({
        %run_scoped3A = tpu.sem_alloc : memref<!tpu.dma_semaphore, #tpu.memory_space<semaphore_mem>>
        %dma_start3A_45 = tpu.memref_slice %arg3[%multiple_of3A_44] : memref<320000xi32, #tpu.memory_space<hbm>> -> memref<32xi32, #tpu.memory_space<hbm>>
        %dma_start3A_46 = tpu.memref_slice %arg3[%multiple_of3A_44] : memref<320000xi32, #tpu.memory_space<hbm>> -> memref<32xi32, #tpu.memory_space<hbm>>
        tpu.enqueue_dma source(%dma_start3A_46 : memref<32xi32, #tpu.memory_space<hbm>>) target(%arg13 : memref<32xi32, #tpu.memory_space<vmem>>) target_semaphore(%run_scoped3A : memref<!tpu.dma_semaphore, #tpu.memory_space<semaphore_mem>>)
        %dma_wait3A_47 = tpu.memref_slice %arg3[%multiple_of3A_44] : memref<320000xi32, #tpu.memory_space<hbm>> -> memref<32xi32, #tpu.memory_space<hbm>>
        %dma_wait3A_48 = tpu.memref_slice %arg3[%multiple_of3A_44] : memref<320000xi32, #tpu.memory_space<hbm>> -> memref<32xi32, #tpu.memory_space<hbm>>
        tpu.wait_dma2 semaphore(%run_scoped3A : memref<!tpu.dma_semaphore, #tpu.memory_space<semaphore_mem>>) src(%dma_wait3A_48 : memref<32xi32, #tpu.memory_space<hbm>>) dst(%arg13 : memref<32xi32, #tpu.memory_space<vmem>>)
        tpu.yield
      }) : () -> ()
      "tpu.region"() ({
        %run_scoped3A = tpu.sem_alloc : memref<!tpu.dma_semaphore, #tpu.memory_space<semaphore_mem>>
        %dma_start3A_45 = arith.constant 0 : i32
        %dma_start3A_46 = tpu.memref_slice %arg2[%multiple_of3A_44, %dma_start3A_45] : memref<320000x128xf32, #tpu.memory_space<hbm>> -> memref<32x128xf32, #tpu.memory_space<hbm>>
        %dma_start3A_47 = arith.constant 0 : i32
        %dma_start3A_48 = tpu.memref_slice %arg2[%multiple_of3A_44, %dma_start3A_47] : memref<320000x128xf32, #tpu.memory_space<hbm>> -> memref<32x128xf32, #tpu.memory_space<hbm>>
        tpu.enqueue_dma source(%dma_start3A_48 : memref<32x128xf32, #tpu.memory_space<hbm>>) target(%arg14 : memref<32x128xf32, #tpu.memory_space<vmem>>) target_semaphore(%run_scoped3A : memref<!tpu.dma_semaphore, #tpu.memory_space<semaphore_mem>>)
        %dma_wait3A_49 = arith.constant 0 : i32
        %dma_wait3A_50 = tpu.memref_slice %arg2[%multiple_of3A_44, %dma_wait3A_49] : memref<320000x128xf32, #tpu.memory_space<hbm>> -> memref<32x128xf32, #tpu.memory_space<hbm>>
        %dma_wait3A_51 = arith.constant 0 : i32
        %dma_wait3A_52 = tpu.memref_slice %arg2[%multiple_of3A_44, %dma_wait3A_51] : memref<320000x128xf32, #tpu.memory_space<hbm>> -> memref<32x128xf32, #tpu.memory_space<hbm>>
        tpu.wait_dma2 semaphore(%run_scoped3A : memref<!tpu.dma_semaphore, #tpu.memory_space<semaphore_mem>>) src(%dma_wait3A_52 : memref<32x128xf32, #tpu.memory_space<hbm>>) dst(%arg14 : memref<32x128xf32, #tpu.memory_space<vmem>>)
        tpu.yield
      }) : () -> ()
      "tpu.region"() ({
        %run_scoped3A = tpu.sem_alloc : memref<!tpu.dma_semaphore, #tpu.memory_space<semaphore_mem>>
        %dma_start3A_45 = arith.constant 0 : i32
        %dma_start3A_46 = arith.constant 0 : i32
        %dma_start3A_47 = tpu.memref_slice %arg15[%dma_start3A_45, %dma_start3A_46] : memref<10000x128xf32, #tpu.memory_space<vmem_shared>> -> memref<10000x128xf32, #tpu.memory_space<vmem_shared>>
        tpu.enqueue_indirect_dma source(%arg14 : memref<32x128xf32, #tpu.memory_space<vmem>>) target(%dma_start3A_47 : memref<10000x128xf32, #tpu.memory_space<vmem_shared>>) offsets(%arg13 : memref<32xi32, #tpu.memory_space<vmem>>) semaphore(%run_scoped3A : memref<!tpu.dma_semaphore, #tpu.memory_space<semaphore_mem>>) {add = true}
        %dma_wait3A_48 = arith.constant 0 : i32
        %dma_wait3A_49 = arith.constant 0 : i32
        %dma_wait3A_50 = tpu.memref_slice %arg15[%dma_wait3A_48, %dma_wait3A_49] : memref<10000x128xf32, #tpu.memory_space<vmem_shared>> -> memref<10000x128xf32, #tpu.memory_space<vmem_shared>>
        tpu.wait_indirect_dma semaphore(%run_scoped3A : memref<!tpu.dma_semaphore, #tpu.memory_space<semaphore_mem>>) src(%arg14 : memref<32x128xf32, #tpu.memory_space<vmem>>) dst(%dma_wait3A_50 : memref<10000x128xf32, #tpu.memory_space<vmem_shared>>)
        tpu.yield
      }) : () -> ()
    } else {
    }
    %eq3A_7 = arith.constant 1 : i32
    %eq3A_8 = arith.cmpi eq, %arg0, %eq3A_7 : i32
    %convert_element_type3A_9 = arith.extui %eq3A_8 : i1 to i32
    %cond3A_10 = arith.constant 0 : i32
    %cond3A_11 = arith.cmpi ne, %convert_element_type3A_9, %cond3A_10 : i32
    scf.if %cond3A_11 {
      %mul3A = arith.constant 20000 : i32
      %mul3A_28 = arith.muli %arg1, %mul3A : i32
      %add3A = arith.constant 0 : i32
      %add3A_29 = arith.addi %mul3A_28, %add3A : i32
      %multiple_of3A = tpu.assume_multiple %add3A_29, 8 : i32
      %dma_start3A = tpu.memref_slice %arg5[%multiple_of3A] : memref<320000xi32, #tpu.memory_space<hbm>> -> memref<128xi32, #tpu.memory_space<hbm>>
      %dma_start3A_30 = tpu.memref_slice %arg5[%multiple_of3A] : memref<320000xi32, #tpu.memory_space<hbm>> -> memref<128xi32, #tpu.memory_space<hbm>>
      tpu.enqueue_dma source(%dma_start3A_30 : memref<128xi32, #tpu.memory_space<hbm>>) target(%arg9 : memref<128xi32, #tpu.memory_space<vmem>>) target_semaphore(%arg16 : memref<!tpu.dma_semaphore, #tpu.memory_space<semaphore_mem>>)
      %dma_start3A_31 = arith.constant 0 : i32
      %dma_start3A_32 = tpu.memref_slice %arg4[%multiple_of3A, %dma_start3A_31] : memref<320000x128xf32, #tpu.memory_space<hbm>> -> memref<128x128xf32, #tpu.memory_space<hbm>>
      %dma_start3A_33 = arith.constant 0 : i32
      %dma_start3A_34 = tpu.memref_slice %arg4[%multiple_of3A, %dma_start3A_33] : memref<320000x128xf32, #tpu.memory_space<hbm>> -> memref<128x128xf32, #tpu.memory_space<hbm>>
      tpu.enqueue_dma source(%dma_start3A_34 : memref<128x128xf32, #tpu.memory_space<hbm>>) target(%arg11 : memref<128x128xf32, #tpu.memory_space<vmem>>) target_semaphore(%arg16 : memref<!tpu.dma_semaphore, #tpu.memory_space<semaphore_mem>>)
      %scan3A = arith.constant 0 : i32
      %scan3A_35 = arith.constant 0 : i32
      %scan3A_36 = arith.constant 78 : i32
      %scan3A_37 = arith.addi %scan3A_35, %scan3A_36 : i32
      %scan3A_38 = arith.constant 1 : i32
      scf.for %scan3A_45 = %scan3A_35 to %scan3A_37 step %scan3A_38  : i32 {
        %mul3A_46 = arith.constant 2 : i32
        %mul3A_47 = arith.muli %mul3A_46, %scan3A_45 : i32
        %add3A_48 = arith.constant 0 : i32
        %add3A_49 = arith.addi %mul3A_47, %add3A_48 : i32
        %dma_wait3A_50 = arith.constant 0 : i32
        %dma_wait3A_51 = tpu.memref_slice %arg5[%dma_wait3A_50] : memref<320000xi32, #tpu.memory_space<hbm>> -> memref<128xi32, #tpu.memory_space<hbm>>
        %dma_wait3A_52 = arith.constant 0 : i32
        %dma_wait3A_53 = tpu.memref_slice %arg5[%dma_wait3A_52] : memref<320000xi32, #tpu.memory_space<hbm>> -> memref<128xi32, #tpu.memory_space<hbm>>
        tpu.wait_dma2 semaphore(%arg16 : memref<!tpu.dma_semaphore, #tpu.memory_space<semaphore_mem>>) src(%dma_wait3A_53 : memref<128xi32, #tpu.memory_space<hbm>>) dst(%arg9 : memref<128xi32, #tpu.memory_space<vmem>>)
        %dma_wait3A_54 = arith.constant 0 : i32
        %dma_wait3A_55 = arith.constant 0 : i32
        %dma_wait3A_56 = tpu.memref_slice %arg4[%dma_wait3A_54, %dma_wait3A_55] : memref<320000x128xf32, #tpu.memory_space<hbm>> -> memref<128x128xf32, #tpu.memory_space<hbm>>
        %dma_wait3A_57 = arith.constant 0 : i32
        %dma_wait3A_58 = arith.constant 0 : i32
        %dma_wait3A_59 = tpu.memref_slice %arg4[%dma_wait3A_57, %dma_wait3A_58] : memref<320000x128xf32, #tpu.memory_space<hbm>> -> memref<128x128xf32, #tpu.memory_space<hbm>>
        tpu.wait_dma2 semaphore(%arg16 : memref<!tpu.dma_semaphore, #tpu.memory_space<semaphore_mem>>) src(%dma_wait3A_59 : memref<128x128xf32, #tpu.memory_space<hbm>>) dst(%arg11 : memref<128x128xf32, #tpu.memory_space<vmem>>)
        %dma_start3A_60 = arith.constant 0 : i32
        %dma_start3A_61 = arith.constant 0 : i32
        %dma_start3A_62 = tpu.memref_slice %arg15[%dma_start3A_60, %dma_start3A_61] : memref<10000x128xf32, #tpu.memory_space<vmem_shared>> -> memref<10000x128xf32, #tpu.memory_space<vmem_shared>>
        tpu.enqueue_indirect_dma source(%arg11 : memref<128x128xf32, #tpu.memory_space<vmem>>) target(%dma_start3A_62 : memref<10000x128xf32, #tpu.memory_space<vmem_shared>>) offsets(%arg9 : memref<128xi32, #tpu.memory_space<vmem>>) semaphore(%arg18 : memref<!tpu.dma_semaphore, #tpu.memory_space<semaphore_mem>>) {add = true}
        %ge3A = arith.constant 1 : i32
        %ge3A_63 = arith.cmpi sge, %add3A_49, %ge3A : i32
        %convert_element_type3A_64 = arith.extui %ge3A_63 : i1 to i32
        %cond3A_65 = arith.constant 0 : i32
        %cond3A_66 = arith.cmpi ne, %convert_element_type3A_64, %cond3A_65 : i32
        scf.if %cond3A_66 {
          %dma_wait3A_102 = arith.constant 0 : i32
          %dma_wait3A_103 = arith.constant 0 : i32
          %dma_wait3A_104 = tpu.memref_slice %arg15[%dma_wait3A_102, %dma_wait3A_103] : memref<10000x128xf32, #tpu.memory_space<vmem_shared>> -> memref<10000x128xf32, #tpu.memory_space<vmem_shared>>
          tpu.wait_indirect_dma semaphore(%arg19 : memref<!tpu.dma_semaphore, #tpu.memory_space<semaphore_mem>>) src(%arg12 : memref<128x128xf32, #tpu.memory_space<vmem>>) dst(%dma_wait3A_104 : memref<10000x128xf32, #tpu.memory_space<vmem_shared>>)
        } else {
        }
        %add3A_67 = arith.constant 1 : i32
        %add3A_68 = arith.addi %add3A_49, %add3A_67 : i32
        %le3A = arith.constant 155 : i32
        %le3A_69 = arith.cmpi sle, %add3A_68, %le3A : i32
        %convert_element_type3A_70 = arith.extui %le3A_69 : i1 to i32
        %cond3A_71 = arith.constant 0 : i32
        %cond3A_72 = arith.cmpi ne, %convert_element_type3A_70, %cond3A_71 : i32
        scf.if %cond3A_72 {
          %mul3A_102 = arith.constant 128 : i32
          %mul3A_103 = arith.muli %add3A_68, %mul3A_102 : i32
          %add3A_104 = arith.addi %mul3A_28, %mul3A_103 : i32
          %multiple_of3A_105 = tpu.assume_multiple %add3A_104, 8 : i32
          %dma_start3A_106 = tpu.memref_slice %arg5[%multiple_of3A_105] : memref<320000xi32, #tpu.memory_space<hbm>> -> memref<128xi32, #tpu.memory_space<hbm>>
          %dma_start3A_107 = tpu.memref_slice %arg5[%multiple_of3A_105] : memref<320000xi32, #tpu.memory_space<hbm>> -> memref<128xi32, #tpu.memory_space<hbm>>
          tpu.enqueue_dma source(%dma_start3A_107 : memref<128xi32, #tpu.memory_space<hbm>>) target(%arg10 : memref<128xi32, #tpu.memory_space<vmem>>) target_semaphore(%arg17 : memref<!tpu.dma_semaphore, #tpu.memory_space<semaphore_mem>>)
          %dma_start3A_108 = arith.constant 0 : i32
          %dma_start3A_109 = tpu.memref_slice %arg4[%multiple_of3A_105, %dma_start3A_108] : memref<320000x128xf32, #tpu.memory_space<hbm>> -> memref<128x128xf32, #tpu.memory_space<hbm>>
          %dma_start3A_110 = arith.constant 0 : i32
          %dma_start3A_111 = tpu.memref_slice %arg4[%multiple_of3A_105, %dma_start3A_110] : memref<320000x128xf32, #tpu.memory_space<hbm>> -> memref<128x128xf32, #tpu.memory_space<hbm>>
          tpu.enqueue_dma source(%dma_start3A_111 : memref<128x128xf32, #tpu.memory_space<hbm>>) target(%arg12 : memref<128x128xf32, #tpu.memory_space<vmem>>) target_semaphore(%arg17 : memref<!tpu.dma_semaphore, #tpu.memory_space<semaphore_mem>>)
        } else {
        }
        %mul3A_73 = arith.constant 2 : i32
        %mul3A_74 = arith.muli %mul3A_73, %scan3A_45 : i32
        %add3A_75 = arith.constant 1 : i32
        %add3A_76 = arith.addi %mul3A_74, %add3A_75 : i32
        %dma_wait3A_77 = arith.constant 0 : i32
        %dma_wait3A_78 = tpu.memref_slice %arg5[%dma_wait3A_77] : memref<320000xi32, #tpu.memory_space<hbm>> -> memref<128xi32, #tpu.memory_space<hbm>>
        %dma_wait3A_79 = arith.constant 0 : i32
        %dma_wait3A_80 = tpu.memref_slice %arg5[%dma_wait3A_79] : memref<320000xi32, #tpu.memory_space<hbm>> -> memref<128xi32, #tpu.memory_space<hbm>>
        tpu.wait_dma2 semaphore(%arg17 : memref<!tpu.dma_semaphore, #tpu.memory_space<semaphore_mem>>) src(%dma_wait3A_80 : memref<128xi32, #tpu.memory_space<hbm>>) dst(%arg10 : memref<128xi32, #tpu.memory_space<vmem>>)
        %dma_wait3A_81 = arith.constant 0 : i32
        %dma_wait3A_82 = arith.constant 0 : i32
        %dma_wait3A_83 = tpu.memref_slice %arg4[%dma_wait3A_81, %dma_wait3A_82] : memref<320000x128xf32, #tpu.memory_space<hbm>> -> memref<128x128xf32, #tpu.memory_space<hbm>>
        %dma_wait3A_84 = arith.constant 0 : i32
        %dma_wait3A_85 = arith.constant 0 : i32
        %dma_wait3A_86 = tpu.memref_slice %arg4[%dma_wait3A_84, %dma_wait3A_85] : memref<320000x128xf32, #tpu.memory_space<hbm>> -> memref<128x128xf32, #tpu.memory_space<hbm>>
        tpu.wait_dma2 semaphore(%arg17 : memref<!tpu.dma_semaphore, #tpu.memory_space<semaphore_mem>>) src(%dma_wait3A_86 : memref<128x128xf32, #tpu.memory_space<hbm>>) dst(%arg12 : memref<128x128xf32, #tpu.memory_space<vmem>>)
        %dma_start3A_87 = arith.constant 0 : i32
        %dma_start3A_88 = arith.constant 0 : i32
        %dma_start3A_89 = tpu.memref_slice %arg15[%dma_start3A_87, %dma_start3A_88] : memref<10000x128xf32, #tpu.memory_space<vmem_shared>> -> memref<10000x128xf32, #tpu.memory_space<vmem_shared>>
        tpu.enqueue_indirect_dma source(%arg12 : memref<128x128xf32, #tpu.memory_space<vmem>>) target(%dma_start3A_89 : memref<10000x128xf32, #tpu.memory_space<vmem_shared>>) offsets(%arg10 : memref<128xi32, #tpu.memory_space<vmem>>) semaphore(%arg19 : memref<!tpu.dma_semaphore, #tpu.memory_space<semaphore_mem>>) {add = true}
        %ge3A_90 = arith.constant 1 : i32
        %ge3A_91 = arith.cmpi sge, %add3A_76, %ge3A_90 : i32
        %convert_element_type3A_92 = arith.extui %ge3A_91 : i1 to i32
        %cond3A_93 = arith.constant 0 : i32
        %cond3A_94 = arith.cmpi ne, %convert_element_type3A_92, %cond3A_93 : i32
        scf.if %cond3A_94 {
          %dma_wait3A_102 = arith.constant 0 : i32
          %dma_wait3A_103 = arith.constant 0 : i32
          %dma_wait3A_104 = tpu.memref_slice %arg15[%dma_wait3A_102, %dma_wait3A_103] : memref<10000x128xf32, #tpu.memory_space<vmem_shared>> -> memref<10000x128xf32, #tpu.memory_space<vmem_shared>>
          tpu.wait_indirect_dma semaphore(%arg18 : memref<!tpu.dma_semaphore, #tpu.memory_space<semaphore_mem>>) src(%arg11 : memref<128x128xf32, #tpu.memory_space<vmem>>) dst(%dma_wait3A_104 : memref<10000x128xf32, #tpu.memory_space<vmem_shared>>)
        } else {
        }
        %add3A_95 = arith.constant 1 : i32
        %add3A_96 = arith.addi %add3A_76, %add3A_95 : i32
        %le3A_97 = arith.constant 155 : i32
        %le3A_98 = arith.cmpi sle, %add3A_96, %le3A_97 : i32
        %convert_element_type3A_99 = arith.extui %le3A_98 : i1 to i32
        %cond3A_100 = arith.constant 0 : i32
        %cond3A_101 = arith.cmpi ne, %convert_element_type3A_99, %cond3A_100 : i32
        scf.if %cond3A_101 {
          %mul3A_102 = arith.constant 128 : i32
          %mul3A_103 = arith.muli %add3A_96, %mul3A_102 : i32
          %add3A_104 = arith.addi %mul3A_28, %mul3A_103 : i32
          %multiple_of3A_105 = tpu.assume_multiple %add3A_104, 8 : i32
          %dma_start3A_106 = tpu.memref_slice %arg5[%multiple_of3A_105] : memref<320000xi32, #tpu.memory_space<hbm>> -> memref<128xi32, #tpu.memory_space<hbm>>
          %dma_start3A_107 = tpu.memref_slice %arg5[%multiple_of3A_105] : memref<320000xi32, #tpu.memory_space<hbm>> -> memref<128xi32, #tpu.memory_space<hbm>>
          tpu.enqueue_dma source(%dma_start3A_107 : memref<128xi32, #tpu.memory_space<hbm>>) target(%arg9 : memref<128xi32, #tpu.memory_space<vmem>>) target_semaphore(%arg16 : memref<!tpu.dma_semaphore, #tpu.memory_space<semaphore_mem>>)
          %dma_start3A_108 = arith.constant 0 : i32
          %dma_start3A_109 = tpu.memref_slice %arg4[%multiple_of3A_105, %dma_start3A_108] : memref<320000x128xf32, #tpu.memory_space<hbm>> -> memref<128x128xf32, #tpu.memory_space<hbm>>
          %dma_start3A_110 = arith.constant 0 : i32
          %dma_start3A_111 = tpu.memref_slice %arg4[%multiple_of3A_105, %dma_start3A_110] : memref<320000x128xf32, #tpu.memory_space<hbm>> -> memref<128x128xf32, #tpu.memory_space<hbm>>
          tpu.enqueue_dma source(%dma_start3A_111 : memref<128x128xf32, #tpu.memory_space<hbm>>) target(%arg11 : memref<128x128xf32, #tpu.memory_space<vmem>>) target_semaphore(%arg16 : memref<!tpu.dma_semaphore, #tpu.memory_space<semaphore_mem>>)
        } else {
        }
      }
      %scan3A_39 = arith.constant 78 : i32
      %dma_wait3A = arith.constant 0 : i32
      %dma_wait3A_40 = arith.constant 0 : i32
      %dma_wait3A_41 = tpu.memref_slice %arg15[%dma_wait3A, %dma_wait3A_40] : memref<10000x128xf32, #tpu.memory_space<vmem_shared>> -> memref<10000x128xf32, #tpu.memory_space<vmem_shared>>
      tpu.wait_indirect_dma semaphore(%arg19 : memref<!tpu.dma_semaphore, #tpu.memory_space<semaphore_mem>>) src(%arg12 : memref<128x128xf32, #tpu.memory_space<vmem>>) dst(%dma_wait3A_41 : memref<10000x128xf32, #tpu.memory_space<vmem_shared>>)
      %add3A_42 = arith.constant 19968 : i32
      %add3A_43 = arith.addi %mul3A_28, %add3A_42 : i32
      %multiple_of3A_44 = tpu.assume_multiple %add3A_43, 8 : i32
      "tpu.region"() ({
        %run_scoped3A = tpu.sem_alloc : memref<!tpu.dma_semaphore, #tpu.memory_space<semaphore_mem>>
        %dma_start3A_45 = tpu.memref_slice %arg5[%multiple_of3A_44] : memref<320000xi32, #tpu.memory_space<hbm>> -> memref<32xi32, #tpu.memory_space<hbm>>
        %dma_start3A_46 = tpu.memref_slice %arg5[%multiple_of3A_44] : memref<320000xi32, #tpu.memory_space<hbm>> -> memref<32xi32, #tpu.memory_space<hbm>>
        tpu.enqueue_dma source(%dma_start3A_46 : memref<32xi32, #tpu.memory_space<hbm>>) target(%arg13 : memref<32xi32, #tpu.memory_space<vmem>>) target_semaphore(%run_scoped3A : memref<!tpu.dma_semaphore, #tpu.memory_space<semaphore_mem>>)
        %dma_wait3A_47 = tpu.memref_slice %arg5[%multiple_of3A_44] : memref<320000xi32, #tpu.memory_space<hbm>> -> memref<32xi32, #tpu.memory_space<hbm>>
        %dma_wait3A_48 = tpu.memref_slice %arg5[%multiple_of3A_44] : memref<320000xi32, #tpu.memory_space<hbm>> -> memref<32xi32, #tpu.memory_space<hbm>>
        tpu.wait_dma2 semaphore(%run_scoped3A : memref<!tpu.dma_semaphore, #tpu.memory_space<semaphore_mem>>) src(%dma_wait3A_48 : memref<32xi32, #tpu.memory_space<hbm>>) dst(%arg13 : memref<32xi32, #tpu.memory_space<vmem>>)
        tpu.yield
      }) : () -> ()
      "tpu.region"() ({
        %run_scoped3A = tpu.sem_alloc : memref<!tpu.dma_semaphore, #tpu.memory_space<semaphore_mem>>
        %dma_start3A_45 = arith.constant 0 : i32
        %dma_start3A_46 = tpu.memref_slice %arg4[%multiple_of3A_44, %dma_start3A_45] : memref<320000x128xf32, #tpu.memory_space<hbm>> -> memref<32x128xf32, #tpu.memory_space<hbm>>
        %dma_start3A_47 = arith.constant 0 : i32
        %dma_start3A_48 = tpu.memref_slice %arg4[%multiple_of3A_44, %dma_start3A_47] : memref<320000x128xf32, #tpu.memory_space<hbm>> -> memref<32x128xf32, #tpu.memory_space<hbm>>
        tpu.enqueue_dma source(%dma_start3A_48 : memref<32x128xf32, #tpu.memory_space<hbm>>) target(%arg14 : memref<32x128xf32, #tpu.memory_space<vmem>>) target_semaphore(%run_scoped3A : memref<!tpu.dma_semaphore, #tpu.memory_space<semaphore_mem>>)
        %dma_wait3A_49 = arith.constant 0 : i32
        %dma_wait3A_50 = tpu.memref_slice %arg4[%multiple_of3A_44, %dma_wait3A_49] : memref<320000x128xf32, #tpu.memory_space<hbm>> -> memref<32x128xf32, #tpu.memory_space<hbm>>
        %dma_wait3A_51 = arith.constant 0 : i32
        %dma_wait3A_52 = tpu.memref_slice %arg4[%multiple_of3A_44, %dma_wait3A_51] : memref<320000x128xf32, #tpu.memory_space<hbm>> -> memref<32x128xf32, #tpu.memory_space<hbm>>
        tpu.wait_dma2 semaphore(%run_scoped3A : memref<!tpu.dma_semaphore, #tpu.memory_space<semaphore_mem>>) src(%dma_wait3A_52 : memref<32x128xf32, #tpu.memory_space<hbm>>) dst(%arg14 : memref<32x128xf32, #tpu.memory_space<vmem>>)
        tpu.yield
      }) : () -> ()
      "tpu.region"() ({
        %run_scoped3A = tpu.sem_alloc : memref<!tpu.dma_semaphore, #tpu.memory_space<semaphore_mem>>
        %dma_start3A_45 = arith.constant 0 : i32
        %dma_start3A_46 = arith.constant 0 : i32
        %dma_start3A_47 = tpu.memref_slice %arg15[%dma_start3A_45, %dma_start3A_46] : memref<10000x128xf32, #tpu.memory_space<vmem_shared>> -> memref<10000x128xf32, #tpu.memory_space<vmem_shared>>
        tpu.enqueue_indirect_dma source(%arg14 : memref<32x128xf32, #tpu.memory_space<vmem>>) target(%dma_start3A_47 : memref<10000x128xf32, #tpu.memory_space<vmem_shared>>) offsets(%arg13 : memref<32xi32, #tpu.memory_space<vmem>>) semaphore(%run_scoped3A : memref<!tpu.dma_semaphore, #tpu.memory_space<semaphore_mem>>) {add = true}
        %dma_wait3A_48 = arith.constant 0 : i32
        %dma_wait3A_49 = arith.constant 0 : i32
        %dma_wait3A_50 = tpu.memref_slice %arg15[%dma_wait3A_48, %dma_wait3A_49] : memref<10000x128xf32, #tpu.memory_space<vmem_shared>> -> memref<10000x128xf32, #tpu.memory_space<vmem_shared>>
        tpu.wait_indirect_dma semaphore(%run_scoped3A : memref<!tpu.dma_semaphore, #tpu.memory_space<semaphore_mem>>) src(%arg14 : memref<32x128xf32, #tpu.memory_space<vmem>>) dst(%dma_wait3A_50 : memref<10000x128xf32, #tpu.memory_space<vmem_shared>>)
        tpu.yield
      }) : () -> ()
    } else {
    }
    %barrier3A_12 = arith.constant 0 : index
    tpu.barrier barrier_id(%barrier3A_12)
    %eq3A_13 = arith.constant 0 : i32
    %eq3A_14 = arith.cmpi eq, %arg1, %eq3A_13 : i32
    %eq3A_15 = arith.constant 0 : i32
    %eq3A_16 = arith.cmpi eq, %arg0, %eq3A_15 : i32
    %and3A = arith.andi %eq3A_14, %eq3A_16 : i1
    %convert_element_type3A_17 = arith.extui %and3A : i1 to i32
    %cond3A_18 = arith.constant 0 : i32
    %cond3A_19 = arith.cmpi ne, %convert_element_type3A_17, %cond3A_18 : i32
    scf.if %cond3A_19 {
      "tpu.region"() ({
        %run_scoped3A = tpu.sem_alloc : memref<!tpu.dma_semaphore, #tpu.memory_space<semaphore_mem>>
        tpu.enqueue_dma source(%arg15 : memref<10000x128xf32, #tpu.memory_space<vmem_shared>>) target(%arg7 : memref<10000x128xf32, #tpu.memory_space<hbm>>) target_semaphore(%run_scoped3A : memref<!tpu.dma_semaphore, #tpu.memory_space<semaphore_mem>>)
        tpu.wait_dma2 semaphore(%run_scoped3A : memref<!tpu.dma_semaphore, #tpu.memory_space<semaphore_mem>>) src(%arg15 : memref<10000x128xf32, #tpu.memory_space<vmem_shared>>) dst(%arg7 : memref<10000x128xf32, #tpu.memory_space<hbm>>)
        tpu.yield
      }) : () -> ()
    } else {
    }
    %eq3A_20 = arith.constant 0 : i32
    %eq3A_21 = arith.cmpi eq, %arg1, %eq3A_20 : i32
    %eq3A_22 = arith.constant 1 : i32
    %eq3A_23 = arith.cmpi eq, %arg0, %eq3A_22 : i32
    %and3A_24 = arith.andi %eq3A_21, %eq3A_23 : i1
    %convert_element_type3A_25 = arith.extui %and3A_24 : i1 to i32
    %cond3A_26 = arith.constant 0 : i32
    %cond3A_27 = arith.cmpi ne, %convert_element_type3A_25, %cond3A_26 : i32
    scf.if %cond3A_27 {
      "tpu.region"() ({
        %run_scoped3A = tpu.sem_alloc : memref<!tpu.dma_semaphore, #tpu.memory_space<semaphore_mem>>
        tpu.enqueue_dma source(%arg15 : memref<10000x128xf32, #tpu.memory_space<vmem_shared>>) target(%arg8 : memref<10000x128xf32, #tpu.memory_space<hbm>>) target_semaphore(%run_scoped3A : memref<!tpu.dma_semaphore, #tpu.memory_space<semaphore_mem>>)
        tpu.wait_dma2 semaphore(%run_scoped3A : memref<!tpu.dma_semaphore, #tpu.memory_space<semaphore_mem>>) src(%arg15 : memref<10000x128xf32, #tpu.memory_space<vmem_shared>>) dst(%arg8 : memref<10000x128xf32, #tpu.memory_space<hbm>>)
        tpu.yield
      }) : () -> ()
    } else {
    }
    return
  }
}

#map = affine_map<(d0, d1) -> (0, 0)>
#map1 = affine_map<(d0, d1) -> (0)>
module attributes {stable_mosaic.version = 14 : i64} {
  func.func @_segsum_body(%arg0: i32, %arg1: i32, %arg2: memref<320000x128xf32, #tpu.memory_space<hbm>>, %arg3: memref<320000xi32, #tpu.memory_space<hbm>>, %arg4: memref<320000x128xf32, #tpu.memory_space<hbm>>, %arg5: memref<320000xi32, #tpu.memory_space<hbm>>, %arg6: memref<10000x128xf32, #tpu.memory_space<hbm>>, %arg7: memref<10000x128xf32, #tpu.memory_space<hbm>>, %arg8: memref<10000x128xf32, #tpu.memory_space<hbm>>, %arg9: memref<128xi32, #tpu.memory_space<vmem>>, %arg10: memref<128xi32, #tpu.memory_space<vmem>>, %arg11: memref<128x128xf32, #tpu.memory_space<vmem>>, %arg12: memref<128x128xf32, #tpu.memory_space<vmem>>, %arg13: memref<32xi32, #tpu.memory_space<vmem>>, %arg14: memref<32x128xf32, #tpu.memory_space<vmem>>, %arg15: memref<10000x128xf32, #tpu.memory_space<vmem_shared>>, %arg16: memref<!tpu.dma_semaphore, #tpu.memory_space<semaphore_mem>>, %arg17: memref<!tpu.dma_semaphore, #tpu.memory_space<semaphore_mem>>, %arg18: memref<!tpu.dma_semaphore, #tpu.memory_space<semaphore_mem>>, %arg19: memref<!tpu.dma_semaphore, #tpu.memory_space<semaphore_mem>>) attributes {dimension_semantics = [#tpu.dimension_semantics<core_parallel>, #tpu.dimension_semantics<subcore_parallel>], iteration_bounds = array<i64: 2, 16>, scalar_prefetch = 0 : i64, scratch_operands = 11 : i64, tpu.core_type = #tpu.core_type<sc_vector_subcore>, window_params = [{transform_indices = #map}, {transform_indices = #map1}, {transform_indices = #map}, {transform_indices = #map1}, {transform_indices = #map}, {transform_indices = #map}, {transform_indices = #map}]} {
    %eq3A = arith.constant 0 : i32
    %eq3A_0 = arith.cmpi eq, %arg1, %eq3A : i32
    %convert_element_type3A = arith.extui %eq3A_0 : i1 to i32
    %cond3A = arith.constant 0 : i32
    %cond3A_1 = arith.cmpi ne, %convert_element_type3A, %cond3A : i32
    scf.if %cond3A_1 {
      "tpu.region"() ({
        %run_scoped3A = tpu.sem_alloc : memref<!tpu.dma_semaphore, #tpu.memory_space<semaphore_mem>>
        tpu.enqueue_dma source(%arg6 : memref<10000x128xf32, #tpu.memory_space<hbm>>) target(%arg15 : memref<10000x128xf32, #tpu.memory_space<vmem_shared>>) target_semaphore(%run_scoped3A : memref<!tpu.dma_semaphore, #tpu.memory_space<semaphore_mem>>)
        tpu.wait_dma2 semaphore(%run_scoped3A : memref<!tpu.dma_semaphore, #tpu.memory_space<semaphore_mem>>) src(%arg6 : memref<10000x128xf32, #tpu.memory_space<hbm>>) dst(%arg15 : memref<10000x128xf32, #tpu.memory_space<vmem_shared>>)
        tpu.yield
      }) : () -> ()
    } else {
    }
    %barrier3A = arith.constant 0 : index
    tpu.barrier barrier_id(%barrier3A)
    %eq3A_2 = arith.constant 0 : i32
    %eq3A_3 = arith.cmpi eq, %arg0, %eq3A_2 : i32
    %convert_element_type3A_4 = arith.extui %eq3A_3 : i1 to i32
    %cond3A_5 = arith.constant 0 : i32
    %cond3A_6 = arith.cmpi ne, %convert_element_type3A_4, %cond3A_5 : i32
    scf.if %cond3A_6 {
      %mul3A = arith.constant 20000 : i32
      %mul3A_28 = arith.muli %arg1, %mul3A : i32
      %add3A = arith.constant 0 : i32
      %add3A_29 = arith.addi %mul3A_28, %add3A : i32
      %multiple_of3A = tpu.assume_multiple %add3A_29, 8 : i32
      %dma_start3A = tpu.memref_slice %arg3[%multiple_of3A] : memref<320000xi32, #tpu.memory_space<hbm>> -> memref<128xi32, #tpu.memory_space<hbm>>
      %dma_start3A_30 = tpu.memref_slice %arg3[%multiple_of3A] : memref<320000xi32, #tpu.memory_space<hbm>> -> memref<128xi32, #tpu.memory_space<hbm>>
      tpu.enqueue_dma source(%dma_start3A_30 : memref<128xi32, #tpu.memory_space<hbm>>) target(%arg9 : memref<128xi32, #tpu.memory_space<vmem>>) target_semaphore(%arg16 : memref<!tpu.dma_semaphore, #tpu.memory_space<semaphore_mem>>)
      %dma_start3A_31 = arith.constant 0 : i32
      %dma_start3A_32 = tpu.memref_slice %arg2[%multiple_of3A, %dma_start3A_31] : memref<320000x128xf32, #tpu.memory_space<hbm>> -> memref<128x128xf32, #tpu.memory_space<hbm>>
      %dma_start3A_33 = arith.constant 0 : i32
      %dma_start3A_34 = tpu.memref_slice %arg2[%multiple_of3A, %dma_start3A_33] : memref<320000x128xf32, #tpu.memory_space<hbm>> -> memref<128x128xf32, #tpu.memory_space<hbm>>
      tpu.enqueue_dma source(%dma_start3A_34 : memref<128x128xf32, #tpu.memory_space<hbm>>) target(%arg11 : memref<128x128xf32, #tpu.memory_space<vmem>>) target_semaphore(%arg16 : memref<!tpu.dma_semaphore, #tpu.memory_space<semaphore_mem>>)
      %scan3A = arith.constant 0 : i32
      %scan3A_35 = arith.constant 0 : i32
      %scan3A_36 = arith.constant 78 : i32
      %scan3A_37 = arith.addi %scan3A_35, %scan3A_36 : i32
      %scan3A_38 = arith.constant 1 : i32
      scf.for %scan3A_45 = %scan3A_35 to %scan3A_37 step %scan3A_38  : i32 {
        %mul3A_46 = arith.constant 2 : i32
        %mul3A_47 = arith.muli %mul3A_46, %scan3A_45 : i32
        %add3A_48 = arith.constant 0 : i32
        %add3A_49 = arith.addi %mul3A_47, %add3A_48 : i32
        %dma_wait3A_50 = arith.constant 0 : i32
        %dma_wait3A_51 = tpu.memref_slice %arg3[%dma_wait3A_50] : memref<320000xi32, #tpu.memory_space<hbm>> -> memref<128xi32, #tpu.memory_space<hbm>>
        %dma_wait3A_52 = arith.constant 0 : i32
        %dma_wait3A_53 = tpu.memref_slice %arg3[%dma_wait3A_52] : memref<320000xi32, #tpu.memory_space<hbm>> -> memref<128xi32, #tpu.memory_space<hbm>>
        tpu.wait_dma2 semaphore(%arg16 : memref<!tpu.dma_semaphore, #tpu.memory_space<semaphore_mem>>) src(%dma_wait3A_53 : memref<128xi32, #tpu.memory_space<hbm>>) dst(%arg9 : memref<128xi32, #tpu.memory_space<vmem>>)
        %dma_wait3A_54 = arith.constant 0 : i32
        %dma_wait3A_55 = arith.constant 0 : i32
        %dma_wait3A_56 = tpu.memref_slice %arg2[%dma_wait3A_54, %dma_wait3A_55] : memref<320000x128xf32, #tpu.memory_space<hbm>> -> memref<128x128xf32, #tpu.memory_space<hbm>>
        %dma_wait3A_57 = arith.constant 0 : i32
        %dma_wait3A_58 = arith.constant 0 : i32
        %dma_wait3A_59 = tpu.memref_slice %arg2[%dma_wait3A_57, %dma_wait3A_58] : memref<320000x128xf32, #tpu.memory_space<hbm>> -> memref<128x128xf32, #tpu.memory_space<hbm>>
        tpu.wait_dma2 semaphore(%arg16 : memref<!tpu.dma_semaphore, #tpu.memory_space<semaphore_mem>>) src(%dma_wait3A_59 : memref<128x128xf32, #tpu.memory_space<hbm>>) dst(%arg11 : memref<128x128xf32, #tpu.memory_space<vmem>>)
        %dma_start3A_60 = arith.constant 0 : i32
        %dma_start3A_61 = arith.constant 0 : i32
        %dma_start3A_62 = tpu.memref_slice %arg15[%dma_start3A_60, %dma_start3A_61] : memref<10000x128xf32, #tpu.memory_space<vmem_shared>> -> memref<10000x128xf32, #tpu.memory_space<vmem_shared>>
        tpu.enqueue_indirect_dma source(%arg11 : memref<128x128xf32, #tpu.memory_space<vmem>>) target(%dma_start3A_62 : memref<10000x128xf32, #tpu.memory_space<vmem_shared>>) offsets(%arg9 : memref<128xi32, #tpu.memory_space<vmem>>) semaphore(%arg18 : memref<!tpu.dma_semaphore, #tpu.memory_space<semaphore_mem>>) {add = true}
        %ge3A = arith.constant 1 : i32
        %ge3A_63 = arith.cmpi sge, %add3A_49, %ge3A : i32
        %convert_element_type3A_64 = arith.extui %ge3A_63 : i1 to i32
        %cond3A_65 = arith.constant 0 : i32
        %cond3A_66 = arith.cmpi ne, %convert_element_type3A_64, %cond3A_65 : i32
        scf.if %cond3A_66 {
          %dma_wait3A_102 = arith.constant 0 : i32
          %dma_wait3A_103 = arith.constant 0 : i32
          %dma_wait3A_104 = tpu.memref_slice %arg15[%dma_wait3A_102, %dma_wait3A_103] : memref<10000x128xf32, #tpu.memory_space<vmem_shared>> -> memref<10000x128xf32, #tpu.memory_space<vmem_shared>>
          tpu.wait_indirect_dma semaphore(%arg19 : memref<!tpu.dma_semaphore, #tpu.memory_space<semaphore_mem>>) src(%arg12 : memref<128x128xf32, #tpu.memory_space<vmem>>) dst(%dma_wait3A_104 : memref<10000x128xf32, #tpu.memory_space<vmem_shared>>)
        } else {
        }
        %add3A_67 = arith.constant 1 : i32
        %add3A_68 = arith.addi %add3A_49, %add3A_67 : i32
        %le3A = arith.constant 155 : i32
        %le3A_69 = arith.cmpi sle, %add3A_68, %le3A : i32
        %convert_element_type3A_70 = arith.extui %le3A_69 : i1 to i32
        %cond3A_71 = arith.constant 0 : i32
        %cond3A_72 = arith.cmpi ne, %convert_element_type3A_70, %cond3A_71 : i32
        scf.if %cond3A_72 {
          %mul3A_102 = arith.constant 128 : i32
          %mul3A_103 = arith.muli %add3A_68, %mul3A_102 : i32
          %add3A_104 = arith.addi %mul3A_28, %mul3A_103 : i32
          %multiple_of3A_105 = tpu.assume_multiple %add3A_104, 8 : i32
          %dma_start3A_106 = tpu.memref_slice %arg3[%multiple_of3A_105] : memref<320000xi32, #tpu.memory_space<hbm>> -> memref<128xi32, #tpu.memory_space<hbm>>
          %dma_start3A_107 = tpu.memref_slice %arg3[%multiple_of3A_105] : memref<320000xi32, #tpu.memory_space<hbm>> -> memref<128xi32, #tpu.memory_space<hbm>>
          tpu.enqueue_dma source(%dma_start3A_107 : memref<128xi32, #tpu.memory_space<hbm>>) target(%arg10 : memref<128xi32, #tpu.memory_space<vmem>>) target_semaphore(%arg17 : memref<!tpu.dma_semaphore, #tpu.memory_space<semaphore_mem>>)
          %dma_start3A_108 = arith.constant 0 : i32
          %dma_start3A_109 = tpu.memref_slice %arg2[%multiple_of3A_105, %dma_start3A_108] : memref<320000x128xf32, #tpu.memory_space<hbm>> -> memref<128x128xf32, #tpu.memory_space<hbm>>
          %dma_start3A_110 = arith.constant 0 : i32
          %dma_start3A_111 = tpu.memref_slice %arg2[%multiple_of3A_105, %dma_start3A_110] : memref<320000x128xf32, #tpu.memory_space<hbm>> -> memref<128x128xf32, #tpu.memory_space<hbm>>
          tpu.enqueue_dma source(%dma_start3A_111 : memref<128x128xf32, #tpu.memory_space<hbm>>) target(%arg12 : memref<128x128xf32, #tpu.memory_space<vmem>>) target_semaphore(%arg17 : memref<!tpu.dma_semaphore, #tpu.memory_space<semaphore_mem>>)
        } else {
        }
        %mul3A_73 = arith.constant 2 : i32
        %mul3A_74 = arith.muli %mul3A_73, %scan3A_45 : i32
        %add3A_75 = arith.constant 1 : i32
        %add3A_76 = arith.addi %mul3A_74, %add3A_75 : i32
        %dma_wait3A_77 = arith.constant 0 : i32
        %dma_wait3A_78 = tpu.memref_slice %arg3[%dma_wait3A_77] : memref<320000xi32, #tpu.memory_space<hbm>> -> memref<128xi32, #tpu.memory_space<hbm>>
        %dma_wait3A_79 = arith.constant 0 : i32
        %dma_wait3A_80 = tpu.memref_slice %arg3[%dma_wait3A_79] : memref<320000xi32, #tpu.memory_space<hbm>> -> memref<128xi32, #tpu.memory_space<hbm>>
        tpu.wait_dma2 semaphore(%arg17 : memref<!tpu.dma_semaphore, #tpu.memory_space<semaphore_mem>>) src(%dma_wait3A_80 : memref<128xi32, #tpu.memory_space<hbm>>) dst(%arg10 : memref<128xi32, #tpu.memory_space<vmem>>)
        %dma_wait3A_81 = arith.constant 0 : i32
        %dma_wait3A_82 = arith.constant 0 : i32
        %dma_wait3A_83 = tpu.memref_slice %arg2[%dma_wait3A_81, %dma_wait3A_82] : memref<320000x128xf32, #tpu.memory_space<hbm>> -> memref<128x128xf32, #tpu.memory_space<hbm>>
        %dma_wait3A_84 = arith.constant 0 : i32
        %dma_wait3A_85 = arith.constant 0 : i32
        %dma_wait3A_86 = tpu.memref_slice %arg2[%dma_wait3A_84, %dma_wait3A_85] : memref<320000x128xf32, #tpu.memory_space<hbm>> -> memref<128x128xf32, #tpu.memory_space<hbm>>
        tpu.wait_dma2 semaphore(%arg17 : memref<!tpu.dma_semaphore, #tpu.memory_space<semaphore_mem>>) src(%dma_wait3A_86 : memref<128x128xf32, #tpu.memory_space<hbm>>) dst(%arg12 : memref<128x128xf32, #tpu.memory_space<vmem>>)
        %dma_start3A_87 = arith.constant 0 : i32
        %dma_start3A_88 = arith.constant 0 : i32
        %dma_start3A_89 = tpu.memref_slice %arg15[%dma_start3A_87, %dma_start3A_88] : memref<10000x128xf32, #tpu.memory_space<vmem_shared>> -> memref<10000x128xf32, #tpu.memory_space<vmem_shared>>
        tpu.enqueue_indirect_dma source(%arg12 : memref<128x128xf32, #tpu.memory_space<vmem>>) target(%dma_start3A_89 : memref<10000x128xf32, #tpu.memory_space<vmem_shared>>) offsets(%arg10 : memref<128xi32, #tpu.memory_space<vmem>>) semaphore(%arg19 : memref<!tpu.dma_semaphore, #tpu.memory_space<semaphore_mem>>) {add = true}
        %ge3A_90 = arith.constant 1 : i32
        %ge3A_91 = arith.cmpi sge, %add3A_76, %ge3A_90 : i32
        %convert_element_type3A_92 = arith.extui %ge3A_91 : i1 to i32
        %cond3A_93 = arith.constant 0 : i32
        %cond3A_94 = arith.cmpi ne, %convert_element_type3A_92, %cond3A_93 : i32
        scf.if %cond3A_94 {
          %dma_wait3A_102 = arith.constant 0 : i32
          %dma_wait3A_103 = arith.constant 0 : i32
          %dma_wait3A_104 = tpu.memref_slice %arg15[%dma_wait3A_102, %dma_wait3A_103] : memref<10000x128xf32, #tpu.memory_space<vmem_shared>> -> memref<10000x128xf32, #tpu.memory_space<vmem_shared>>
          tpu.wait_indirect_dma semaphore(%arg18 : memref<!tpu.dma_semaphore, #tpu.memory_space<semaphore_mem>>) src(%arg11 : memref<128x128xf32, #tpu.memory_space<vmem>>) dst(%dma_wait3A_104 : memref<10000x128xf32, #tpu.memory_space<vmem_shared>>)
        } else {
        }
        %add3A_95 = arith.constant 1 : i32
        %add3A_96 = arith.addi %add3A_76, %add3A_95 : i32
        %le3A_97 = arith.constant 155 : i32
        %le3A_98 = arith.cmpi sle, %add3A_96, %le3A_97 : i32
        %convert_element_type3A_99 = arith.extui %le3A_98 : i1 to i32
        %cond3A_100 = arith.constant 0 : i32
        %cond3A_101 = arith.cmpi ne, %convert_element_type3A_99, %cond3A_100 : i32
        scf.if %cond3A_101 {
          %mul3A_102 = arith.constant 128 : i32
          %mul3A_103 = arith.muli %add3A_96, %mul3A_102 : i32
          %add3A_104 = arith.addi %mul3A_28, %mul3A_103 : i32
          %multiple_of3A_105 = tpu.assume_multiple %add3A_104, 8 : i32
          %dma_start3A_106 = tpu.memref_slice %arg3[%multiple_of3A_105] : memref<320000xi32, #tpu.memory_space<hbm>> -> memref<128xi32, #tpu.memory_space<hbm>>
          %dma_start3A_107 = tpu.memref_slice %arg3[%multiple_of3A_105] : memref<320000xi32, #tpu.memory_space<hbm>> -> memref<128xi32, #tpu.memory_space<hbm>>
          tpu.enqueue_dma source(%dma_start3A_107 : memref<128xi32, #tpu.memory_space<hbm>>) target(%arg9 : memref<128xi32, #tpu.memory_space<vmem>>) target_semaphore(%arg16 : memref<!tpu.dma_semaphore, #tpu.memory_space<semaphore_mem>>)
          %dma_start3A_108 = arith.constant 0 : i32
          %dma_start3A_109 = tpu.memref_slice %arg2[%multiple_of3A_105, %dma_start3A_108] : memref<320000x128xf32, #tpu.memory_space<hbm>> -> memref<128x128xf32, #tpu.memory_space<hbm>>
          %dma_start3A_110 = arith.constant 0 : i32
          %dma_start3A_111 = tpu.memref_slice %arg2[%multiple_of3A_105, %dma_start3A_110] : memref<320000x128xf32, #tpu.memory_space<hbm>> -> memref<128x128xf32, #tpu.memory_space<hbm>>
          tpu.enqueue_dma source(%dma_start3A_111 : memref<128x128xf32, #tpu.memory_space<hbm>>) target(%arg11 : memref<128x128xf32, #tpu.memory_space<vmem>>) target_semaphore(%arg16 : memref<!tpu.dma_semaphore, #tpu.memory_space<semaphore_mem>>)
        } else {
        }
      }
      %scan3A_39 = arith.constant 78 : i32
      %dma_wait3A = arith.constant 0 : i32
      %dma_wait3A_40 = arith.constant 0 : i32
      %dma_wait3A_41 = tpu.memref_slice %arg15[%dma_wait3A, %dma_wait3A_40] : memref<10000x128xf32, #tpu.memory_space<vmem_shared>> -> memref<10000x128xf32, #tpu.memory_space<vmem_shared>>
      tpu.wait_indirect_dma semaphore(%arg19 : memref<!tpu.dma_semaphore, #tpu.memory_space<semaphore_mem>>) src(%arg12 : memref<128x128xf32, #tpu.memory_space<vmem>>) dst(%dma_wait3A_41 : memref<10000x128xf32, #tpu.memory_space<vmem_shared>>)
      %add3A_42 = arith.constant 19968 : i32
      %add3A_43 = arith.addi %mul3A_28, %add3A_42 : i32
      %multiple_of3A_44 = tpu.assume_multiple %add3A_43, 8 : i32
      "tpu.region"() ({
        %run_scoped3A = tpu.sem_alloc : memref<!tpu.dma_semaphore, #tpu.memory_space<semaphore_mem>>
        %dma_start3A_45 = tpu.memref_slice %arg3[%multiple_of3A_44] : memref<320000xi32, #tpu.memory_space<hbm>> -> memref<32xi32, #tpu.memory_space<hbm>>
        %dma_start3A_46 = tpu.memref_slice %arg3[%multiple_of3A_44] : memref<320000xi32, #tpu.memory_space<hbm>> -> memref<32xi32, #tpu.memory_space<hbm>>
        tpu.enqueue_dma source(%dma_start3A_46 : memref<32xi32, #tpu.memory_space<hbm>>) target(%arg13 : memref<32xi32, #tpu.memory_space<vmem>>) target_semaphore(%run_scoped3A : memref<!tpu.dma_semaphore, #tpu.memory_space<semaphore_mem>>)
        %dma_wait3A_47 = tpu.memref_slice %arg3[%multiple_of3A_44] : memref<320000xi32, #tpu.memory_space<hbm>> -> memref<32xi32, #tpu.memory_space<hbm>>
        %dma_wait3A_48 = tpu.memref_slice %arg3[%multiple_of3A_44] : memref<320000xi32, #tpu.memory_space<hbm>> -> memref<32xi32, #tpu.memory_space<hbm>>
        tpu.wait_dma2 semaphore(%run_scoped3A : memref<!tpu.dma_semaphore, #tpu.memory_space<semaphore_mem>>) src(%dma_wait3A_48 : memref<32xi32, #tpu.memory_space<hbm>>) dst(%arg13 : memref<32xi32, #tpu.memory_space<vmem>>)
        tpu.yield
      }) : () -> ()
      "tpu.region"() ({
        %run_scoped3A = tpu.sem_alloc : memref<!tpu.dma_semaphore, #tpu.memory_space<semaphore_mem>>
        %dma_start3A_45 = arith.constant 0 : i32
        %dma_start3A_46 = tpu.memref_slice %arg2[%multiple_of3A_44, %dma_start3A_45] : memref<320000x128xf32, #tpu.memory_space<hbm>> -> memref<32x128xf32, #tpu.memory_space<hbm>>
        %dma_start3A_47 = arith.constant 0 : i32
        %dma_start3A_48 = tpu.memref_slice %arg2[%multiple_of3A_44, %dma_start3A_47] : memref<320000x128xf32, #tpu.memory_space<hbm>> -> memref<32x128xf32, #tpu.memory_space<hbm>>
        tpu.enqueue_dma source(%dma_start3A_48 : memref<32x128xf32, #tpu.memory_space<hbm>>) target(%arg14 : memref<32x128xf32, #tpu.memory_space<vmem>>) target_semaphore(%run_scoped3A : memref<!tpu.dma_semaphore, #tpu.memory_space<semaphore_mem>>)
        %dma_wait3A_49 = arith.constant 0 : i32
        %dma_wait3A_50 = tpu.memref_slice %arg2[%multiple_of3A_44, %dma_wait3A_49] : memref<320000x128xf32, #tpu.memory_space<hbm>> -> memref<32x128xf32, #tpu.memory_space<hbm>>
        %dma_wait3A_51 = arith.constant 0 : i32
        %dma_wait3A_52 = tpu.memref_slice %arg2[%multiple_of3A_44, %dma_wait3A_51] : memref<320000x128xf32, #tpu.memory_space<hbm>> -> memref<32x128xf32, #tpu.memory_space<hbm>>
        tpu.wait_dma2 semaphore(%run_scoped3A : memref<!tpu.dma_semaphore, #tpu.memory_space<semaphore_mem>>) src(%dma_wait3A_52 : memref<32x128xf32, #tpu.memory_space<hbm>>) dst(%arg14 : memref<32x128xf32, #tpu.memory_space<vmem>>)
        tpu.yield
      }) : () -> ()
      "tpu.region"() ({
        %run_scoped3A = tpu.sem_alloc : memref<!tpu.dma_semaphore, #tpu.memory_space<semaphore_mem>>
        %dma_start3A_45 = arith.constant 0 : i32
        %dma_start3A_46 = arith.constant 0 : i32
        %dma_start3A_47 = tpu.memref_slice %arg15[%dma_start3A_45, %dma_start3A_46] : memref<10000x128xf32, #tpu.memory_space<vmem_shared>> -> memref<10000x128xf32, #tpu.memory_space<vmem_shared>>
        tpu.enqueue_indirect_dma source(%arg14 : memref<32x128xf32, #tpu.memory_space<vmem>>) target(%dma_start3A_47 : memref<10000x128xf32, #tpu.memory_space<vmem_shared>>) offsets(%arg13 : memref<32xi32, #tpu.memory_space<vmem>>) semaphore(%run_scoped3A : memref<!tpu.dma_semaphore, #tpu.memory_space<semaphore_mem>>) {add = true}
        %dma_wait3A_48 = arith.constant 0 : i32
        %dma_wait3A_49 = arith.constant 0 : i32
        %dma_wait3A_50 = tpu.memref_slice %arg15[%dma_wait3A_48, %dma_wait3A_49] : memref<10000x128xf32, #tpu.memory_space<vmem_shared>> -> memref<10000x128xf32, #tpu.memory_space<vmem_shared>>
        tpu.wait_indirect_dma semaphore(%run_scoped3A : memref<!tpu.dma_semaphore, #tpu.memory_space<semaphore_mem>>) src(%arg14 : memref<32x128xf32, #tpu.memory_space<vmem>>) dst(%dma_wait3A_50 : memref<10000x128xf32, #tpu.memory_space<vmem_shared>>)
        tpu.yield
      }) : () -> ()
    } else {
    }
    %eq3A_7 = arith.constant 1 : i32
    %eq3A_8 = arith.cmpi eq, %arg0, %eq3A_7 : i32
    %convert_element_type3A_9 = arith.extui %eq3A_8 : i1 to i32
    %cond3A_10 = arith.constant 0 : i32
    %cond3A_11 = arith.cmpi ne, %convert_element_type3A_9, %cond3A_10 : i32
    scf.if %cond3A_11 {
      %mul3A = arith.constant 20000 : i32
      %mul3A_28 = arith.muli %arg1, %mul3A : i32
      %add3A = arith.constant 0 : i32
      %add3A_29 = arith.addi %mul3A_28, %add3A : i32
      %multiple_of3A = tpu.assume_multiple %add3A_29, 8 : i32
      %dma_start3A = tpu.memref_slice %arg5[%multiple_of3A] : memref<320000xi32, #tpu.memory_space<hbm>> -> memref<128xi32, #tpu.memory_space<hbm>>
      %dma_start3A_30 = tpu.memref_slice %arg5[%multiple_of3A] : memref<320000xi32, #tpu.memory_space<hbm>> -> memref<128xi32, #tpu.memory_space<hbm>>
      tpu.enqueue_dma source(%dma_start3A_30 : memref<128xi32, #tpu.memory_space<hbm>>) target(%arg9 : memref<128xi32, #tpu.memory_space<vmem>>) target_semaphore(%arg16 : memref<!tpu.dma_semaphore, #tpu.memory_space<semaphore_mem>>)
      %dma_start3A_31 = arith.constant 0 : i32
      %dma_start3A_32 = tpu.memref_slice %arg4[%multiple_of3A, %dma_start3A_31] : memref<320000x128xf32, #tpu.memory_space<hbm>> -> memref<128x128xf32, #tpu.memory_space<hbm>>
      %dma_start3A_33 = arith.constant 0 : i32
      %dma_start3A_34 = tpu.memref_slice %arg4[%multiple_of3A, %dma_start3A_33] : memref<320000x128xf32, #tpu.memory_space<hbm>> -> memref<128x128xf32, #tpu.memory_space<hbm>>
      tpu.enqueue_dma source(%dma_start3A_34 : memref<128x128xf32, #tpu.memory_space<hbm>>) target(%arg11 : memref<128x128xf32, #tpu.memory_space<vmem>>) target_semaphore(%arg16 : memref<!tpu.dma_semaphore, #tpu.memory_space<semaphore_mem>>)
      %scan3A = arith.constant 0 : i32
      %scan3A_35 = arith.constant 0 : i32
      %scan3A_36 = arith.constant 78 : i32
      %scan3A_37 = arith.addi %scan3A_35, %scan3A_36 : i32
      %scan3A_38 = arith.constant 1 : i32
      scf.for %scan3A_45 = %scan3A_35 to %scan3A_37 step %scan3A_38  : i32 {
        %mul3A_46 = arith.constant 2 : i32
        %mul3A_47 = arith.muli %mul3A_46, %scan3A_45 : i32
        %add3A_48 = arith.constant 0 : i32
        %add3A_49 = arith.addi %mul3A_47, %add3A_48 : i32
        %dma_wait3A_50 = arith.constant 0 : i32
        %dma_wait3A_51 = tpu.memref_slice %arg5[%dma_wait3A_50] : memref<320000xi32, #tpu.memory_space<hbm>> -> memref<128xi32, #tpu.memory_space<hbm>>
        %dma_wait3A_52 = arith.constant 0 : i32
        %dma_wait3A_53 = tpu.memref_slice %arg5[%dma_wait3A_52] : memref<320000xi32, #tpu.memory_space<hbm>> -> memref<128xi32, #tpu.memory_space<hbm>>
        tpu.wait_dma2 semaphore(%arg16 : memref<!tpu.dma_semaphore, #tpu.memory_space<semaphore_mem>>) src(%dma_wait3A_53 : memref<128xi32, #tpu.memory_space<hbm>>) dst(%arg9 : memref<128xi32, #tpu.memory_space<vmem>>)
        %dma_wait3A_54 = arith.constant 0 : i32
        %dma_wait3A_55 = arith.constant 0 : i32
        %dma_wait3A_56 = tpu.memref_slice %arg4[%dma_wait3A_54, %dma_wait3A_55] : memref<320000x128xf32, #tpu.memory_space<hbm>> -> memref<128x128xf32, #tpu.memory_space<hbm>>
        %dma_wait3A_57 = arith.constant 0 : i32
        %dma_wait3A_58 = arith.constant 0 : i32
        %dma_wait3A_59 = tpu.memref_slice %arg4[%dma_wait3A_57, %dma_wait3A_58] : memref<320000x128xf32, #tpu.memory_space<hbm>> -> memref<128x128xf32, #tpu.memory_space<hbm>>
        tpu.wait_dma2 semaphore(%arg16 : memref<!tpu.dma_semaphore, #tpu.memory_space<semaphore_mem>>) src(%dma_wait3A_59 : memref<128x128xf32, #tpu.memory_space<hbm>>) dst(%arg11 : memref<128x128xf32, #tpu.memory_space<vmem>>)
        %dma_start3A_60 = arith.constant 0 : i32
        %dma_start3A_61 = arith.constant 0 : i32
        %dma_start3A_62 = tpu.memref_slice %arg15[%dma_start3A_60, %dma_start3A_61] : memref<10000x128xf32, #tpu.memory_space<vmem_shared>> -> memref<10000x128xf32, #tpu.memory_space<vmem_shared>>
        tpu.enqueue_indirect_dma source(%arg11 : memref<128x128xf32, #tpu.memory_space<vmem>>) target(%dma_start3A_62 : memref<10000x128xf32, #tpu.memory_space<vmem_shared>>) offsets(%arg9 : memref<128xi32, #tpu.memory_space<vmem>>) semaphore(%arg18 : memref<!tpu.dma_semaphore, #tpu.memory_space<semaphore_mem>>) {add = true}
        %ge3A = arith.constant 1 : i32
        %ge3A_63 = arith.cmpi sge, %add3A_49, %ge3A : i32
        %convert_element_type3A_64 = arith.extui %ge3A_63 : i1 to i32
        %cond3A_65 = arith.constant 0 : i32
        %cond3A_66 = arith.cmpi ne, %convert_element_type3A_64, %cond3A_65 : i32
        scf.if %cond3A_66 {
          %dma_wait3A_102 = arith.constant 0 : i32
          %dma_wait3A_103 = arith.constant 0 : i32
          %dma_wait3A_104 = tpu.memref_slice %arg15[%dma_wait3A_102, %dma_wait3A_103] : memref<10000x128xf32, #tpu.memory_space<vmem_shared>> -> memref<10000x128xf32, #tpu.memory_space<vmem_shared>>
          tpu.wait_indirect_dma semaphore(%arg19 : memref<!tpu.dma_semaphore, #tpu.memory_space<semaphore_mem>>) src(%arg12 : memref<128x128xf32, #tpu.memory_space<vmem>>) dst(%dma_wait3A_104 : memref<10000x128xf32, #tpu.memory_space<vmem_shared>>)
        } else {
        }
        %add3A_67 = arith.constant 1 : i32
        %add3A_68 = arith.addi %add3A_49, %add3A_67 : i32
        %le3A = arith.constant 155 : i32
        %le3A_69 = arith.cmpi sle, %add3A_68, %le3A : i32
        %convert_element_type3A_70 = arith.extui %le3A_69 : i1 to i32
        %cond3A_71 = arith.constant 0 : i32
        %cond3A_72 = arith.cmpi ne, %convert_element_type3A_70, %cond3A_71 : i32
        scf.if %cond3A_72 {
          %mul3A_102 = arith.constant 128 : i32
          %mul3A_103 = arith.muli %add3A_68, %mul3A_102 : i32
          %add3A_104 = arith.addi %mul3A_28, %mul3A_103 : i32
          %multiple_of3A_105 = tpu.assume_multiple %add3A_104, 8 : i32
          %dma_start3A_106 = tpu.memref_slice %arg5[%multiple_of3A_105] : memref<320000xi32, #tpu.memory_space<hbm>> -> memref<128xi32, #tpu.memory_space<hbm>>
          %dma_start3A_107 = tpu.memref_slice %arg5[%multiple_of3A_105] : memref<320000xi32, #tpu.memory_space<hbm>> -> memref<128xi32, #tpu.memory_space<hbm>>
          tpu.enqueue_dma source(%dma_start3A_107 : memref<128xi32, #tpu.memory_space<hbm>>) target(%arg10 : memref<128xi32, #tpu.memory_space<vmem>>) target_semaphore(%arg17 : memref<!tpu.dma_semaphore, #tpu.memory_space<semaphore_mem>>)
          %dma_start3A_108 = arith.constant 0 : i32
          %dma_start3A_109 = tpu.memref_slice %arg4[%multiple_of3A_105, %dma_start3A_108] : memref<320000x128xf32, #tpu.memory_space<hbm>> -> memref<128x128xf32, #tpu.memory_space<hbm>>
          %dma_start3A_110 = arith.constant 0 : i32
          %dma_start3A_111 = tpu.memref_slice %arg4[%multiple_of3A_105, %dma_start3A_110] : memref<320000x128xf32, #tpu.memory_space<hbm>> -> memref<128x128xf32, #tpu.memory_space<hbm>>
          tpu.enqueue_dma source(%dma_start3A_111 : memref<128x128xf32, #tpu.memory_space<hbm>>) target(%arg12 : memref<128x128xf32, #tpu.memory_space<vmem>>) target_semaphore(%arg17 : memref<!tpu.dma_semaphore, #tpu.memory_space<semaphore_mem>>)
        } else {
        }
        %mul3A_73 = arith.constant 2 : i32
        %mul3A_74 = arith.muli %mul3A_73, %scan3A_45 : i32
        %add3A_75 = arith.constant 1 : i32
        %add3A_76 = arith.addi %mul3A_74, %add3A_75 : i32
        %dma_wait3A_77 = arith.constant 0 : i32
        %dma_wait3A_78 = tpu.memref_slice %arg5[%dma_wait3A_77] : memref<320000xi32, #tpu.memory_space<hbm>> -> memref<128xi32, #tpu.memory_space<hbm>>
        %dma_wait3A_79 = arith.constant 0 : i32
        %dma_wait3A_80 = tpu.memref_slice %arg5[%dma_wait3A_79] : memref<320000xi32, #tpu.memory_space<hbm>> -> memref<128xi32, #tpu.memory_space<hbm>>
        tpu.wait_dma2 semaphore(%arg17 : memref<!tpu.dma_semaphore, #tpu.memory_space<semaphore_mem>>) src(%dma_wait3A_80 : memref<128xi32, #tpu.memory_space<hbm>>) dst(%arg10 : memref<128xi32, #tpu.memory_space<vmem>>)
        %dma_wait3A_81 = arith.constant 0 : i32
        %dma_wait3A_82 = arith.constant 0 : i32
        %dma_wait3A_83 = tpu.memref_slice %arg4[%dma_wait3A_81, %dma_wait3A_82] : memref<320000x128xf32, #tpu.memory_space<hbm>> -> memref<128x128xf32, #tpu.memory_space<hbm>>
        %dma_wait3A_84 = arith.constant 0 : i32
        %dma_wait3A_85 = arith.constant 0 : i32
        %dma_wait3A_86 = tpu.memref_slice %arg4[%dma_wait3A_84, %dma_wait3A_85] : memref<320000x128xf32, #tpu.memory_space<hbm>> -> memref<128x128xf32, #tpu.memory_space<hbm>>
        tpu.wait_dma2 semaphore(%arg17 : memref<!tpu.dma_semaphore, #tpu.memory_space<semaphore_mem>>) src(%dma_wait3A_86 : memref<128x128xf32, #tpu.memory_space<hbm>>) dst(%arg12 : memref<128x128xf32, #tpu.memory_space<vmem>>)
        %dma_start3A_87 = arith.constant 0 : i32
        %dma_start3A_88 = arith.constant 0 : i32
        %dma_start3A_89 = tpu.memref_slice %arg15[%dma_start3A_87, %dma_start3A_88] : memref<10000x128xf32, #tpu.memory_space<vmem_shared>> -> memref<10000x128xf32, #tpu.memory_space<vmem_shared>>
        tpu.enqueue_indirect_dma source(%arg12 : memref<128x128xf32, #tpu.memory_space<vmem>>) target(%dma_start3A_89 : memref<10000x128xf32, #tpu.memory_space<vmem_shared>>) offsets(%arg10 : memref<128xi32, #tpu.memory_space<vmem>>) semaphore(%arg19 : memref<!tpu.dma_semaphore, #tpu.memory_space<semaphore_mem>>) {add = true}
        %ge3A_90 = arith.constant 1 : i32
        %ge3A_91 = arith.cmpi sge, %add3A_76, %ge3A_90 : i32
        %convert_element_type3A_92 = arith.extui %ge3A_91 : i1 to i32
        %cond3A_93 = arith.constant 0 : i32
        %cond3A_94 = arith.cmpi ne, %convert_element_type3A_92, %cond3A_93 : i32
        scf.if %cond3A_94 {
          %dma_wait3A_102 = arith.constant 0 : i32
          %dma_wait3A_103 = arith.constant 0 : i32
          %dma_wait3A_104 = tpu.memref_slice %arg15[%dma_wait3A_102, %dma_wait3A_103] : memref<10000x128xf32, #tpu.memory_space<vmem_shared>> -> memref<10000x128xf32, #tpu.memory_space<vmem_shared>>
          tpu.wait_indirect_dma semaphore(%arg18 : memref<!tpu.dma_semaphore, #tpu.memory_space<semaphore_mem>>) src(%arg11 : memref<128x128xf32, #tpu.memory_space<vmem>>) dst(%dma_wait3A_104 : memref<10000x128xf32, #tpu.memory_space<vmem_shared>>)
        } else {
        }
        %add3A_95 = arith.constant 1 : i32
        %add3A_96 = arith.addi %add3A_76, %add3A_95 : i32
        %le3A_97 = arith.constant 155 : i32
        %le3A_98 = arith.cmpi sle, %add3A_96, %le3A_97 : i32
        %convert_element_type3A_99 = arith.extui %le3A_98 : i1 to i32
        %cond3A_100 = arith.constant 0 : i32
        %cond3A_101 = arith.cmpi ne, %convert_element_type3A_99, %cond3A_100 : i32
        scf.if %cond3A_101 {
          %mul3A_102 = arith.constant 128 : i32
          %mul3A_103 = arith.muli %add3A_96, %mul3A_102 : i32
          %add3A_104 = arith.addi %mul3A_28, %mul3A_103 : i32
          %multiple_of3A_105 = tpu.assume_multiple %add3A_104, 8 : i32
          %dma_start3A_106 = tpu.memref_slice %arg5[%multiple_of3A_105] : memref<320000xi32, #tpu.memory_space<hbm>> -> memref<128xi32, #tpu.memory_space<hbm>>
          %dma_start3A_107 = tpu.memref_slice %arg5[%multiple_of3A_105] : memref<320000xi32, #tpu.memory_space<hbm>> -> memref<128xi32, #tpu.memory_space<hbm>>
          tpu.enqueue_dma source(%dma_start3A_107 : memref<128xi32, #tpu.memory_space<hbm>>) target(%arg9 : memref<128xi32, #tpu.memory_space<vmem>>) target_semaphore(%arg16 : memref<!tpu.dma_semaphore, #tpu.memory_space<semaphore_mem>>)
          %dma_start3A_108 = arith.constant 0 : i32
          %dma_start3A_109 = tpu.memref_slice %arg4[%multiple_of3A_105, %dma_start3A_108] : memref<320000x128xf32, #tpu.memory_space<hbm>> -> memref<128x128xf32, #tpu.memory_space<hbm>>
          %dma_start3A_110 = arith.constant 0 : i32
          %dma_start3A_111 = tpu.memref_slice %arg4[%multiple_of3A_105, %dma_start3A_110] : memref<320000x128xf32, #tpu.memory_space<hbm>> -> memref<128x128xf32, #tpu.memory_space<hbm>>
          tpu.enqueue_dma source(%dma_start3A_111 : memref<128x128xf32, #tpu.memory_space<hbm>>) target(%arg11 : memref<128x128xf32, #tpu.memory_space<vmem>>) target_semaphore(%arg16 : memref<!tpu.dma_semaphore, #tpu.memory_space<semaphore_mem>>)
        } else {
        }
      }
      %scan3A_39 = arith.constant 78 : i32
      %dma_wait3A = arith.constant 0 : i32
      %dma_wait3A_40 = arith.constant 0 : i32
      %dma_wait3A_41 = tpu.memref_slice %arg15[%dma_wait3A, %dma_wait3A_40] : memref<10000x128xf32, #tpu.memory_space<vmem_shared>> -> memref<10000x128xf32, #tpu.memory_space<vmem_shared>>
      tpu.wait_indirect_dma semaphore(%arg19 : memref<!tpu.dma_semaphore, #tpu.memory_space<semaphore_mem>>) src(%arg12 : memref<128x128xf32, #tpu.memory_space<vmem>>) dst(%dma_wait3A_41 : memref<10000x128xf32, #tpu.memory_space<vmem_shared>>)
      %add3A_42 = arith.constant 19968 : i32
      %add3A_43 = arith.addi %mul3A_28, %add3A_42 : i32
      %multiple_of3A_44 = tpu.assume_multiple %add3A_43, 8 : i32
      "tpu.region"() ({
        %run_scoped3A = tpu.sem_alloc : memref<!tpu.dma_semaphore, #tpu.memory_space<semaphore_mem>>
        %dma_start3A_45 = tpu.memref_slice %arg5[%multiple_of3A_44] : memref<320000xi32, #tpu.memory_space<hbm>> -> memref<32xi32, #tpu.memory_space<hbm>>
        %dma_start3A_46 = tpu.memref_slice %arg5[%multiple_of3A_44] : memref<320000xi32, #tpu.memory_space<hbm>> -> memref<32xi32, #tpu.memory_space<hbm>>
        tpu.enqueue_dma source(%dma_start3A_46 : memref<32xi32, #tpu.memory_space<hbm>>) target(%arg13 : memref<32xi32, #tpu.memory_space<vmem>>) target_semaphore(%run_scoped3A : memref<!tpu.dma_semaphore, #tpu.memory_space<semaphore_mem>>)
        %dma_wait3A_47 = tpu.memref_slice %arg5[%multiple_of3A_44] : memref<320000xi32, #tpu.memory_space<hbm>> -> memref<32xi32, #tpu.memory_space<hbm>>
        %dma_wait3A_48 = tpu.memref_slice %arg5[%multiple_of3A_44] : memref<320000xi32, #tpu.memory_space<hbm>> -> memref<32xi32, #tpu.memory_space<hbm>>
        tpu.wait_dma2 semaphore(%run_scoped3A : memref<!tpu.dma_semaphore, #tpu.memory_space<semaphore_mem>>) src(%dma_wait3A_48 : memref<32xi32, #tpu.memory_space<hbm>>) dst(%arg13 : memref<32xi32, #tpu.memory_space<vmem>>)
        tpu.yield
      }) : () -> ()
      "tpu.region"() ({
        %run_scoped3A = tpu.sem_alloc : memref<!tpu.dma_semaphore, #tpu.memory_space<semaphore_mem>>
        %dma_start3A_45 = arith.constant 0 : i32
        %dma_start3A_46 = tpu.memref_slice %arg4[%multiple_of3A_44, %dma_start3A_45] : memref<320000x128xf32, #tpu.memory_space<hbm>> -> memref<32x128xf32, #tpu.memory_space<hbm>>
        %dma_start3A_47 = arith.constant 0 : i32
        %dma_start3A_48 = tpu.memref_slice %arg4[%multiple_of3A_44, %dma_start3A_47] : memref<320000x128xf32, #tpu.memory_space<hbm>> -> memref<32x128xf32, #tpu.memory_space<hbm>>
        tpu.enqueue_dma source(%dma_start3A_48 : memref<32x128xf32, #tpu.memory_space<hbm>>) target(%arg14 : memref<32x128xf32, #tpu.memory_space<vmem>>) target_semaphore(%run_scoped3A : memref<!tpu.dma_semaphore, #tpu.memory_space<semaphore_mem>>)
        %dma_wait3A_49 = arith.constant 0 : i32
        %dma_wait3A_50 = tpu.memref_slice %arg4[%multiple_of3A_44, %dma_wait3A_49] : memref<320000x128xf32, #tpu.memory_space<hbm>> -> memref<32x128xf32, #tpu.memory_space<hbm>>
        %dma_wait3A_51 = arith.constant 0 : i32
        %dma_wait3A_52 = tpu.memref_slice %arg4[%multiple_of3A_44, %dma_wait3A_51] : memref<320000x128xf32, #tpu.memory_space<hbm>> -> memref<32x128xf32, #tpu.memory_space<hbm>>
        tpu.wait_dma2 semaphore(%run_scoped3A : memref<!tpu.dma_semaphore, #tpu.memory_space<semaphore_mem>>) src(%dma_wait3A_52 : memref<32x128xf32, #tpu.memory_space<hbm>>) dst(%arg14 : memref<32x128xf32, #tpu.memory_space<vmem>>)
        tpu.yield
      }) : () -> ()
      "tpu.region"() ({
        %run_scoped3A = tpu.sem_alloc : memref<!tpu.dma_semaphore, #tpu.memory_space<semaphore_mem>>
        %dma_start3A_45 = arith.constant 0 : i32
        %dma_start3A_46 = arith.constant 0 : i32
        %dma_start3A_47 = tpu.memref_slice %arg15[%dma_start3A_45, %dma_start3A_46] : memref<10000x128xf32, #tpu.memory_space<vmem_shared>> -> memref<10000x128xf32, #tpu.memory_space<vmem_shared>>
        tpu.enqueue_indirect_dma source(%arg14 : memref<32x128xf32, #tpu.memory_space<vmem>>) target(%dma_start3A_47 : memref<10000x128xf32, #tpu.memory_space<vmem_shared>>) offsets(%arg13 : memref<32xi32, #tpu.memory_space<vmem>>) semaphore(%run_scoped3A : memref<!tpu.dma_semaphore, #tpu.memory_space<semaphore_mem>>) {add = true}
        %dma_wait3A_48 = arith.constant 0 : i32
        %dma_wait3A_49 = arith.constant 0 : i32
        %dma_wait3A_50 = tpu.memref_slice %arg15[%dma_wait3A_48, %dma_wait3A_49] : memref<10000x128xf32, #tpu.memory_space<vmem_shared>> -> memref<10000x128xf32, #tpu.memory_space<vmem_shared>>
        tpu.wait_indirect_dma semaphore(%run_scoped3A : memref<!tpu.dma_semaphore, #tpu.memory_space<semaphore_mem>>) src(%arg14 : memref<32x128xf32, #tpu.memory_space<vmem>>) dst(%dma_wait3A_50 : memref<10000x128xf32, #tpu.memory_space<vmem_shared>>)
        tpu.yield
      }) : () -> ()
    } else {
    }
    %barrier3A_12 = arith.constant 0 : index
    tpu.barrier barrier_id(%barrier3A_12)
    %eq3A_13 = arith.constant 0 : i32
    %eq3A_14 = arith.cmpi eq, %arg1, %eq3A_13 : i32
    %eq3A_15 = arith.constant 0 : i32
    %eq3A_16 = arith.cmpi eq, %arg0, %eq3A_15 : i32
    %and3A = arith.andi %eq3A_14, %eq3A_16 : i1
    %convert_element_type3A_17 = arith.extui %and3A : i1 to i32
    %cond3A_18 = arith.constant 0 : i32
    %cond3A_19 = arith.cmpi ne, %convert_element_type3A_17, %cond3A_18 : i32
    scf.if %cond3A_19 {
      "tpu.region"() ({
        %run_scoped3A = tpu.sem_alloc : memref<!tpu.dma_semaphore, #tpu.memory_space<semaphore_mem>>
        tpu.enqueue_dma source(%arg15 : memref<10000x128xf32, #tpu.memory_space<vmem_shared>>) target(%arg7 : memref<10000x128xf32, #tpu.memory_space<hbm>>) target_semaphore(%run_scoped3A : memref<!tpu.dma_semaphore, #tpu.memory_space<semaphore_mem>>)
        tpu.wait_dma2 semaphore(%run_scoped3A : memref<!tpu.dma_semaphore, #tpu.memory_space<semaphore_mem>>) src(%arg15 : memref<10000x128xf32, #tpu.memory_space<vmem_shared>>) dst(%arg7 : memref<10000x128xf32, #tpu.memory_space<hbm>>)
        tpu.yield
      }) : () -> ()
    } else {
    }
    %eq3A_20 = arith.constant 0 : i32
    %eq3A_21 = arith.cmpi eq, %arg1, %eq3A_20 : i32
    %eq3A_22 = arith.constant 1 : i32
    %eq3A_23 = arith.cmpi eq, %arg0, %eq3A_22 : i32
    %and3A_24 = arith.andi %eq3A_21, %eq3A_23 : i1
    %convert_element_type3A_25 = arith.extui %and3A_24 : i1 to i32
    %cond3A_26 = arith.constant 0 : i32
    %cond3A_27 = arith.cmpi ne, %convert_element_type3A_25, %cond3A_26 : i32
    scf.if %cond3A_27 {
      "tpu.region"() ({
        %run_scoped3A = tpu.sem_alloc : memref<!tpu.dma_semaphore, #tpu.memory_space<semaphore_mem>>
        tpu.enqueue_dma source(%arg15 : memref<10000x128xf32, #tpu.memory_space<vmem_shared>>) target(%arg8 : memref<10000x128xf32, #tpu.memory_space<hbm>>) target_semaphore(%run_scoped3A : memref<!tpu.dma_semaphore, #tpu.memory_space<semaphore_mem>>)
        tpu.wait_dma2 semaphore(%run_scoped3A : memref<!tpu.dma_semaphore, #tpu.memory_space<semaphore_mem>>) src(%arg15 : memref<10000x128xf32, #tpu.memory_space<vmem_shared>>) dst(%arg8 : memref<10000x128xf32, #tpu.memory_space<hbm>>)
        tpu.yield
      }) : () -> ()
    } else {
    }
    return
  }
}

#map = affine_map<(d0, d1) -> (0, 0)>
#map1 = affine_map<(d0, d1) -> (0)>
module attributes {stable_mosaic.version = 14 : i64} {
  func.func @_gather_body(%arg0: i32, %arg1: i32, %arg2: memref<10000x128xf32, #tpu.memory_space<hbm>>, %arg3: memref<10000x128xf32, #tpu.memory_space<hbm>>, %arg4: memref<320000xi32, #tpu.memory_space<hbm>>, %arg5: memref<320000xi32, #tpu.memory_space<hbm>>, %arg6: memref<320000x128xf32, #tpu.memory_space<hbm>>, %arg7: memref<320000x128xf32, #tpu.memory_space<hbm>>, %arg8: memref<128xi32, #tpu.memory_space<vmem>>, %arg9: memref<128xi32, #tpu.memory_space<vmem>>, %arg10: memref<128xi32, #tpu.memory_space<vmem>>, %arg11: memref<128x128xf32, #tpu.memory_space<vmem>>, %arg12: memref<128x128xf32, #tpu.memory_space<vmem>>, %arg13: memref<128x128xf32, #tpu.memory_space<vmem>>, %arg14: memref<16xi32, #tpu.memory_space<vmem>>, %arg15: memref<!tpu.dma_semaphore, #tpu.memory_space<semaphore_mem>>, %arg16: memref<!tpu.dma_semaphore, #tpu.memory_space<semaphore_mem>>, %arg17: memref<!tpu.dma_semaphore, #tpu.memory_space<semaphore_mem>>, %arg18: memref<!tpu.dma_semaphore, #tpu.memory_space<semaphore_mem>>, %arg19: memref<!tpu.dma_semaphore, #tpu.memory_space<semaphore_mem>>, %arg20: memref<!tpu.dma_semaphore, #tpu.memory_space<semaphore_mem>>, %arg21: memref<!tpu.dma_semaphore, #tpu.memory_space<semaphore_mem>>) attributes {dimension_semantics = [#tpu.dimension_semantics<core_parallel>, #tpu.dimension_semantics<subcore_parallel>], iteration_bounds = array<i64: 2, 16>, scalar_prefetch = 0 : i64, scratch_operands = 14 : i64, tpu.core_type = #tpu.core_type<sc_vector_subcore>, window_params = [{transform_indices = #map}, {transform_indices = #map}, {transform_indices = #map1}, {transform_indices = #map1}, {transform_indices = #map}, {transform_indices = #map}]} {
    %mul3A = arith.constant 2 : i32
    %mul3A_0 = arith.muli %arg1, %mul3A : i32
    %add3A = arith.addi %mul3A_0, %arg0 : i32
    %mul3A_1 = arith.constant 10000 : i32
    %mul3A_2 = arith.muli %add3A, %mul3A_1 : i32
    %add3A_3 = arith.constant 0 : i32
    %add3A_4 = arith.addi %mul3A_2, %add3A_3 : i32
    %multiple_of3A = tpu.assume_multiple %add3A_4, 8 : i32
    %dma_start3A = tpu.memref_slice %arg4[%multiple_of3A] : memref<320000xi32, #tpu.memory_space<hbm>> -> memref<128xi32, #tpu.memory_space<hbm>>
    %dma_start3A_5 = tpu.memref_slice %arg4[%multiple_of3A] : memref<320000xi32, #tpu.memory_space<hbm>> -> memref<128xi32, #tpu.memory_space<hbm>>
    tpu.enqueue_dma source(%dma_start3A_5 : memref<128xi32, #tpu.memory_space<hbm>>) target(%arg8 : memref<128xi32, #tpu.memory_space<vmem>>) target_semaphore(%arg16 : memref<!tpu.dma_semaphore, #tpu.memory_space<semaphore_mem>>)
    %add3A_6 = arith.constant 128 : i32
    %add3A_7 = arith.addi %mul3A_2, %add3A_6 : i32
    %multiple_of3A_8 = tpu.assume_multiple %add3A_7, 8 : i32
    %dma_start3A_9 = tpu.memref_slice %arg4[%multiple_of3A_8] : memref<320000xi32, #tpu.memory_space<hbm>> -> memref<128xi32, #tpu.memory_space<hbm>>
    %dma_start3A_10 = tpu.memref_slice %arg4[%multiple_of3A_8] : memref<320000xi32, #tpu.memory_space<hbm>> -> memref<128xi32, #tpu.memory_space<hbm>>
    tpu.enqueue_dma source(%dma_start3A_10 : memref<128xi32, #tpu.memory_space<hbm>>) target(%arg9 : memref<128xi32, #tpu.memory_space<vmem>>) target_semaphore(%arg17 : memref<!tpu.dma_semaphore, #tpu.memory_space<semaphore_mem>>)
    %scan3A = arith.constant 0 : i32
    %scan3A_11 = arith.constant 0 : i32
    %scan3A_12 = arith.constant 26 : i32
    %scan3A_13 = arith.addi %scan3A_11, %scan3A_12 : i32
    %scan3A_14 = arith.constant 1 : i32
    scf.for %scan3A_97 = %scan3A_11 to %scan3A_13 step %scan3A_14  : i32 {
      %mul3A_98 = arith.constant 3 : i32
      %mul3A_99 = arith.muli %mul3A_98, %scan3A_97 : i32
      %add3A_100 = arith.constant 0 : i32
      %add3A_101 = arith.addi %mul3A_99, %add3A_100 : i32
      %dma_wait3A_102 = arith.constant 0 : i32
      %dma_wait3A_103 = tpu.memref_slice %arg4[%dma_wait3A_102] : memref<320000xi32, #tpu.memory_space<hbm>> -> memref<128xi32, #tpu.memory_space<hbm>>
      %dma_wait3A_104 = arith.constant 0 : i32
      %dma_wait3A_105 = tpu.memref_slice %arg4[%dma_wait3A_104] : memref<320000xi32, #tpu.memory_space<hbm>> -> memref<128xi32, #tpu.memory_space<hbm>>
      tpu.wait_dma2 semaphore(%arg16 : memref<!tpu.dma_semaphore, #tpu.memory_space<semaphore_mem>>) src(%dma_wait3A_105 : memref<128xi32, #tpu.memory_space<hbm>>) dst(%arg8 : memref<128xi32, #tpu.memory_space<vmem>>)
      %ge3A = arith.constant 1 : i32
      %ge3A_106 = arith.cmpi sge, %scan3A_97, %ge3A : i32
      %convert_element_type3A = arith.extui %ge3A_106 : i1 to i32
      %cond3A = arith.constant 0 : i32
      %cond3A_107 = arith.cmpi ne, %convert_element_type3A, %cond3A : i32
      scf.if %cond3A_107 {
        %dma_wait3A_196 = arith.constant 0 : i32
        %dma_wait3A_197 = arith.constant 0 : i32
        %dma_wait3A_198 = tpu.memref_slice %arg6[%dma_wait3A_196, %dma_wait3A_197] : memref<320000x128xf32, #tpu.memory_space<hbm>> -> memref<128x128xf32, #tpu.memory_space<hbm>>
        %dma_wait3A_199 = arith.constant 0 : i32
        %dma_wait3A_200 = arith.constant 0 : i32
        %dma_wait3A_201 = tpu.memref_slice %arg6[%dma_wait3A_199, %dma_wait3A_200] : memref<320000x128xf32, #tpu.memory_space<hbm>> -> memref<128x128xf32, #tpu.memory_space<hbm>>
        tpu.wait_dma2 semaphore(%arg19 : memref<!tpu.dma_semaphore, #tpu.memory_space<semaphore_mem>>) src(%arg11 : memref<128x128xf32, #tpu.memory_space<vmem>>) dst(%dma_wait3A_201 : memref<128x128xf32, #tpu.memory_space<hbm>>)
      } else {
      }
      %dma_start3A_108 = arith.constant 0 : i32
      %dma_start3A_109 = arith.constant 0 : i32
      %dma_start3A_110 = tpu.memref_slice %arg2[%dma_start3A_108, %dma_start3A_109] : memref<10000x128xf32, #tpu.memory_space<hbm>> -> memref<10000x128xf32, #tpu.memory_space<hbm>>
      tpu.enqueue_indirect_dma source(%dma_start3A_110 : memref<10000x128xf32, #tpu.memory_space<hbm>>) target(%arg11 : memref<128x128xf32, #tpu.memory_space<vmem>>) offsets(%arg8 : memref<128xi32, #tpu.memory_space<vmem>>) semaphore(%arg15 : memref<!tpu.dma_semaphore, #tpu.memory_space<semaphore_mem>>)
      %dma_wait3A_111 = arith.constant 0 : i32
      %dma_wait3A_112 = arith.constant 0 : i32
      %dma_wait3A_113 = tpu.memref_slice %arg2[%dma_wait3A_111, %dma_wait3A_112] : memref<10000x128xf32, #tpu.memory_space<hbm>> -> memref<10000x128xf32, #tpu.memory_space<hbm>>
      tpu.wait_indirect_dma semaphore(%arg15 : memref<!tpu.dma_semaphore, #tpu.memory_space<semaphore_mem>>) src(%dma_wait3A_113 : memref<10000x128xf32, #tpu.memory_space<hbm>>) dst(%arg11 : memref<128x128xf32, #tpu.memory_space<vmem>>)
      %add3A_114 = arith.constant 2 : i32
      %add3A_115 = arith.addi %add3A_101, %add3A_114 : i32
      %le3A = arith.constant 77 : i32
      %le3A_116 = arith.cmpi sle, %add3A_115, %le3A : i32
      %convert_element_type3A_117 = arith.extui %le3A_116 : i1 to i32
      %cond3A_118 = arith.constant 0 : i32
      %cond3A_119 = arith.cmpi ne, %convert_element_type3A_117, %cond3A_118 : i32
      scf.if %cond3A_119 {
        %mul3A_196 = arith.constant 128 : i32
        %mul3A_197 = arith.muli %add3A_115, %mul3A_196 : i32
        %add3A_198 = arith.addi %mul3A_2, %mul3A_197 : i32
        %multiple_of3A_199 = tpu.assume_multiple %add3A_198, 8 : i32
        %dma_start3A_200 = tpu.memref_slice %arg4[%multiple_of3A_199] : memref<320000xi32, #tpu.memory_space<hbm>> -> memref<128xi32, #tpu.memory_space<hbm>>
        %dma_start3A_201 = tpu.memref_slice %arg4[%multiple_of3A_199] : memref<320000xi32, #tpu.memory_space<hbm>> -> memref<128xi32, #tpu.memory_space<hbm>>
        tpu.enqueue_dma source(%dma_start3A_201 : memref<128xi32, #tpu.memory_space<hbm>>) target(%arg10 : memref<128xi32, #tpu.memory_space<vmem>>) target_semaphore(%arg18 : memref<!tpu.dma_semaphore, #tpu.memory_space<semaphore_mem>>)
      } else {
      }
      %mul3A_120 = arith.constant 128 : i32
      %mul3A_121 = arith.muli %add3A_101, %mul3A_120 : i32
      %add3A_122 = arith.addi %mul3A_2, %mul3A_121 : i32
      %multiple_of3A_123 = tpu.assume_multiple %add3A_122, 8 : i32
      %dma_start3A_124 = arith.constant 0 : i32
      %dma_start3A_125 = tpu.memref_slice %arg6[%multiple_of3A_123, %dma_start3A_124] : memref<320000x128xf32, #tpu.memory_space<hbm>> -> memref<128x128xf32, #tpu.memory_space<hbm>>
      %dma_start3A_126 = arith.constant 0 : i32
      %dma_start3A_127 = tpu.memref_slice %arg6[%multiple_of3A_123, %dma_start3A_126] : memref<320000x128xf32, #tpu.memory_space<hbm>> -> memref<128x128xf32, #tpu.memory_space<hbm>>
      tpu.enqueue_dma source(%arg11 : memref<128x128xf32, #tpu.memory_space<vmem>>) target(%dma_start3A_127 : memref<128x128xf32, #tpu.memory_space<hbm>>) target_semaphore(%arg19 : memref<!tpu.dma_semaphore, #tpu.memory_space<semaphore_mem>>)
      %mul3A_128 = arith.constant 3 : i32
      %mul3A_129 = arith.muli %mul3A_128, %scan3A_97 : i32
      %add3A_130 = arith.constant 1 : i32
      %add3A_131 = arith.addi %mul3A_129, %add3A_130 : i32
      %dma_wait3A_132 = arith.constant 0 : i32
      %dma_wait3A_133 = tpu.memref_slice %arg4[%dma_wait3A_132] : memref<320000xi32, #tpu.memory_space<hbm>> -> memref<128xi32, #tpu.memory_space<hbm>>
      %dma_wait3A_134 = arith.constant 0 : i32
      %dma_wait3A_135 = tpu.memref_slice %arg4[%dma_wait3A_134] : memref<320000xi32, #tpu.memory_space<hbm>> -> memref<128xi32, #tpu.memory_space<hbm>>
      tpu.wait_dma2 semaphore(%arg17 : memref<!tpu.dma_semaphore, #tpu.memory_space<semaphore_mem>>) src(%dma_wait3A_135 : memref<128xi32, #tpu.memory_space<hbm>>) dst(%arg9 : memref<128xi32, #tpu.memory_space<vmem>>)
      %ge3A_136 = arith.constant 1 : i32
      %ge3A_137 = arith.cmpi sge, %scan3A_97, %ge3A_136 : i32
      %convert_element_type3A_138 = arith.extui %ge3A_137 : i1 to i32
      %cond3A_139 = arith.constant 0 : i32
      %cond3A_140 = arith.cmpi ne, %convert_element_type3A_138, %cond3A_139 : i32
      scf.if %cond3A_140 {
        %dma_wait3A_196 = arith.constant 0 : i32
        %dma_wait3A_197 = arith.constant 0 : i32
        %dma_wait3A_198 = tpu.memref_slice %arg6[%dma_wait3A_196, %dma_wait3A_197] : memref<320000x128xf32, #tpu.memory_space<hbm>> -> memref<128x128xf32, #tpu.memory_space<hbm>>
        %dma_wait3A_199 = arith.constant 0 : i32
        %dma_wait3A_200 = arith.constant 0 : i32
        %dma_wait3A_201 = tpu.memref_slice %arg6[%dma_wait3A_199, %dma_wait3A_200] : memref<320000x128xf32, #tpu.memory_space<hbm>> -> memref<128x128xf32, #tpu.memory_space<hbm>>
        tpu.wait_dma2 semaphore(%arg20 : memref<!tpu.dma_semaphore, #tpu.memory_space<semaphore_mem>>) src(%arg12 : memref<128x128xf32, #tpu.memory_space<vmem>>) dst(%dma_wait3A_201 : memref<128x128xf32, #tpu.memory_space<hbm>>)
      } else {
      }
      %dma_start3A_141 = arith.constant 0 : i32
      %dma_start3A_142 = arith.constant 0 : i32
      %dma_start3A_143 = tpu.memref_slice %arg2[%dma_start3A_141, %dma_start3A_142] : memref<10000x128xf32, #tpu.memory_space<hbm>> -> memref<10000x128xf32, #tpu.memory_space<hbm>>
      tpu.enqueue_indirect_dma source(%dma_start3A_143 : memref<10000x128xf32, #tpu.memory_space<hbm>>) target(%arg12 : memref<128x128xf32, #tpu.memory_space<vmem>>) offsets(%arg9 : memref<128xi32, #tpu.memory_space<vmem>>) semaphore(%arg15 : memref<!tpu.dma_semaphore, #tpu.memory_space<semaphore_mem>>)
      %dma_wait3A_144 = arith.constant 0 : i32
      %dma_wait3A_145 = arith.constant 0 : i32
      %dma_wait3A_146 = tpu.memref_slice %arg2[%dma_wait3A_144, %dma_wait3A_145] : memref<10000x128xf32, #tpu.memory_space<hbm>> -> memref<10000x128xf32, #tpu.memory_space<hbm>>
      tpu.wait_indirect_dma semaphore(%arg15 : memref<!tpu.dma_semaphore, #tpu.memory_space<semaphore_mem>>) src(%dma_wait3A_146 : memref<10000x128xf32, #tpu.memory_space<hbm>>) dst(%arg12 : memref<128x128xf32, #tpu.memory_space<vmem>>)
      %add3A_147 = arith.constant 2 : i32
      %add3A_148 = arith.addi %add3A_131, %add3A_147 : i32
      %le3A_149 = arith.constant 77 : i32
      %le3A_150 = arith.cmpi sle, %add3A_148, %le3A_149 : i32
      %convert_element_type3A_151 = arith.extui %le3A_150 : i1 to i32
      %cond3A_152 = arith.constant 0 : i32
      %cond3A_153 = arith.cmpi ne, %convert_element_type3A_151, %cond3A_152 : i32
      scf.if %cond3A_153 {
        %mul3A_196 = arith.constant 128 : i32
        %mul3A_197 = arith.muli %add3A_148, %mul3A_196 : i32
        %add3A_198 = arith.addi %mul3A_2, %mul3A_197 : i32
        %multiple_of3A_199 = tpu.assume_multiple %add3A_198, 8 : i32
        %dma_start3A_200 = tpu.memref_slice %arg4[%multiple_of3A_199] : memref<320000xi32, #tpu.memory_space<hbm>> -> memref<128xi32, #tpu.memory_space<hbm>>
        %dma_start3A_201 = tpu.memref_slice %arg4[%multiple_of3A_199] : memref<320000xi32, #tpu.memory_space<hbm>> -> memref<128xi32, #tpu.memory_space<hbm>>
        tpu.enqueue_dma source(%dma_start3A_201 : memref<128xi32, #tpu.memory_space<hbm>>) target(%arg8 : memref<128xi32, #tpu.memory_space<vmem>>) target_semaphore(%arg16 : memref<!tpu.dma_semaphore, #tpu.memory_space<semaphore_mem>>)
      } else {
      }
      %mul3A_154 = arith.constant 128 : i32
      %mul3A_155 = arith.muli %add3A_131, %mul3A_154 : i32
      %add3A_156 = arith.addi %mul3A_2, %mul3A_155 : i32
      %multiple_of3A_157 = tpu.assume_multiple %add3A_156, 8 : i32
      %dma_start3A_158 = arith.constant 0 : i32
      %dma_start3A_159 = tpu.memref_slice %arg6[%multiple_of3A_157, %dma_start3A_158] : memref<320000x128xf32, #tpu.memory_space<hbm>> -> memref<128x128xf32, #tpu.memory_space<hbm>>
      %dma_start3A_160 = arith.constant 0 : i32
      %dma_start3A_161 = tpu.memref_slice %arg6[%multiple_of3A_157, %dma_start3A_160] : memref<320000x128xf32, #tpu.memory_space<hbm>> -> memref<128x128xf32, #tpu.memory_space<hbm>>
      tpu.enqueue_dma source(%arg12 : memref<128x128xf32, #tpu.memory_space<vmem>>) target(%dma_start3A_161 : memref<128x128xf32, #tpu.memory_space<hbm>>) target_semaphore(%arg20 : memref<!tpu.dma_semaphore, #tpu.memory_space<semaphore_mem>>)
      %mul3A_162 = arith.constant 3 : i32
      %mul3A_163 = arith.muli %mul3A_162, %scan3A_97 : i32
      %add3A_164 = arith.constant 2 : i32
      %add3A_165 = arith.addi %mul3A_163, %add3A_164 : i32
      %dma_wait3A_166 = arith.constant 0 : i32
      %dma_wait3A_167 = tpu.memref_slice %arg4[%dma_wait3A_166] : memref<320000xi32, #tpu.memory_space<hbm>> -> memref<128xi32, #tpu.memory_space<hbm>>
      %dma_wait3A_168 = arith.constant 0 : i32
      %dma_wait3A_169 = tpu.memref_slice %arg4[%dma_wait3A_168] : memref<320000xi32, #tpu.memory_space<hbm>> -> memref<128xi32, #tpu.memory_space<hbm>>
      tpu.wait_dma2 semaphore(%arg18 : memref<!tpu.dma_semaphore, #tpu.memory_space<semaphore_mem>>) src(%dma_wait3A_169 : memref<128xi32, #tpu.memory_space<hbm>>) dst(%arg10 : memref<128xi32, #tpu.memory_space<vmem>>)
      %ge3A_170 = arith.constant 1 : i32
      %ge3A_171 = arith.cmpi sge, %scan3A_97, %ge3A_170 : i32
      %convert_element_type3A_172 = arith.extui %ge3A_171 : i1 to i32
      %cond3A_173 = arith.constant 0 : i32
      %cond3A_174 = arith.cmpi ne, %convert_element_type3A_172, %cond3A_173 : i32
      scf.if %cond3A_174 {
        %dma_wait3A_196 = arith.constant 0 : i32
        %dma_wait3A_197 = arith.constant 0 : i32
        %dma_wait3A_198 = tpu.memref_slice %arg6[%dma_wait3A_196, %dma_wait3A_197] : memref<320000x128xf32, #tpu.memory_space<hbm>> -> memref<128x128xf32, #tpu.memory_space<hbm>>
        %dma_wait3A_199 = arith.constant 0 : i32
        %dma_wait3A_200 = arith.constant 0 : i32
        %dma_wait3A_201 = tpu.memref_slice %arg6[%dma_wait3A_199, %dma_wait3A_200] : memref<320000x128xf32, #tpu.memory_space<hbm>> -> memref<128x128xf32, #tpu.memory_space<hbm>>
        tpu.wait_dma2 semaphore(%arg21 : memref<!tpu.dma_semaphore, #tpu.memory_space<semaphore_mem>>) src(%arg13 : memref<128x128xf32, #tpu.memory_space<vmem>>) dst(%dma_wait3A_201 : memref<128x128xf32, #tpu.memory_space<hbm>>)
      } else {
      }
      %dma_start3A_175 = arith.constant 0 : i32
      %dma_start3A_176 = arith.constant 0 : i32
      %dma_start3A_177 = tpu.memref_slice %arg2[%dma_start3A_175, %dma_start3A_176] : memref<10000x128xf32, #tpu.memory_space<hbm>> -> memref<10000x128xf32, #tpu.memory_space<hbm>>
      tpu.enqueue_indirect_dma source(%dma_start3A_177 : memref<10000x128xf32, #tpu.memory_space<hbm>>) target(%arg13 : memref<128x128xf32, #tpu.memory_space<vmem>>) offsets(%arg10 : memref<128xi32, #tpu.memory_space<vmem>>) semaphore(%arg15 : memref<!tpu.dma_semaphore, #tpu.memory_space<semaphore_mem>>)
      %dma_wait3A_178 = arith.constant 0 : i32
      %dma_wait3A_179 = arith.constant 0 : i32
      %dma_wait3A_180 = tpu.memref_slice %arg2[%dma_wait3A_178, %dma_wait3A_179] : memref<10000x128xf32, #tpu.memory_space<hbm>> -> memref<10000x128xf32, #tpu.memory_space<hbm>>
      tpu.wait_indirect_dma semaphore(%arg15 : memref<!tpu.dma_semaphore, #tpu.memory_space<semaphore_mem>>) src(%dma_wait3A_180 : memref<10000x128xf32, #tpu.memory_space<hbm>>) dst(%arg13 : memref<128x128xf32, #tpu.memory_space<vmem>>)
      %add3A_181 = arith.constant 2 : i32
      %add3A_182 = arith.addi %add3A_165, %add3A_181 : i32
      %le3A_183 = arith.constant 77 : i32
      %le3A_184 = arith.cmpi sle, %add3A_182, %le3A_183 : i32
      %convert_element_type3A_185 = arith.extui %le3A_184 : i1 to i32
      %cond3A_186 = arith.constant 0 : i32
      %cond3A_187 = arith.cmpi ne, %convert_element_type3A_185, %cond3A_186 : i32
      scf.if %cond3A_187 {
        %mul3A_196 = arith.constant 128 : i32
        %mul3A_197 = arith.muli %add3A_182, %mul3A_196 : i32
        %add3A_198 = arith.addi %mul3A_2, %mul3A_197 : i32
        %multiple_of3A_199 = tpu.assume_multiple %add3A_198, 8 : i32
        %dma_start3A_200 = tpu.memref_slice %arg4[%multiple_of3A_199] : memref<320000xi32, #tpu.memory_space<hbm>> -> memref<128xi32, #tpu.memory_space<hbm>>
        %dma_start3A_201 = tpu.memref_slice %arg4[%multiple_of3A_199] : memref<320000xi32, #tpu.memory_space<hbm>> -> memref<128xi32, #tpu.memory_space<hbm>>
        tpu.enqueue_dma source(%dma_start3A_201 : memref<128xi32, #tpu.memory_space<hbm>>) target(%arg9 : memref<128xi32, #tpu.memory_space<vmem>>) target_semaphore(%arg17 : memref<!tpu.dma_semaphore, #tpu.memory_space<semaphore_mem>>)
      } else {
      }
      %mul3A_188 = arith.constant 128 : i32
      %mul3A_189 = arith.muli %add3A_165, %mul3A_188 : i32
      %add3A_190 = arith.addi %mul3A_2, %mul3A_189 : i32
      %multiple_of3A_191 = tpu.assume_multiple %add3A_190, 8 : i32
      %dma_start3A_192 = arith.constant 0 : i32
      %dma_start3A_193 = tpu.memref_slice %arg6[%multiple_of3A_191, %dma_start3A_192] : memref<320000x128xf32, #tpu.memory_space<hbm>> -> memref<128x128xf32, #tpu.memory_space<hbm>>
      %dma_start3A_194 = arith.constant 0 : i32
      %dma_start3A_195 = tpu.memref_slice %arg6[%multiple_of3A_191, %dma_start3A_194] : memref<320000x128xf32, #tpu.memory_space<hbm>> -> memref<128x128xf32, #tpu.memory_space<hbm>>
      tpu.enqueue_dma source(%arg13 : memref<128x128xf32, #tpu.memory_space<vmem>>) target(%dma_start3A_195 : memref<128x128xf32, #tpu.memory_space<hbm>>) target_semaphore(%arg21 : memref<!tpu.dma_semaphore, #tpu.memory_space<semaphore_mem>>)
    }
    %scan3A_15 = arith.constant 26 : i32
    %dma_wait3A = arith.constant 0 : i32
    %dma_wait3A_16 = arith.constant 0 : i32
    %dma_wait3A_17 = tpu.memref_slice %arg6[%dma_wait3A, %dma_wait3A_16] : memref<320000x128xf32, #tpu.memory_space<hbm>> -> memref<128x128xf32, #tpu.memory_space<hbm>>
    %dma_wait3A_18 = arith.constant 0 : i32
    %dma_wait3A_19 = arith.constant 0 : i32
    %dma_wait3A_20 = tpu.memref_slice %arg6[%dma_wait3A_18, %dma_wait3A_19] : memref<320000x128xf32, #tpu.memory_space<hbm>> -> memref<128x128xf32, #tpu.memory_space<hbm>>
    tpu.wait_dma2 semaphore(%arg19 : memref<!tpu.dma_semaphore, #tpu.memory_space<semaphore_mem>>) src(%arg11 : memref<128x128xf32, #tpu.memory_space<vmem>>) dst(%dma_wait3A_20 : memref<128x128xf32, #tpu.memory_space<hbm>>)
    %dma_wait3A_21 = arith.constant 0 : i32
    %dma_wait3A_22 = arith.constant 0 : i32
    %dma_wait3A_23 = tpu.memref_slice %arg6[%dma_wait3A_21, %dma_wait3A_22] : memref<320000x128xf32, #tpu.memory_space<hbm>> -> memref<128x128xf32, #tpu.memory_space<hbm>>
    %dma_wait3A_24 = arith.constant 0 : i32
    %dma_wait3A_25 = arith.constant 0 : i32
    %dma_wait3A_26 = tpu.memref_slice %arg6[%dma_wait3A_24, %dma_wait3A_25] : memref<320000x128xf32, #tpu.memory_space<hbm>> -> memref<128x128xf32, #tpu.memory_space<hbm>>
    tpu.wait_dma2 semaphore(%arg20 : memref<!tpu.dma_semaphore, #tpu.memory_space<semaphore_mem>>) src(%arg12 : memref<128x128xf32, #tpu.memory_space<vmem>>) dst(%dma_wait3A_26 : memref<128x128xf32, #tpu.memory_space<hbm>>)
    %dma_wait3A_27 = arith.constant 0 : i32
    %dma_wait3A_28 = arith.constant 0 : i32
    %dma_wait3A_29 = tpu.memref_slice %arg6[%dma_wait3A_27, %dma_wait3A_28] : memref<320000x128xf32, #tpu.memory_space<hbm>> -> memref<128x128xf32, #tpu.memory_space<hbm>>
    %dma_wait3A_30 = arith.constant 0 : i32
    %dma_wait3A_31 = arith.constant 0 : i32
    %dma_wait3A_32 = tpu.memref_slice %arg6[%dma_wait3A_30, %dma_wait3A_31] : memref<320000x128xf32, #tpu.memory_space<hbm>> -> memref<128x128xf32, #tpu.memory_space<hbm>>
    tpu.wait_dma2 semaphore(%arg21 : memref<!tpu.dma_semaphore, #tpu.memory_space<semaphore_mem>>) src(%arg13 : memref<128x128xf32, #tpu.memory_space<vmem>>) dst(%dma_wait3A_32 : memref<128x128xf32, #tpu.memory_space<hbm>>)
    %add3A_33 = arith.constant 9984 : i32
    %add3A_34 = arith.addi %mul3A_2, %add3A_33 : i32
    %multiple_of3A_35 = tpu.assume_multiple %add3A_34, 8 : i32
    "tpu.region"() ({
      %run_scoped3A = tpu.sem_alloc : memref<!tpu.dma_semaphore, #tpu.memory_space<semaphore_mem>>
      %dma_start3A_97 = tpu.memref_slice %arg4[%multiple_of3A_35] : memref<320000xi32, #tpu.memory_space<hbm>> -> memref<16xi32, #tpu.memory_space<hbm>>
      %dma_start3A_98 = tpu.memref_slice %arg4[%multiple_of3A_35] : memref<320000xi32, #tpu.memory_space<hbm>> -> memref<16xi32, #tpu.memory_space<hbm>>
      tpu.enqueue_dma source(%dma_start3A_98 : memref<16xi32, #tpu.memory_space<hbm>>) target(%arg14 : memref<16xi32, #tpu.memory_space<vmem>>) target_semaphore(%run_scoped3A : memref<!tpu.dma_semaphore, #tpu.memory_space<semaphore_mem>>)
      %dma_wait3A_99 = tpu.memref_slice %arg4[%multiple_of3A_35] : memref<320000xi32, #tpu.memory_space<hbm>> -> memref<16xi32, #tpu.memory_space<hbm>>
      %dma_wait3A_100 = tpu.memref_slice %arg4[%multiple_of3A_35] : memref<320000xi32, #tpu.memory_space<hbm>> -> memref<16xi32, #tpu.memory_space<hbm>>
      tpu.wait_dma2 semaphore(%run_scoped3A : memref<!tpu.dma_semaphore, #tpu.memory_space<semaphore_mem>>) src(%dma_wait3A_100 : memref<16xi32, #tpu.memory_space<hbm>>) dst(%arg14 : memref<16xi32, #tpu.memory_space<vmem>>)
      tpu.yield
    }) : () -> ()
    %dma_start3A_36 = arith.constant 0 : i32
    %dma_start3A_37 = arith.constant 0 : i32
    %dma_start3A_38 = tpu.memref_slice %arg11[%dma_start3A_36, %dma_start3A_37] : memref<128x128xf32, #tpu.memory_space<vmem>> -> memref<16x128xf32, #tpu.memory_space<vmem>>
    %dma_start3A_39 = arith.constant 0 : i32
    %dma_start3A_40 = arith.constant 0 : i32
    %dma_start3A_41 = tpu.memref_slice %arg2[%dma_start3A_39, %dma_start3A_40] : memref<10000x128xf32, #tpu.memory_space<hbm>> -> memref<10000x128xf32, #tpu.memory_space<hbm>>
    tpu.enqueue_indirect_dma source(%dma_start3A_41 : memref<10000x128xf32, #tpu.memory_space<hbm>>) target(%dma_start3A_38 : memref<16x128xf32, #tpu.memory_space<vmem>>) offsets(%arg14 : memref<16xi32, #tpu.memory_space<vmem>>) semaphore(%arg15 : memref<!tpu.dma_semaphore, #tpu.memory_space<semaphore_mem>>)
    %dma_wait3A_42 = arith.constant 0 : i32
    %dma_wait3A_43 = arith.constant 0 : i32
    %dma_wait3A_44 = tpu.memref_slice %arg11[%dma_wait3A_42, %dma_wait3A_43] : memref<128x128xf32, #tpu.memory_space<vmem>> -> memref<16x128xf32, #tpu.memory_space<vmem>>
    %dma_wait3A_45 = arith.constant 0 : i32
    %dma_wait3A_46 = arith.constant 0 : i32
    %dma_wait3A_47 = tpu.memref_slice %arg2[%dma_wait3A_45, %dma_wait3A_46] : memref<10000x128xf32, #tpu.memory_space<hbm>> -> memref<10000x128xf32, #tpu.memory_space<hbm>>
    tpu.wait_indirect_dma semaphore(%arg15 : memref<!tpu.dma_semaphore, #tpu.memory_space<semaphore_mem>>) src(%dma_wait3A_47 : memref<10000x128xf32, #tpu.memory_space<hbm>>) dst(%dma_wait3A_44 : memref<16x128xf32, #tpu.memory_space<vmem>>)
    "tpu.region"() ({
      %run_scoped3A = tpu.sem_alloc : memref<!tpu.dma_semaphore, #tpu.memory_space<semaphore_mem>>
      %dma_start3A_97 = arith.constant 0 : i32
      %dma_start3A_98 = arith.constant 0 : i32
      %dma_start3A_99 = tpu.memref_slice %arg11[%dma_start3A_97, %dma_start3A_98] : memref<128x128xf32, #tpu.memory_space<vmem>> -> memref<16x128xf32, #tpu.memory_space<vmem>>
      %dma_start3A_100 = arith.constant 0 : i32
      %dma_start3A_101 = tpu.memref_slice %arg6[%multiple_of3A_35, %dma_start3A_100] : memref<320000x128xf32, #tpu.memory_space<hbm>> -> memref<16x128xf32, #tpu.memory_space<hbm>>
      %dma_start3A_102 = arith.constant 0 : i32
      %dma_start3A_103 = tpu.memref_slice %arg6[%multiple_of3A_35, %dma_start3A_102] : memref<320000x128xf32, #tpu.memory_space<hbm>> -> memref<16x128xf32, #tpu.memory_space<hbm>>
      %dma_start3A_104 = arith.constant 0 : i32
      %dma_start3A_105 = arith.constant 0 : i32
      %dma_start3A_106 = tpu.memref_slice %arg11[%dma_start3A_104, %dma_start3A_105] : memref<128x128xf32, #tpu.memory_space<vmem>> -> memref<16x128xf32, #tpu.memory_space<vmem>>
      tpu.enqueue_dma source(%dma_start3A_106 : memref<16x128xf32, #tpu.memory_space<vmem>>) target(%dma_start3A_103 : memref<16x128xf32, #tpu.memory_space<hbm>>) target_semaphore(%run_scoped3A : memref<!tpu.dma_semaphore, #tpu.memory_space<semaphore_mem>>)
      %dma_wait3A_107 = arith.constant 0 : i32
      %dma_wait3A_108 = arith.constant 0 : i32
      %dma_wait3A_109 = tpu.memref_slice %arg11[%dma_wait3A_107, %dma_wait3A_108] : memref<128x128xf32, #tpu.memory_space<vmem>> -> memref<16x128xf32, #tpu.memory_space<vmem>>
      %dma_wait3A_110 = arith.constant 0 : i32
      %dma_wait3A_111 = tpu.memref_slice %arg6[%multiple_of3A_35, %dma_wait3A_110] : memref<320000x128xf32, #tpu.memory_space<hbm>> -> memref<16x128xf32, #tpu.memory_space<hbm>>
      %dma_wait3A_112 = arith.constant 0 : i32
      %dma_wait3A_113 = tpu.memref_slice %arg6[%multiple_of3A_35, %dma_wait3A_112] : memref<320000x128xf32, #tpu.memory_space<hbm>> -> memref<16x128xf32, #tpu.memory_space<hbm>>
      %dma_wait3A_114 = arith.constant 0 : i32
      %dma_wait3A_115 = arith.constant 0 : i32
      %dma_wait3A_116 = tpu.memref_slice %arg11[%dma_wait3A_114, %dma_wait3A_115] : memref<128x128xf32, #tpu.memory_space<vmem>> -> memref<16x128xf32, #tpu.memory_space<vmem>>
      tpu.wait_dma2 semaphore(%run_scoped3A : memref<!tpu.dma_semaphore, #tpu.memory_space<semaphore_mem>>) src(%dma_wait3A_116 : memref<16x128xf32, #tpu.memory_space<vmem>>) dst(%dma_wait3A_113 : memref<16x128xf32, #tpu.memory_space<hbm>>)
      tpu.yield
    }) : () -> ()
    %add3A_48 = arith.constant 0 : i32
    %add3A_49 = arith.addi %mul3A_2, %add3A_48 : i32
    %multiple_of3A_50 = tpu.assume_multiple %add3A_49, 8 : i32
    %dma_start3A_51 = tpu.memref_slice %arg5[%multiple_of3A_50] : memref<320000xi32, #tpu.memory_space<hbm>> -> memref<128xi32, #tpu.memory_space<hbm>>
    %dma_start3A_52 = tpu.memref_slice %arg5[%multiple_of3A_50] : memref<320000xi32, #tpu.memory_space<hbm>> -> memref<128xi32, #tpu.memory_space<hbm>>
    tpu.enqueue_dma source(%dma_start3A_52 : memref<128xi32, #tpu.memory_space<hbm>>) target(%arg8 : memref<128xi32, #tpu.memory_space<vmem>>) target_semaphore(%arg16 : memref<!tpu.dma_semaphore, #tpu.memory_space<semaphore_mem>>)
    %add3A_53 = arith.constant 128 : i32
    %add3A_54 = arith.addi %mul3A_2, %add3A_53 : i32
    %multiple_of3A_55 = tpu.assume_multiple %add3A_54, 8 : i32
    %dma_start3A_56 = tpu.memref_slice %arg5[%multiple_of3A_55] : memref<320000xi32, #tpu.memory_space<hbm>> -> memref<128xi32, #tpu.memory_space<hbm>>
    %dma_start3A_57 = tpu.memref_slice %arg5[%multiple_of3A_55] : memref<320000xi32, #tpu.memory_space<hbm>> -> memref<128xi32, #tpu.memory_space<hbm>>
    tpu.enqueue_dma source(%dma_start3A_57 : memref<128xi32, #tpu.memory_space<hbm>>) target(%arg9 : memref<128xi32, #tpu.memory_space<vmem>>) target_semaphore(%arg17 : memref<!tpu.dma_semaphore, #tpu.memory_space<semaphore_mem>>)
    %scan3A_58 = arith.constant 0 : i32
    %scan3A_59 = arith.constant 0 : i32
    %scan3A_60 = arith.constant 26 : i32
    %scan3A_61 = arith.addi %scan3A_59, %scan3A_60 : i32
    %scan3A_62 = arith.constant 1 : i32
    scf.for %scan3A_97 = %scan3A_59 to %scan3A_61 step %scan3A_62  : i32 {
      %mul3A_98 = arith.constant 3 : i32
      %mul3A_99 = arith.muli %mul3A_98, %scan3A_97 : i32
      %add3A_100 = arith.constant 0 : i32
      %add3A_101 = arith.addi %mul3A_99, %add3A_100 : i32
      %dma_wait3A_102 = arith.constant 0 : i32
      %dma_wait3A_103 = tpu.memref_slice %arg5[%dma_wait3A_102] : memref<320000xi32, #tpu.memory_space<hbm>> -> memref<128xi32, #tpu.memory_space<hbm>>
      %dma_wait3A_104 = arith.constant 0 : i32
      %dma_wait3A_105 = tpu.memref_slice %arg5[%dma_wait3A_104] : memref<320000xi32, #tpu.memory_space<hbm>> -> memref<128xi32, #tpu.memory_space<hbm>>
      tpu.wait_dma2 semaphore(%arg16 : memref<!tpu.dma_semaphore, #tpu.memory_space<semaphore_mem>>) src(%dma_wait3A_105 : memref<128xi32, #tpu.memory_space<hbm>>) dst(%arg8 : memref<128xi32, #tpu.memory_space<vmem>>)
      %ge3A = arith.constant 1 : i32
      %ge3A_106 = arith.cmpi sge, %scan3A_97, %ge3A : i32
      %convert_element_type3A = arith.extui %ge3A_106 : i1 to i32
      %cond3A = arith.constant 0 : i32
      %cond3A_107 = arith.cmpi ne, %convert_element_type3A, %cond3A : i32
      scf.if %cond3A_107 {
        %dma_wait3A_196 = arith.constant 0 : i32
        %dma_wait3A_197 = arith.constant 0 : i32
        %dma_wait3A_198 = tpu.memref_slice %arg7[%dma_wait3A_196, %dma_wait3A_197] : memref<320000x128xf32, #tpu.memory_space<hbm>> -> memref<128x128xf32, #tpu.memory_space<hbm>>
        %dma_wait3A_199 = arith.constant 0 : i32
        %dma_wait3A_200 = arith.constant 0 : i32
        %dma_wait3A_201 = tpu.memref_slice %arg7[%dma_wait3A_199, %dma_wait3A_200] : memref<320000x128xf32, #tpu.memory_space<hbm>> -> memref<128x128xf32, #tpu.memory_space<hbm>>
        tpu.wait_dma2 semaphore(%arg19 : memref<!tpu.dma_semaphore, #tpu.memory_space<semaphore_mem>>) src(%arg11 : memref<128x128xf32, #tpu.memory_space<vmem>>) dst(%dma_wait3A_201 : memref<128x128xf32, #tpu.memory_space<hbm>>)
      } else {
      }
      %dma_start3A_108 = arith.constant 0 : i32
      %dma_start3A_109 = arith.constant 0 : i32
      %dma_start3A_110 = tpu.memref_slice %arg3[%dma_start3A_108, %dma_start3A_109] : memref<10000x128xf32, #tpu.memory_space<hbm>> -> memref<10000x128xf32, #tpu.memory_space<hbm>>
      tpu.enqueue_indirect_dma source(%dma_start3A_110 : memref<10000x128xf32, #tpu.memory_space<hbm>>) target(%arg11 : memref<128x128xf32, #tpu.memory_space<vmem>>) offsets(%arg8 : memref<128xi32, #tpu.memory_space<vmem>>) semaphore(%arg15 : memref<!tpu.dma_semaphore, #tpu.memory_space<semaphore_mem>>)
      %dma_wait3A_111 = arith.constant 0 : i32
      %dma_wait3A_112 = arith.constant 0 : i32
      %dma_wait3A_113 = tpu.memref_slice %arg3[%dma_wait3A_111, %dma_wait3A_112] : memref<10000x128xf32, #tpu.memory_space<hbm>> -> memref<10000x128xf32, #tpu.memory_space<hbm>>
      tpu.wait_indirect_dma semaphore(%arg15 : memref<!tpu.dma_semaphore, #tpu.memory_space<semaphore_mem>>) src(%dma_wait3A_113 : memref<10000x128xf32, #tpu.memory_space<hbm>>) dst(%arg11 : memref<128x128xf32, #tpu.memory_space<vmem>>)
      %add3A_114 = arith.constant 2 : i32
      %add3A_115 = arith.addi %add3A_101, %add3A_114 : i32
      %le3A = arith.constant 77 : i32
      %le3A_116 = arith.cmpi sle, %add3A_115, %le3A : i32
      %convert_element_type3A_117 = arith.extui %le3A_116 : i1 to i32
      %cond3A_118 = arith.constant 0 : i32
      %cond3A_119 = arith.cmpi ne, %convert_element_type3A_117, %cond3A_118 : i32
      scf.if %cond3A_119 {
        %mul3A_196 = arith.constant 128 : i32
        %mul3A_197 = arith.muli %add3A_115, %mul3A_196 : i32
        %add3A_198 = arith.addi %mul3A_2, %mul3A_197 : i32
        %multiple_of3A_199 = tpu.assume_multiple %add3A_198, 8 : i32
        %dma_start3A_200 = tpu.memref_slice %arg5[%multiple_of3A_199] : memref<320000xi32, #tpu.memory_space<hbm>> -> memref<128xi32, #tpu.memory_space<hbm>>
        %dma_start3A_201 = tpu.memref_slice %arg5[%multiple_of3A_199] : memref<320000xi32, #tpu.memory_space<hbm>> -> memref<128xi32, #tpu.memory_space<hbm>>
        tpu.enqueue_dma source(%dma_start3A_201 : memref<128xi32, #tpu.memory_space<hbm>>) target(%arg10 : memref<128xi32, #tpu.memory_space<vmem>>) target_semaphore(%arg18 : memref<!tpu.dma_semaphore, #tpu.memory_space<semaphore_mem>>)
      } else {
      }
      %mul3A_120 = arith.constant 128 : i32
      %mul3A_121 = arith.muli %add3A_101, %mul3A_120 : i32
      %add3A_122 = arith.addi %mul3A_2, %mul3A_121 : i32
      %multiple_of3A_123 = tpu.assume_multiple %add3A_122, 8 : i32
      %dma_start3A_124 = arith.constant 0 : i32
      %dma_start3A_125 = tpu.memref_slice %arg7[%multiple_of3A_123, %dma_start3A_124] : memref<320000x128xf32, #tpu.memory_space<hbm>> -> memref<128x128xf32, #tpu.memory_space<hbm>>
      %dma_start3A_126 = arith.constant 0 : i32
      %dma_start3A_127 = tpu.memref_slice %arg7[%multiple_of3A_123, %dma_start3A_126] : memref<320000x128xf32, #tpu.memory_space<hbm>> -> memref<128x128xf32, #tpu.memory_space<hbm>>
      tpu.enqueue_dma source(%arg11 : memref<128x128xf32, #tpu.memory_space<vmem>>) target(%dma_start3A_127 : memref<128x128xf32, #tpu.memory_space<hbm>>) target_semaphore(%arg19 : memref<!tpu.dma_semaphore, #tpu.memory_space<semaphore_mem>>)
      %mul3A_128 = arith.constant 3 : i32
      %mul3A_129 = arith.muli %mul3A_128, %scan3A_97 : i32
      %add3A_130 = arith.constant 1 : i32
      %add3A_131 = arith.addi %mul3A_129, %add3A_130 : i32
      %dma_wait3A_132 = arith.constant 0 : i32
      %dma_wait3A_133 = tpu.memref_slice %arg5[%dma_wait3A_132] : memref<320000xi32, #tpu.memory_space<hbm>> -> memref<128xi32, #tpu.memory_space<hbm>>
      %dma_wait3A_134 = arith.constant 0 : i32
      %dma_wait3A_135 = tpu.memref_slice %arg5[%dma_wait3A_134] : memref<320000xi32, #tpu.memory_space<hbm>> -> memref<128xi32, #tpu.memory_space<hbm>>
      tpu.wait_dma2 semaphore(%arg17 : memref<!tpu.dma_semaphore, #tpu.memory_space<semaphore_mem>>) src(%dma_wait3A_135 : memref<128xi32, #tpu.memory_space<hbm>>) dst(%arg9 : memref<128xi32, #tpu.memory_space<vmem>>)
      %ge3A_136 = arith.constant 1 : i32
      %ge3A_137 = arith.cmpi sge, %scan3A_97, %ge3A_136 : i32
      %convert_element_type3A_138 = arith.extui %ge3A_137 : i1 to i32
      %cond3A_139 = arith.constant 0 : i32
      %cond3A_140 = arith.cmpi ne, %convert_element_type3A_138, %cond3A_139 : i32
      scf.if %cond3A_140 {
        %dma_wait3A_196 = arith.constant 0 : i32
        %dma_wait3A_197 = arith.constant 0 : i32
        %dma_wait3A_198 = tpu.memref_slice %arg7[%dma_wait3A_196, %dma_wait3A_197] : memref<320000x128xf32, #tpu.memory_space<hbm>> -> memref<128x128xf32, #tpu.memory_space<hbm>>
        %dma_wait3A_199 = arith.constant 0 : i32
        %dma_wait3A_200 = arith.constant 0 : i32
        %dma_wait3A_201 = tpu.memref_slice %arg7[%dma_wait3A_199, %dma_wait3A_200] : memref<320000x128xf32, #tpu.memory_space<hbm>> -> memref<128x128xf32, #tpu.memory_space<hbm>>
        tpu.wait_dma2 semaphore(%arg20 : memref<!tpu.dma_semaphore, #tpu.memory_space<semaphore_mem>>) src(%arg12 : memref<128x128xf32, #tpu.memory_space<vmem>>) dst(%dma_wait3A_201 : memref<128x128xf32, #tpu.memory_space<hbm>>)
      } else {
      }
      %dma_start3A_141 = arith.constant 0 : i32
      %dma_start3A_142 = arith.constant 0 : i32
      %dma_start3A_143 = tpu.memref_slice %arg3[%dma_start3A_141, %dma_start3A_142] : memref<10000x128xf32, #tpu.memory_space<hbm>> -> memref<10000x128xf32, #tpu.memory_space<hbm>>
      tpu.enqueue_indirect_dma source(%dma_start3A_143 : memref<10000x128xf32, #tpu.memory_space<hbm>>) target(%arg12 : memref<128x128xf32, #tpu.memory_space<vmem>>) offsets(%arg9 : memref<128xi32, #tpu.memory_space<vmem>>) semaphore(%arg15 : memref<!tpu.dma_semaphore, #tpu.memory_space<semaphore_mem>>)
      %dma_wait3A_144 = arith.constant 0 : i32
      %dma_wait3A_145 = arith.constant 0 : i32
      %dma_wait3A_146 = tpu.memref_slice %arg3[%dma_wait3A_144, %dma_wait3A_145] : memref<10000x128xf32, #tpu.memory_space<hbm>> -> memref<10000x128xf32, #tpu.memory_space<hbm>>
      tpu.wait_indirect_dma semaphore(%arg15 : memref<!tpu.dma_semaphore, #tpu.memory_space<semaphore_mem>>) src(%dma_wait3A_146 : memref<10000x128xf32, #tpu.memory_space<hbm>>) dst(%arg12 : memref<128x128xf32, #tpu.memory_space<vmem>>)
      %add3A_147 = arith.constant 2 : i32
      %add3A_148 = arith.addi %add3A_131, %add3A_147 : i32
      %le3A_149 = arith.constant 77 : i32
      %le3A_150 = arith.cmpi sle, %add3A_148, %le3A_149 : i32
      %convert_element_type3A_151 = arith.extui %le3A_150 : i1 to i32
      %cond3A_152 = arith.constant 0 : i32
      %cond3A_153 = arith.cmpi ne, %convert_element_type3A_151, %cond3A_152 : i32
      scf.if %cond3A_153 {
        %mul3A_196 = arith.constant 128 : i32
        %mul3A_197 = arith.muli %add3A_148, %mul3A_196 : i32
        %add3A_198 = arith.addi %mul3A_2, %mul3A_197 : i32
        %multiple_of3A_199 = tpu.assume_multiple %add3A_198, 8 : i32
        %dma_start3A_200 = tpu.memref_slice %arg5[%multiple_of3A_199] : memref<320000xi32, #tpu.memory_space<hbm>> -> memref<128xi32, #tpu.memory_space<hbm>>
        %dma_start3A_201 = tpu.memref_slice %arg5[%multiple_of3A_199] : memref<320000xi32, #tpu.memory_space<hbm>> -> memref<128xi32, #tpu.memory_space<hbm>>
        tpu.enqueue_dma source(%dma_start3A_201 : memref<128xi32, #tpu.memory_space<hbm>>) target(%arg8 : memref<128xi32, #tpu.memory_space<vmem>>) target_semaphore(%arg16 : memref<!tpu.dma_semaphore, #tpu.memory_space<semaphore_mem>>)
      } else {
      }
      %mul3A_154 = arith.constant 128 : i32
      %mul3A_155 = arith.muli %add3A_131, %mul3A_154 : i32
      %add3A_156 = arith.addi %mul3A_2, %mul3A_155 : i32
      %multiple_of3A_157 = tpu.assume_multiple %add3A_156, 8 : i32
      %dma_start3A_158 = arith.constant 0 : i32
      %dma_start3A_159 = tpu.memref_slice %arg7[%multiple_of3A_157, %dma_start3A_158] : memref<320000x128xf32, #tpu.memory_space<hbm>> -> memref<128x128xf32, #tpu.memory_space<hbm>>
      %dma_start3A_160 = arith.constant 0 : i32
      %dma_start3A_161 = tpu.memref_slice %arg7[%multiple_of3A_157, %dma_start3A_160] : memref<320000x128xf32, #tpu.memory_space<hbm>> -> memref<128x128xf32, #tpu.memory_space<hbm>>
      tpu.enqueue_dma source(%arg12 : memref<128x128xf32, #tpu.memory_space<vmem>>) target(%dma_start3A_161 : memref<128x128xf32, #tpu.memory_space<hbm>>) target_semaphore(%arg20 : memref<!tpu.dma_semaphore, #tpu.memory_space<semaphore_mem>>)
      %mul3A_162 = arith.constant 3 : i32
      %mul3A_163 = arith.muli %mul3A_162, %scan3A_97 : i32
      %add3A_164 = arith.constant 2 : i32
      %add3A_165 = arith.addi %mul3A_163, %add3A_164 : i32
      %dma_wait3A_166 = arith.constant 0 : i32
      %dma_wait3A_167 = tpu.memref_slice %arg5[%dma_wait3A_166] : memref<320000xi32, #tpu.memory_space<hbm>> -> memref<128xi32, #tpu.memory_space<hbm>>
      %dma_wait3A_168 = arith.constant 0 : i32
      %dma_wait3A_169 = tpu.memref_slice %arg5[%dma_wait3A_168] : memref<320000xi32, #tpu.memory_space<hbm>> -> memref<128xi32, #tpu.memory_space<hbm>>
      tpu.wait_dma2 semaphore(%arg18 : memref<!tpu.dma_semaphore, #tpu.memory_space<semaphore_mem>>) src(%dma_wait3A_169 : memref<128xi32, #tpu.memory_space<hbm>>) dst(%arg10 : memref<128xi32, #tpu.memory_space<vmem>>)
      %ge3A_170 = arith.constant 1 : i32
      %ge3A_171 = arith.cmpi sge, %scan3A_97, %ge3A_170 : i32
      %convert_element_type3A_172 = arith.extui %ge3A_171 : i1 to i32
      %cond3A_173 = arith.constant 0 : i32
      %cond3A_174 = arith.cmpi ne, %convert_element_type3A_172, %cond3A_173 : i32
      scf.if %cond3A_174 {
        %dma_wait3A_196 = arith.constant 0 : i32
        %dma_wait3A_197 = arith.constant 0 : i32
        %dma_wait3A_198 = tpu.memref_slice %arg7[%dma_wait3A_196, %dma_wait3A_197] : memref<320000x128xf32, #tpu.memory_space<hbm>> -> memref<128x128xf32, #tpu.memory_space<hbm>>
        %dma_wait3A_199 = arith.constant 0 : i32
        %dma_wait3A_200 = arith.constant 0 : i32
        %dma_wait3A_201 = tpu.memref_slice %arg7[%dma_wait3A_199, %dma_wait3A_200] : memref<320000x128xf32, #tpu.memory_space<hbm>> -> memref<128x128xf32, #tpu.memory_space<hbm>>
        tpu.wait_dma2 semaphore(%arg21 : memref<!tpu.dma_semaphore, #tpu.memory_space<semaphore_mem>>) src(%arg13 : memref<128x128xf32, #tpu.memory_space<vmem>>) dst(%dma_wait3A_201 : memref<128x128xf32, #tpu.memory_space<hbm>>)
      } else {
      }
      %dma_start3A_175 = arith.constant 0 : i32
      %dma_start3A_176 = arith.constant 0 : i32
      %dma_start3A_177 = tpu.memref_slice %arg3[%dma_start3A_175, %dma_start3A_176] : memref<10000x128xf32, #tpu.memory_space<hbm>> -> memref<10000x128xf32, #tpu.memory_space<hbm>>
      tpu.enqueue_indirect_dma source(%dma_start3A_177 : memref<10000x128xf32, #tpu.memory_space<hbm>>) target(%arg13 : memref<128x128xf32, #tpu.memory_space<vmem>>) offsets(%arg10 : memref<128xi32, #tpu.memory_space<vmem>>) semaphore(%arg15 : memref<!tpu.dma_semaphore, #tpu.memory_space<semaphore_mem>>)
      %dma_wait3A_178 = arith.constant 0 : i32
      %dma_wait3A_179 = arith.constant 0 : i32
      %dma_wait3A_180 = tpu.memref_slice %arg3[%dma_wait3A_178, %dma_wait3A_179] : memref<10000x128xf32, #tpu.memory_space<hbm>> -> memref<10000x128xf32, #tpu.memory_space<hbm>>
      tpu.wait_indirect_dma semaphore(%arg15 : memref<!tpu.dma_semaphore, #tpu.memory_space<semaphore_mem>>) src(%dma_wait3A_180 : memref<10000x128xf32, #tpu.memory_space<hbm>>) dst(%arg13 : memref<128x128xf32, #tpu.memory_space<vmem>>)
      %add3A_181 = arith.constant 2 : i32
      %add3A_182 = arith.addi %add3A_165, %add3A_181 : i32
      %le3A_183 = arith.constant 77 : i32
      %le3A_184 = arith.cmpi sle, %add3A_182, %le3A_183 : i32
      %convert_element_type3A_185 = arith.extui %le3A_184 : i1 to i32
      %cond3A_186 = arith.constant 0 : i32
      %cond3A_187 = arith.cmpi ne, %convert_element_type3A_185, %cond3A_186 : i32
      scf.if %cond3A_187 {
        %mul3A_196 = arith.constant 128 : i32
        %mul3A_197 = arith.muli %add3A_182, %mul3A_196 : i32
        %add3A_198 = arith.addi %mul3A_2, %mul3A_197 : i32
        %multiple_of3A_199 = tpu.assume_multiple %add3A_198, 8 : i32
        %dma_start3A_200 = tpu.memref_slice %arg5[%multiple_of3A_199] : memref<320000xi32, #tpu.memory_space<hbm>> -> memref<128xi32, #tpu.memory_space<hbm>>
        %dma_start3A_201 = tpu.memref_slice %arg5[%multiple_of3A_199] : memref<320000xi32, #tpu.memory_space<hbm>> -> memref<128xi32, #tpu.memory_space<hbm>>
        tpu.enqueue_dma source(%dma_start3A_201 : memref<128xi32, #tpu.memory_space<hbm>>) target(%arg9 : memref<128xi32, #tpu.memory_space<vmem>>) target_semaphore(%arg17 : memref<!tpu.dma_semaphore, #tpu.memory_space<semaphore_mem>>)
      } else {
      }
      %mul3A_188 = arith.constant 128 : i32
      %mul3A_189 = arith.muli %add3A_165, %mul3A_188 : i32
      %add3A_190 = arith.addi %mul3A_2, %mul3A_189 : i32
      %multiple_of3A_191 = tpu.assume_multiple %add3A_190, 8 : i32
      %dma_start3A_192 = arith.constant 0 : i32
      %dma_start3A_193 = tpu.memref_slice %arg7[%multiple_of3A_191, %dma_start3A_192] : memref<320000x128xf32, #tpu.memory_space<hbm>> -> memref<128x128xf32, #tpu.memory_space<hbm>>
      %dma_start3A_194 = arith.constant 0 : i32
      %dma_start3A_195 = tpu.memref_slice %arg7[%multiple_of3A_191, %dma_start3A_194] : memref<320000x128xf32, #tpu.memory_space<hbm>> -> memref<128x128xf32, #tpu.memory_space<hbm>>
      tpu.enqueue_dma source(%arg13 : memref<128x128xf32, #tpu.memory_space<vmem>>) target(%dma_start3A_195 : memref<128x128xf32, #tpu.memory_space<hbm>>) target_semaphore(%arg21 : memref<!tpu.dma_semaphore, #tpu.memory_space<semaphore_mem>>)
    }
    %scan3A_63 = arith.constant 26 : i32
    %dma_wait3A_64 = arith.constant 0 : i32
    %dma_wait3A_65 = arith.constant 0 : i32
    %dma_wait3A_66 = tpu.memref_slice %arg7[%dma_wait3A_64, %dma_wait3A_65] : memref<320000x128xf32, #tpu.memory_space<hbm>> -> memref<128x128xf32, #tpu.memory_space<hbm>>
    %dma_wait3A_67 = arith.constant 0 : i32
    %dma_wait3A_68 = arith.constant 0 : i32
    %dma_wait3A_69 = tpu.memref_slice %arg7[%dma_wait3A_67, %dma_wait3A_68] : memref<320000x128xf32, #tpu.memory_space<hbm>> -> memref<128x128xf32, #tpu.memory_space<hbm>>
    tpu.wait_dma2 semaphore(%arg19 : memref<!tpu.dma_semaphore, #tpu.memory_space<semaphore_mem>>) src(%arg11 : memref<128x128xf32, #tpu.memory_space<vmem>>) dst(%dma_wait3A_69 : memref<128x128xf32, #tpu.memory_space<hbm>>)
    %dma_wait3A_70 = arith.constant 0 : i32
    %dma_wait3A_71 = arith.constant 0 : i32
    %dma_wait3A_72 = tpu.memref_slice %arg7[%dma_wait3A_70, %dma_wait3A_71] : memref<320000x128xf32, #tpu.memory_space<hbm>> -> memref<128x128xf32, #tpu.memory_space<hbm>>
    %dma_wait3A_73 = arith.constant 0 : i32
    %dma_wait3A_74 = arith.constant 0 : i32
    %dma_wait3A_75 = tpu.memref_slice %arg7[%dma_wait3A_73, %dma_wait3A_74] : memref<320000x128xf32, #tpu.memory_space<hbm>> -> memref<128x128xf32, #tpu.memory_space<hbm>>
    tpu.wait_dma2 semaphore(%arg20 : memref<!tpu.dma_semaphore, #tpu.memory_space<semaphore_mem>>) src(%arg12 : memref<128x128xf32, #tpu.memory_space<vmem>>) dst(%dma_wait3A_75 : memref<128x128xf32, #tpu.memory_space<hbm>>)
    %dma_wait3A_76 = arith.constant 0 : i32
    %dma_wait3A_77 = arith.constant 0 : i32
    %dma_wait3A_78 = tpu.memref_slice %arg7[%dma_wait3A_76, %dma_wait3A_77] : memref<320000x128xf32, #tpu.memory_space<hbm>> -> memref<128x128xf32, #tpu.memory_space<hbm>>
    %dma_wait3A_79 = arith.constant 0 : i32
    %dma_wait3A_80 = arith.constant 0 : i32
    %dma_wait3A_81 = tpu.memref_slice %arg7[%dma_wait3A_79, %dma_wait3A_80] : memref<320000x128xf32, #tpu.memory_space<hbm>> -> memref<128x128xf32, #tpu.memory_space<hbm>>
    tpu.wait_dma2 semaphore(%arg21 : memref<!tpu.dma_semaphore, #tpu.memory_space<semaphore_mem>>) src(%arg13 : memref<128x128xf32, #tpu.memory_space<vmem>>) dst(%dma_wait3A_81 : memref<128x128xf32, #tpu.memory_space<hbm>>)
    %add3A_82 = arith.constant 9984 : i32
    %add3A_83 = arith.addi %mul3A_2, %add3A_82 : i32
    %multiple_of3A_84 = tpu.assume_multiple %add3A_83, 8 : i32
    "tpu.region"() ({
      %run_scoped3A = tpu.sem_alloc : memref<!tpu.dma_semaphore, #tpu.memory_space<semaphore_mem>>
      %dma_start3A_97 = tpu.memref_slice %arg5[%multiple_of3A_84] : memref<320000xi32, #tpu.memory_space<hbm>> -> memref<16xi32, #tpu.memory_space<hbm>>
      %dma_start3A_98 = tpu.memref_slice %arg5[%multiple_of3A_84] : memref<320000xi32, #tpu.memory_space<hbm>> -> memref<16xi32, #tpu.memory_space<hbm>>
      tpu.enqueue_dma source(%dma_start3A_98 : memref<16xi32, #tpu.memory_space<hbm>>) target(%arg14 : memref<16xi32, #tpu.memory_space<vmem>>) target_semaphore(%run_scoped3A : memref<!tpu.dma_semaphore, #tpu.memory_space<semaphore_mem>>)
      %dma_wait3A_99 = tpu.memref_slice %arg5[%multiple_of3A_84] : memref<320000xi32, #tpu.memory_space<hbm>> -> memref<16xi32, #tpu.memory_space<hbm>>
      %dma_wait3A_100 = tpu.memref_slice %arg5[%multiple_of3A_84] : memref<320000xi32, #tpu.memory_space<hbm>> -> memref<16xi32, #tpu.memory_space<hbm>>
      tpu.wait_dma2 semaphore(%run_scoped3A : memref<!tpu.dma_semaphore, #tpu.memory_space<semaphore_mem>>) src(%dma_wait3A_100 : memref<16xi32, #tpu.memory_space<hbm>>) dst(%arg14 : memref<16xi32, #tpu.memory_space<vmem>>)
      tpu.yield
    }) : () -> ()
    %dma_start3A_85 = arith.constant 0 : i32
    %dma_start3A_86 = arith.constant 0 : i32
    %dma_start3A_87 = tpu.memref_slice %arg11[%dma_start3A_85, %dma_start3A_86] : memref<128x128xf32, #tpu.memory_space<vmem>> -> memref<16x128xf32, #tpu.memory_space<vmem>>
    %dma_start3A_88 = arith.constant 0 : i32
    %dma_start3A_89 = arith.constant 0 : i32
    %dma_start3A_90 = tpu.memref_slice %arg3[%dma_start3A_88, %dma_start3A_89] : memref<10000x128xf32, #tpu.memory_space<hbm>> -> memref<10000x128xf32, #tpu.memory_space<hbm>>
    tpu.enqueue_indirect_dma source(%dma_start3A_90 : memref<10000x128xf32, #tpu.memory_space<hbm>>) target(%dma_start3A_87 : memref<16x128xf32, #tpu.memory_space<vmem>>) offsets(%arg14 : memref<16xi32, #tpu.memory_space<vmem>>) semaphore(%arg15 : memref<!tpu.dma_semaphore, #tpu.memory_space<semaphore_mem>>)
    %dma_wait3A_91 = arith.constant 0 : i32
    %dma_wait3A_92 = arith.constant 0 : i32
    %dma_wait3A_93 = tpu.memref_slice %arg11[%dma_wait3A_91, %dma_wait3A_92] : memref<128x128xf32, #tpu.memory_space<vmem>> -> memref<16x128xf32, #tpu.memory_space<vmem>>
    %dma_wait3A_94 = arith.constant 0 : i32
    %dma_wait3A_95 = arith.constant 0 : i32
    %dma_wait3A_96 = tpu.memref_slice %arg3[%dma_wait3A_94, %dma_wait3A_95] : memref<10000x128xf32, #tpu.memory_space<hbm>> -> memref<10000x128xf32, #tpu.memory_space<hbm>>
    tpu.wait_indirect_dma semaphore(%arg15 : memref<!tpu.dma_semaphore, #tpu.memory_space<semaphore_mem>>) src(%dma_wait3A_96 : memref<10000x128xf32, #tpu.memory_space<hbm>>) dst(%dma_wait3A_93 : memref<16x128xf32, #tpu.memory_space<vmem>>)
    "tpu.region"() ({
      %run_scoped3A = tpu.sem_alloc : memref<!tpu.dma_semaphore, #tpu.memory_space<semaphore_mem>>
      %dma_start3A_97 = arith.constant 0 : i32
      %dma_start3A_98 = arith.constant 0 : i32
      %dma_start3A_99 = tpu.memref_slice %arg11[%dma_start3A_97, %dma_start3A_98] : memref<128x128xf32, #tpu.memory_space<vmem>> -> memref<16x128xf32, #tpu.memory_space<vmem>>
      %dma_start3A_100 = arith.constant 0 : i32
      %dma_start3A_101 = tpu.memref_slice %arg7[%multiple_of3A_84, %dma_start3A_100] : memref<320000x128xf32, #tpu.memory_space<hbm>> -> memref<16x128xf32, #tpu.memory_space<hbm>>
      %dma_start3A_102 = arith.constant 0 : i32
      %dma_start3A_103 = tpu.memref_slice %arg7[%multiple_of3A_84, %dma_start3A_102] : memref<320000x128xf32, #tpu.memory_space<hbm>> -> memref<16x128xf32, #tpu.memory_space<hbm>>
      %dma_start3A_104 = arith.constant 0 : i32
      %dma_start3A_105 = arith.constant 0 : i32
      %dma_start3A_106 = tpu.memref_slice %arg11[%dma_start3A_104, %dma_start3A_105] : memref<128x128xf32, #tpu.memory_space<vmem>> -> memref<16x128xf32, #tpu.memory_space<vmem>>
      tpu.enqueue_dma source(%dma_start3A_106 : memref<16x128xf32, #tpu.memory_space<vmem>>) target(%dma_start3A_103 : memref<16x128xf32, #tpu.memory_space<hbm>>) target_semaphore(%run_scoped3A : memref<!tpu.dma_semaphore, #tpu.memory_space<semaphore_mem>>)
      %dma_wait3A_107 = arith.constant 0 : i32
      %dma_wait3A_108 = arith.constant 0 : i32
      %dma_wait3A_109 = tpu.memref_slice %arg11[%dma_wait3A_107, %dma_wait3A_108] : memref<128x128xf32, #tpu.memory_space<vmem>> -> memref<16x128xf32, #tpu.memory_space<vmem>>
      %dma_wait3A_110 = arith.constant 0 : i32
      %dma_wait3A_111 = tpu.memref_slice %arg7[%multiple_of3A_84, %dma_wait3A_110] : memref<320000x128xf32, #tpu.memory_space<hbm>> -> memref<16x128xf32, #tpu.memory_space<hbm>>
      %dma_wait3A_112 = arith.constant 0 : i32
      %dma_wait3A_113 = tpu.memref_slice %arg7[%multiple_of3A_84, %dma_wait3A_112] : memref<320000x128xf32, #tpu.memory_space<hbm>> -> memref<16x128xf32, #tpu.memory_space<hbm>>
      %dma_wait3A_114 = arith.constant 0 : i32
      %dma_wait3A_115 = arith.constant 0 : i32
      %dma_wait3A_116 = tpu.memref_slice %arg11[%dma_wait3A_114, %dma_wait3A_115] : memref<128x128xf32, #tpu.memory_space<vmem>> -> memref<16x128xf32, #tpu.memory_space<vmem>>
      tpu.wait_dma2 semaphore(%run_scoped3A : memref<!tpu.dma_semaphore, #tpu.memory_space<semaphore_mem>>) src(%dma_wait3A_116 : memref<16x128xf32, #tpu.memory_space<vmem>>) dst(%dma_wait3A_113 : memref<16x128xf32, #tpu.memory_space<hbm>>)
      tpu.yield
    }) : () -> ()
    return
  }
}

module attributes {stable_mosaic.version = 14 : i64} {
  func.func @_edge_mlp_body(%arg0: i32, %arg1: memref<2000x128xf32, #tpu.memory_space<vmem>>, %arg2: memref<2000x128xf32, #tpu.memory_space<vmem>>, %arg3: memref<2000x128xf32, #tpu.memory_space<vmem>>, %arg4: memref<128x128xf32, #tpu.memory_space<vmem>>, %arg5: memref<128x128xf32, #tpu.memory_space<vmem>>, %arg6: memref<128x128xf32, #tpu.memory_space<vmem>>, %arg7: memref<128x128xf32, #tpu.memory_space<vmem>>, %arg8: memref<128x128xf32, #tpu.memory_space<vmem>>, %arg9: memref<128x128xf32, #tpu.memory_space<vmem>>, %arg10: memref<128x128xf32, #tpu.memory_space<vmem>>, %arg11: memref<128x128xf32, #tpu.memory_space<vmem>>, %arg12: memref<128x128xf32, #tpu.memory_space<vmem>>, %arg13: memref<1x128xf32, #tpu.memory_space<vmem>>, %arg14: memref<1x128xf32, #tpu.memory_space<vmem>>, %arg15: memref<1x128xf32, #tpu.memory_space<vmem>>, %arg16: memref<2000x128xf32, #tpu.memory_space<vmem>>, %arg17: memref<2000x128xf32, #tpu.memory_space<vmem>>, %arg18: memref<2000x128xf32, #tpu.memory_space<vmem>>) attributes {dimension_semantics = [#tpu.dimension_semantics<arbitrary>], iteration_bounds = array<i64: 160>, scalar_prefetch = 0 : i64, scratch_operands = 0 : i64, tpu.core_type = #tpu.core_type<tc>, window_params = [{transform_indices = @transform_0, window_bounds = array<i64: 2000, 128>}, {transform_indices = @transform_1, window_bounds = array<i64: 2000, 128>}, {transform_indices = @transform_2, window_bounds = array<i64: 2000, 128>}, {pipeline_mode = #tpu.pipeline_mode<synchronous>, transform_indices = @transform_3, window_bounds = array<i64: 128, 128>}, {pipeline_mode = #tpu.pipeline_mode<synchronous>, transform_indices = @transform_4, window_bounds = array<i64: 128, 128>}, {pipeline_mode = #tpu.pipeline_mode<synchronous>, transform_indices = @transform_5, window_bounds = array<i64: 128, 128>}, {pipeline_mode = #tpu.pipeline_mode<synchronous>, transform_indices = @transform_6, window_bounds = array<i64: 128, 128>}, {pipeline_mode = #tpu.pipeline_mode<synchronous>, transform_indices = @transform_7, window_bounds = array<i64: 128, 128>}, {pipeline_mode = #tpu.pipeline_mode<synchronous>, transform_indices = @transform_8, window_bounds = array<i64: 128, 128>}, {pipeline_mode = #tpu.pipeline_mode<synchronous>, transform_indices = @transform_9, window_bounds = array<i64: 128, 128>}, {pipeline_mode = #tpu.pipeline_mode<synchronous>, transform_indices = @transform_10, window_bounds = array<i64: 128, 128>}, {pipeline_mode = #tpu.pipeline_mode<synchronous>, transform_indices = @transform_11, window_bounds = array<i64: 128, 128>}, {pipeline_mode = #tpu.pipeline_mode<synchronous>, transform_indices = @transform_12, window_bounds = array<i64: 1, 128>}, {pipeline_mode = #tpu.pipeline_mode<synchronous>, transform_indices = @transform_13, window_bounds = array<i64: 1, 128>}, {pipeline_mode = #tpu.pipeline_mode<synchronous>, transform_indices = @transform_14, window_bounds = array<i64: 1, 128>}, {transform_indices = @transform_15, window_bounds = array<i64: 2000, 128>}, {transform_indices = @transform_16, window_bounds = array<i64: 2000, 128>}, {transform_indices = @transform_17, window_bounds = array<i64: 2000, 128>}]} {
    %get3A = arith.constant 0 : index
    %get3A_0 = arith.constant 0 : index
    %get3A_1 = vector.load %arg1[%get3A, %get3A_0] : memref<2000x128xf32, #tpu.memory_space<vmem>>, vector<2000x128xf32>
    %get3A_2 = arith.constant 0 : index
    %get3A_3 = arith.constant 0 : index
    %get3A_4 = vector.load %arg2[%get3A_2, %get3A_3] : memref<2000x128xf32, #tpu.memory_space<vmem>>, vector<2000x128xf32>
    %get3A_5 = arith.constant 0 : index
    %get3A_6 = arith.constant 0 : index
    %get3A_7 = vector.load %arg3[%get3A_5, %get3A_6] : memref<2000x128xf32, #tpu.memory_space<vmem>>, vector<2000x128xf32>
    %get3A_8 = arith.constant 0 : index
    %get3A_9 = arith.constant 0 : index
    %get3A_10 = vector.load %arg4[%get3A_8, %get3A_9] : memref<128x128xf32, #tpu.memory_space<vmem>>, vector<128x128xf32>
    %dot_general3A = arith.constant dense<0.000000e+00> : vector<2000x128xf32>
    %dot_general3A_11 = tpu.matmul %get3A_1, %get3A_10, %dot_general3A {dimension_numbers = #tpu.dot_dimension_numbers<[1], [0], [0], [1], [0, 0, 1, 1], [], []>, transpose_lhs_hint = false} : vector<2000x128xf32>, vector<128x128xf32>, vector<2000x128xf32> -> vector<2000x128xf32>
    %exp3A = math.exp %dot_general3A_11 : vector<2000x128xf32>
    %get3A_12 = arith.constant 0 : index
    %get3A_13 = arith.constant 0 : index
    %get3A_14 = vector.load %arg5[%get3A_12, %get3A_13] : memref<128x128xf32, #tpu.memory_space<vmem>>, vector<128x128xf32>
    %dot_general3A_15 = arith.constant dense<0.000000e+00> : vector<2000x128xf32>
    %dot_general3A_16 = tpu.matmul %get3A_1, %get3A_14, %dot_general3A_15 {dimension_numbers = #tpu.dot_dimension_numbers<[1], [0], [0], [1], [0, 0, 1, 1], [], []>, transpose_lhs_hint = false} : vector<2000x128xf32>, vector<128x128xf32>, vector<2000x128xf32> -> vector<2000x128xf32>
    %exp3A_17 = math.exp %dot_general3A_16 : vector<2000x128xf32>
    %get3A_18 = arith.constant 0 : index
    %get3A_19 = arith.constant 0 : index
    %get3A_20 = vector.load %arg6[%get3A_18, %get3A_19] : memref<128x128xf32, #tpu.memory_space<vmem>>, vector<128x128xf32>
    %dot_general3A_21 = arith.constant dense<0.000000e+00> : vector<2000x128xf32>
    %dot_general3A_22 = tpu.matmul %get3A_1, %get3A_20, %dot_general3A_21 {dimension_numbers = #tpu.dot_dimension_numbers<[1], [0], [0], [1], [0, 0, 1, 1], [], []>, transpose_lhs_hint = false} : vector<2000x128xf32>, vector<128x128xf32>, vector<2000x128xf32> -> vector<2000x128xf32>
    %get3A_23 = arith.constant 0 : index
    %get3A_24 = arith.constant 0 : index
    %get3A_25 = vector.load %arg7[%get3A_23, %get3A_24] : memref<128x128xf32, #tpu.memory_space<vmem>>, vector<128x128xf32>
    %dot_general3A_26 = arith.constant dense<0.000000e+00> : vector<2000x128xf32>
    %dot_general3A_27 = tpu.matmul %get3A_4, %get3A_25, %dot_general3A_26 {dimension_numbers = #tpu.dot_dimension_numbers<[1], [0], [0], [1], [0, 0, 1, 1], [], []>, transpose_lhs_hint = false} : vector<2000x128xf32>, vector<128x128xf32>, vector<2000x128xf32> -> vector<2000x128xf32>
    %add3A = arith.addf %dot_general3A_22, %dot_general3A_27 : vector<2000x128xf32>
    %get3A_28 = arith.constant 0 : index
    %get3A_29 = arith.constant 0 : index
    %get3A_30 = vector.load %arg8[%get3A_28, %get3A_29] : memref<128x128xf32, #tpu.memory_space<vmem>>, vector<128x128xf32>
    %dot_general3A_31 = arith.constant dense<0.000000e+00> : vector<2000x128xf32>
    %dot_general3A_32 = tpu.matmul %get3A_7, %get3A_30, %dot_general3A_31 {dimension_numbers = #tpu.dot_dimension_numbers<[1], [0], [0], [1], [0, 0, 1, 1], [], []>, transpose_lhs_hint = false} : vector<2000x128xf32>, vector<128x128xf32>, vector<2000x128xf32> -> vector<2000x128xf32>
    %add3A_33 = arith.addf %add3A, %dot_general3A_32 : vector<2000x128xf32>
    %get3A_34 = arith.constant 0 : index
    %get3A_35 = arith.constant 0 : index
    %get3A_36 = vector.load %arg9[%get3A_34, %get3A_35] : memref<128x128xf32, #tpu.memory_space<vmem>>, vector<128x128xf32>
    %dot_general3A_37 = arith.constant dense<0.000000e+00> : vector<2000x128xf32>
    %dot_general3A_38 = tpu.matmul %get3A_1, %get3A_36, %dot_general3A_37 {dimension_numbers = #tpu.dot_dimension_numbers<[1], [0], [0], [1], [0, 0, 1, 1], [], []>, transpose_lhs_hint = false} : vector<2000x128xf32>, vector<128x128xf32>, vector<2000x128xf32> -> vector<2000x128xf32>
    %get3A_39 = arith.constant 0 : index
    %get3A_40 = arith.constant 0 : index
    %get3A_41 = vector.load %arg10[%get3A_39, %get3A_40] : memref<128x128xf32, #tpu.memory_space<vmem>>, vector<128x128xf32>
    %dot_general3A_42 = arith.constant dense<0.000000e+00> : vector<2000x128xf32>
    %dot_general3A_43 = tpu.matmul %get3A_4, %get3A_41, %dot_general3A_42 {dimension_numbers = #tpu.dot_dimension_numbers<[1], [0], [0], [1], [0, 0, 1, 1], [], []>, transpose_lhs_hint = false} : vector<2000x128xf32>, vector<128x128xf32>, vector<2000x128xf32> -> vector<2000x128xf32>
    %add3A_44 = arith.addf %dot_general3A_38, %dot_general3A_43 : vector<2000x128xf32>
    %get3A_45 = arith.constant 0 : index
    %get3A_46 = arith.constant 0 : index
    %get3A_47 = vector.load %arg11[%get3A_45, %get3A_46] : memref<128x128xf32, #tpu.memory_space<vmem>>, vector<128x128xf32>
    %dot_general3A_48 = arith.constant dense<0.000000e+00> : vector<2000x128xf32>
    %dot_general3A_49 = tpu.matmul %get3A_7, %get3A_47, %dot_general3A_48 {dimension_numbers = #tpu.dot_dimension_numbers<[1], [0], [0], [1], [0, 0, 1, 1], [], []>, transpose_lhs_hint = false} : vector<2000x128xf32>, vector<128x128xf32>, vector<2000x128xf32> -> vector<2000x128xf32>
    %add3A_50 = arith.addf %add3A_44, %dot_general3A_49 : vector<2000x128xf32>
    %logistic3A = arith.negf %add3A_33 : vector<2000x128xf32>
    %logistic3A_51 = math.exp %logistic3A : vector<2000x128xf32>
    %logistic3A_52 = arith.constant 1.000000e+00 : f32
    %logistic3A_53 = vector.broadcast %logistic3A_52 : f32 to vector<2000x128xf32>
    %logistic3A_54 = arith.addf %logistic3A_53, %logistic3A_51 : vector<2000x128xf32>
    %logistic3A_55 = arith.divf %logistic3A_53, %logistic3A_54 : vector<2000x128xf32>
    %mul3A = arith.mulf %add3A_33, %logistic3A_55 : vector<2000x128xf32>
    %mul3A_56 = arith.mulf %mul3A, %add3A_50 : vector<2000x128xf32>
    %get3A_57 = arith.constant 0 : index
    %get3A_58 = arith.constant 0 : index
    %get3A_59 = vector.load %arg12[%get3A_57, %get3A_58] : memref<128x128xf32, #tpu.memory_space<vmem>>, vector<128x128xf32>
    %dot_general3A_60 = arith.constant dense<0.000000e+00> : vector<2000x128xf32>
    %dot_general3A_61 = tpu.matmul %mul3A_56, %get3A_59, %dot_general3A_60 {dimension_numbers = #tpu.dot_dimension_numbers<[1], [0], [0], [1], [0, 0, 1, 1], [], []>, transpose_lhs_hint = false} : vector<2000x128xf32>, vector<128x128xf32>, vector<2000x128xf32> -> vector<2000x128xf32>
    %reduce_sum3A = arith.constant dense<0.000000e+00> : vector<2000xf32>
    %reduce_sum3A_62 = vector.multi_reduction <add>, %dot_general3A_61, %reduce_sum3A [1] : vector<2000x128xf32> to vector<2000xf32>
    %broadcast_in_dim3A = vector.shape_cast %reduce_sum3A_62 : vector<2000xf32> to vector<2000x1xf32>
    %div3A = arith.constant 1.280000e+02 : f32
    %div3A_63 = vector.broadcast %div3A : f32 to vector<2000x1xf32>
    %div3A_64 = arith.divf %broadcast_in_dim3A, %div3A_63 : vector<2000x1xf32>
    %sub3A = vector.broadcast %div3A_64 : vector<2000x1xf32> to vector<2000x128xf32>
    %sub3A_65 = arith.subf %dot_general3A_61, %sub3A : vector<2000x128xf32>
    %mul3A_66 = arith.mulf %sub3A_65, %sub3A_65 : vector<2000x128xf32>
    %reduce_sum3A_67 = arith.constant dense<0.000000e+00> : vector<2000xf32>
    %reduce_sum3A_68 = vector.multi_reduction <add>, %mul3A_66, %reduce_sum3A_67 [1] : vector<2000x128xf32> to vector<2000xf32>
    %broadcast_in_dim3A_69 = vector.shape_cast %reduce_sum3A_68 : vector<2000xf32> to vector<2000x1xf32>
    %div3A_70 = arith.constant 1.280000e+02 : f32
    %div3A_71 = vector.broadcast %div3A_70 : f32 to vector<2000x1xf32>
    %div3A_72 = arith.divf %broadcast_in_dim3A_69, %div3A_71 : vector<2000x1xf32>
    %add3A_73 = arith.constant 9.99999974E-6 : f32
    %add3A_74 = vector.broadcast %add3A_73 : f32 to vector<2000x1xf32>
    %add3A_75 = arith.addf %div3A_72, %add3A_74 : vector<2000x1xf32>
    %rsqrt3A = math.rsqrt %add3A_75 : vector<2000x1xf32>
    %mul3A_76 = vector.broadcast %rsqrt3A : vector<2000x1xf32> to vector<2000x128xf32>
    %mul3A_77 = arith.mulf %sub3A_65, %mul3A_76 : vector<2000x128xf32>
    %get3A_78 = arith.constant 0 : index
    %get3A_79 = arith.constant 0 : index
    %get3A_80 = vector.load %arg13[%get3A_78, %get3A_79] : memref<1x128xf32, #tpu.memory_space<vmem>>, vector<1x128xf32>
    %mul3A_81 = vector.broadcast %get3A_80 : vector<1x128xf32> to vector<2000x128xf32>
    %mul3A_82 = arith.mulf %mul3A_77, %mul3A_81 : vector<2000x128xf32>
    %get3A_83 = arith.constant 0 : index
    %get3A_84 = arith.constant 0 : index
    %get3A_85 = vector.load %arg14[%get3A_83, %get3A_84] : memref<1x128xf32, #tpu.memory_space<vmem>>, vector<1x128xf32>
    %add3A_86 = vector.broadcast %get3A_85 : vector<1x128xf32> to vector<2000x128xf32>
    %add3A_87 = arith.addf %mul3A_82, %add3A_86 : vector<2000x128xf32>
    %mul3A_88 = arith.mulf %exp3A, %add3A_87 : vector<2000x128xf32>
    %swap3A = arith.constant 0 : index
    %swap3A_89 = arith.constant 0 : index
    %swap3A_90 = vector.load %arg16[%swap3A, %swap3A_89] : memref<2000x128xf32, #tpu.memory_space<vmem>>, vector<2000x128xf32>
    tpu.vector_store %arg16[%swap3A, %swap3A_89], %mul3A_88 {strides = array<i32>} : memref<2000x128xf32, #tpu.memory_space<vmem>>, vector<2000x128xf32>,
    %mul3A_91 = arith.mulf %exp3A_17, %add3A_87 : vector<2000x128xf32>
    %swap3A_92 = arith.constant 0 : index
    %swap3A_93 = arith.constant 0 : index
    %swap3A_94 = vector.load %arg17[%swap3A_92, %swap3A_93] : memref<2000x128xf32, #tpu.memory_space<vmem>>, vector<2000x128xf32>
    tpu.vector_store %arg17[%swap3A_92, %swap3A_93], %mul3A_91 {strides = array<i32>} : memref<2000x128xf32, #tpu.memory_space<vmem>>, vector<2000x128xf32>,
    %get3A_95 = arith.constant 0 : index
    %get3A_96 = arith.constant 0 : index
    %get3A_97 = vector.load %arg15[%get3A_95, %get3A_96] : memref<1x128xf32, #tpu.memory_space<vmem>>, vector<1x128xf32>
    %mul3A_98 = vector.broadcast %get3A_97 : vector<1x128xf32> to vector<2000x128xf32>
    %mul3A_99 = arith.mulf %mul3A_98, %get3A_1 : vector<2000x128xf32>
    %add3A_100 = arith.addf %add3A_87, %mul3A_99 : vector<2000x128xf32>
    %swap3A_101 = arith.constant 0 : index
    %swap3A_102 = arith.constant 0 : index
    %swap3A_103 = vector.load %arg18[%swap3A_101, %swap3A_102] : memref<2000x128xf32, #tpu.memory_space<vmem>>, vector<2000x128xf32>
    tpu.vector_store %arg18[%swap3A_101, %swap3A_102], %add3A_100 {strides = array<i32>} : memref<2000x128xf32, #tpu.memory_space<vmem>>, vector<2000x128xf32>,
    return
  }
  func.func @transform_0(%arg0: i32) -> (i32, i32) {
    %c0_i32 = arith.constant 0 : i32
    %c0_i32_0 = arith.constant 0 : i32
    return %arg0, %c0_i32 : i32, i32
  }
  func.func @transform_1(%arg0: i32) -> (i32, i32) {
    %c0_i32 = arith.constant 0 : i32
    %c0_i32_0 = arith.constant 0 : i32
    return %arg0, %c0_i32 : i32, i32
  }
  func.func @transform_2(%arg0: i32) -> (i32, i32) {
    %c0_i32 = arith.constant 0 : i32
    %c0_i32_0 = arith.constant 0 : i32
    return %arg0, %c0_i32 : i32, i32
  }
  func.func @transform_3(%arg0: i32) -> (i32, i32) {
    %c0_i32 = arith.constant 0 : i32
    %c0_i32_0 = arith.constant 0 : i32
    %c0_i32_1 = arith.constant 0 : i32
    return %c0_i32, %c0_i32_0 : i32, i32
  }
  func.func @transform_4(%arg0: i32) -> (i32, i32) {
    %c0_i32 = arith.constant 0 : i32
    %c0_i32_0 = arith.constant 0 : i32
    %c0_i32_1 = arith.constant 0 : i32
    return %c0_i32, %c0_i32_0 : i32, i32
  }
  func.func @transform_5(%arg0: i32) -> (i32, i32) {
    %c0_i32 = arith.constant 0 : i32
    %c0_i32_0 = arith.constant 0 : i32
    %c0_i32_1 = arith.constant 0 : i32
    return %c0_i32, %c0_i32_0 : i32, i32
  }
  func.func @transform_6(%arg0: i32) -> (i32, i32) {
    %c0_i32 = arith.constant 0 : i32
    %c0_i32_0 = arith.constant 0 : i32
    %c0_i32_1 = arith.constant 0 : i32
    return %c0_i32, %c0_i32_0 : i32, i32
  }
  func.func @transform_7(%arg0: i32) -> (i32, i32) {
    %c0_i32 = arith.constant 0 : i32
    %c0_i32_0 = arith.constant 0 : i32
    %c0_i32_1 = arith.constant 0 : i32
    return %c0_i32, %c0_i32_0 : i32, i32
  }
  func.func @transform_8(%arg0: i32) -> (i32, i32) {
    %c0_i32 = arith.constant 0 : i32
    %c0_i32_0 = arith.constant 0 : i32
    %c0_i32_1 = arith.constant 0 : i32
    return %c0_i32, %c0_i32_0 : i32, i32
  }
  func.func @transform_9(%arg0: i32) -> (i32, i32) {
    %c0_i32 = arith.constant 0 : i32
    %c0_i32_0 = arith.constant 0 : i32
    %c0_i32_1 = arith.constant 0 : i32
    return %c0_i32, %c0_i32_0 : i32, i32
  }
  func.func @transform_10(%arg0: i32) -> (i32, i32) {
    %c0_i32 = arith.constant 0 : i32
    %c0_i32_0 = arith.constant 0 : i32
    %c0_i32_1 = arith.constant 0 : i32
    return %c0_i32, %c0_i32_0 : i32, i32
  }
  func.func @transform_11(%arg0: i32) -> (i32, i32) {
    %c0_i32 = arith.constant 0 : i32
    %c0_i32_0 = arith.constant 0 : i32
    %c0_i32_1 = arith.constant 0 : i32
    return %c0_i32, %c0_i32_0 : i32, i32
  }
  func.func @transform_12(%arg0: i32) -> (i32, i32) {
    %c0_i32 = arith.constant 0 : i32
    %c0_i32_0 = arith.constant 0 : i32
    %c0_i32_1 = arith.constant 0 : i32
    return %c0_i32, %c0_i32_0 : i32, i32
  }
  func.func @transform_13(%arg0: i32) -> (i32, i32) {
    %c0_i32 = arith.constant 0 : i32
    %c0_i32_0 = arith.constant 0 : i32
    %c0_i32_1 = arith.constant 0 : i32
    return %c0_i32, %c0_i32_0 : i32, i32
  }
  func.func @transform_14(%arg0: i32) -> (i32, i32) {
    %c0_i32 = arith.constant 0 : i32
    %c0_i32_0 = arith.constant 0 : i32
    %c0_i32_1 = arith.constant 0 : i32
    return %c0_i32, %c0_i32_0 : i32, i32
  }
  func.func @transform_15(%arg0: i32) -> (i32, i32) {
    %c0_i32 = arith.constant 0 : i32
    %c0_i32_0 = arith.constant 0 : i32
    return %arg0, %c0_i32 : i32, i32
  }
  func.func @transform_16(%arg0: i32) -> (i32, i32) {
    %c0_i32 = arith.constant 0 : i32
    %c0_i32_0 = arith.constant 0 : i32
    return %arg0, %c0_i32 : i32, i32
  }
  func.func @transform_17(%arg0: i32) -> (i32, i32) {
    %c0_i32 = arith.constant 0 : i32
    %c0_i32_0 = arith.constant 0 : i32
    return %arg0, %c0_i32 : i32, i32
  }
}

module attributes {stable_mosaic.version = 14 : i64} {
  func.func @_edge_alpha_body(%arg0: i32, %arg1: memref<2000x128xf32, #tpu.memory_space<vmem>>, %arg2: memref<128x128xf32, #tpu.memory_space<vmem>>, %arg3: memref<128x128xf32, #tpu.memory_space<vmem>>, %arg4: memref<2000x128xf32, #tpu.memory_space<vmem>>, %arg5: memref<2000x128xf32, #tpu.memory_space<vmem>>) attributes {dimension_semantics = [#tpu.dimension_semantics<arbitrary>], iteration_bounds = array<i64: 160>, scalar_prefetch = 0 : i64, scratch_operands = 0 : i64, tpu.core_type = #tpu.core_type<tc>, window_params = [{transform_indices = @transform_0, window_bounds = array<i64: 2000, 128>}, {pipeline_mode = #tpu.pipeline_mode<synchronous>, transform_indices = @transform_1, window_bounds = array<i64: 128, 128>}, {pipeline_mode = #tpu.pipeline_mode<synchronous>, transform_indices = @transform_2, window_bounds = array<i64: 128, 128>}, {transform_indices = @transform_3, window_bounds = array<i64: 2000, 128>}, {transform_indices = @transform_4, window_bounds = array<i64: 2000, 128>}]} {
    %get3A = arith.constant 0 : index
    %get3A_0 = arith.constant 0 : index
    %get3A_1 = vector.load %arg1[%get3A, %get3A_0] : memref<2000x128xf32, #tpu.memory_space<vmem>>, vector<2000x128xf32>
    %get3A_2 = arith.constant 0 : index
    %get3A_3 = arith.constant 0 : index
    %get3A_4 = vector.load %arg2[%get3A_2, %get3A_3] : memref<128x128xf32, #tpu.memory_space<vmem>>, vector<128x128xf32>
    %dot_general3A = arith.constant dense<0.000000e+00> : vector<2000x128xf32>
    %dot_general3A_5 = tpu.matmul %get3A_1, %get3A_4, %dot_general3A {dimension_numbers = #tpu.dot_dimension_numbers<[1], [0], [0], [1], [0, 0, 1, 1], [], []>, transpose_lhs_hint = false} : vector<2000x128xf32>, vector<128x128xf32>, vector<2000x128xf32> -> vector<2000x128xf32>
    %exp3A = math.exp %dot_general3A_5 : vector<2000x128xf32>
    %swap3A = arith.constant 0 : index
    %swap3A_6 = arith.constant 0 : index
    %swap3A_7 = vector.load %arg4[%swap3A, %swap3A_6] : memref<2000x128xf32, #tpu.memory_space<vmem>>, vector<2000x128xf32>
    tpu.vector_store %arg4[%swap3A, %swap3A_6], %exp3A {strides = array<i32>} : memref<2000x128xf32, #tpu.memory_space<vmem>>, vector<2000x128xf32>,
    %get3A_8 = arith.constant 0 : index
    %get3A_9 = arith.constant 0 : index
    %get3A_10 = vector.load %arg3[%get3A_8, %get3A_9] : memref<128x128xf32, #tpu.memory_space<vmem>>, vector<128x128xf32>
    %dot_general3A_11 = arith.constant dense<0.000000e+00> : vector<2000x128xf32>
    %dot_general3A_12 = tpu.matmul %get3A_1, %get3A_10, %dot_general3A_11 {dimension_numbers = #tpu.dot_dimension_numbers<[1], [0], [0], [1], [0, 0, 1, 1], [], []>, transpose_lhs_hint = false} : vector<2000x128xf32>, vector<128x128xf32>, vector<2000x128xf32> -> vector<2000x128xf32>
    %exp3A_13 = math.exp %dot_general3A_12 : vector<2000x128xf32>
    %swap3A_14 = arith.constant 0 : index
    %swap3A_15 = arith.constant 0 : index
    %swap3A_16 = vector.load %arg5[%swap3A_14, %swap3A_15] : memref<2000x128xf32, #tpu.memory_space<vmem>>, vector<2000x128xf32>
    tpu.vector_store %arg5[%swap3A_14, %swap3A_15], %exp3A_13 {strides = array<i32>} : memref<2000x128xf32, #tpu.memory_space<vmem>>, vector<2000x128xf32>,
    return
  }
  func.func @transform_0(%arg0: i32) -> (i32, i32) {
    %c0_i32 = arith.constant 0 : i32
    %c0_i32_0 = arith.constant 0 : i32
    return %arg0, %c0_i32 : i32, i32
  }
  func.func @transform_1(%arg0: i32) -> (i32, i32) {
    %c0_i32 = arith.constant 0 : i32
    %c0_i32_0 = arith.constant 0 : i32
    %c0_i32_1 = arith.constant 0 : i32
    return %c0_i32, %c0_i32_0 : i32, i32
  }
  func.func @transform_2(%arg0: i32) -> (i32, i32) {
    %c0_i32 = arith.constant 0 : i32
    %c0_i32_0 = arith.constant 0 : i32
    %c0_i32_1 = arith.constant 0 : i32
    return %c0_i32, %c0_i32_0 : i32, i32
  }
  func.func @transform_3(%arg0: i32) -> (i32, i32) {
    %c0_i32 = arith.constant 0 : i32
    %c0_i32_0 = arith.constant 0 : i32
    return %arg0, %c0_i32 : i32, i32
  }
  func.func @transform_4(%arg0: i32) -> (i32, i32) {
    %c0_i32 = arith.constant 0 : i32
    %c0_i32_0 = arith.constant 0 : i32
    return %arg0, %c0_i32 : i32, i32
  }
}

module attributes {stable_mosaic.version = 14 : i64} {
  func.func @_node_mlp_body(%arg0: i32, %arg1: memref<1000x128xf32, #tpu.memory_space<vmem>>, %arg2: memref<1000x128xf32, #tpu.memory_space<vmem>>, %arg3: memref<1000x128xf32, #tpu.memory_space<vmem>>, %arg4: memref<1000x128xf32, #tpu.memory_space<vmem>>, %arg5: memref<1000x128xf32, #tpu.memory_space<vmem>>, %arg6: memref<128x128xf32, #tpu.memory_space<vmem>>, %arg7: memref<128x128xf32, #tpu.memory_space<vmem>>, %arg8: memref<128x128xf32, #tpu.memory_space<vmem>>, %arg9: memref<128x128xf32, #tpu.memory_space<vmem>>, %arg10: memref<128x128xf32, #tpu.memory_space<vmem>>, %arg11: memref<128x128xf32, #tpu.memory_space<vmem>>, %arg12: memref<128x128xf32, #tpu.memory_space<vmem>>, %arg13: memref<1x128xf32, #tpu.memory_space<vmem>>, %arg14: memref<1x128xf32, #tpu.memory_space<vmem>>, %arg15: memref<1x128xf32, #tpu.memory_space<vmem>>, %arg16: memref<1000x128xf32, #tpu.memory_space<vmem>>) attributes {dimension_semantics = [#tpu.dimension_semantics<arbitrary>], iteration_bounds = array<i64: 10>, scalar_prefetch = 0 : i64, scratch_operands = 0 : i64, tpu.core_type = #tpu.core_type<tc>, window_params = [{transform_indices = @transform_0, window_bounds = array<i64: 1000, 128>}, {transform_indices = @transform_1, window_bounds = array<i64: 1000, 128>}, {transform_indices = @transform_2, window_bounds = array<i64: 1000, 128>}, {transform_indices = @transform_3, window_bounds = array<i64: 1000, 128>}, {transform_indices = @transform_4, window_bounds = array<i64: 1000, 128>}, {pipeline_mode = #tpu.pipeline_mode<synchronous>, transform_indices = @transform_5, window_bounds = array<i64: 128, 128>}, {pipeline_mode = #tpu.pipeline_mode<synchronous>, transform_indices = @transform_6, window_bounds = array<i64: 128, 128>}, {pipeline_mode = #tpu.pipeline_mode<synchronous>, transform_indices = @transform_7, window_bounds = array<i64: 128, 128>}, {pipeline_mode = #tpu.pipeline_mode<synchronous>, transform_indices = @transform_8, window_bounds = array<i64: 128, 128>}, {pipeline_mode = #tpu.pipeline_mode<synchronous>, transform_indices = @transform_9, window_bounds = array<i64: 128, 128>}, {pipeline_mode = #tpu.pipeline_mode<synchronous>, transform_indices = @transform_10, window_bounds = array<i64: 128, 128>}, {pipeline_mode = #tpu.pipeline_mode<synchronous>, transform_indices = @transform_11, window_bounds = array<i64: 128, 128>}, {pipeline_mode = #tpu.pipeline_mode<synchronous>, transform_indices = @transform_12, window_bounds = array<i64: 1, 128>}, {pipeline_mode = #tpu.pipeline_mode<synchronous>, transform_indices = @transform_13, window_bounds = array<i64: 1, 128>}, {pipeline_mode = #tpu.pipeline_mode<synchronous>, transform_indices = @transform_14, window_bounds = array<i64: 1, 128>}, {transform_indices = @transform_15, window_bounds = array<i64: 1000, 128>}]} {
    %get3A = arith.constant 0 : index
    %get3A_0 = arith.constant 0 : index
    %get3A_1 = vector.load %arg1[%get3A, %get3A_0] : memref<1000x128xf32, #tpu.memory_space<vmem>>, vector<1000x128xf32>
    %get3A_2 = arith.constant 0 : index
    %get3A_3 = arith.constant 0 : index
    %get3A_4 = vector.load %arg2[%get3A_2, %get3A_3] : memref<1000x128xf32, #tpu.memory_space<vmem>>, vector<1000x128xf32>
    %get3A_5 = arith.constant 0 : index
    %get3A_6 = arith.constant 0 : index
    %get3A_7 = vector.load %arg4[%get3A_5, %get3A_6] : memref<1000x128xf32, #tpu.memory_space<vmem>>, vector<1000x128xf32>
    %add3A = arith.constant 1.000000e-16 : f32
    %add3A_8 = vector.broadcast %add3A : f32 to vector<1000x128xf32>
    %add3A_9 = arith.addf %get3A_7, %add3A_8 : vector<1000x128xf32>
    %div3A = arith.divf %get3A_4, %add3A_9 : vector<1000x128xf32>
    %get3A_10 = arith.constant 0 : index
    %get3A_11 = arith.constant 0 : index
    %get3A_12 = vector.load %arg3[%get3A_10, %get3A_11] : memref<1000x128xf32, #tpu.memory_space<vmem>>, vector<1000x128xf32>
    %get3A_13 = arith.constant 0 : index
    %get3A_14 = arith.constant 0 : index
    %get3A_15 = vector.load %arg5[%get3A_13, %get3A_14] : memref<1000x128xf32, #tpu.memory_space<vmem>>, vector<1000x128xf32>
    %add3A_16 = arith.constant 1.000000e-16 : f32
    %add3A_17 = vector.broadcast %add3A_16 : f32 to vector<1000x128xf32>
    %add3A_18 = arith.addf %get3A_15, %add3A_17 : vector<1000x128xf32>
    %div3A_19 = arith.divf %get3A_12, %add3A_18 : vector<1000x128xf32>
    %get3A_20 = arith.constant 0 : index
    %get3A_21 = arith.constant 0 : index
    %get3A_22 = vector.load %arg6[%get3A_20, %get3A_21] : memref<128x128xf32, #tpu.memory_space<vmem>>, vector<128x128xf32>
    %dot_general3A = arith.constant dense<0.000000e+00> : vector<1000x128xf32>
    %dot_general3A_23 = tpu.matmul %get3A_1, %get3A_22, %dot_general3A {dimension_numbers = #tpu.dot_dimension_numbers<[1], [0], [0], [1], [0, 0, 1, 1], [], []>, transpose_lhs_hint = false} : vector<1000x128xf32>, vector<128x128xf32>, vector<1000x128xf32> -> vector<1000x128xf32>
    %get3A_24 = arith.constant 0 : index
    %get3A_25 = arith.constant 0 : index
    %get3A_26 = vector.load %arg7[%get3A_24, %get3A_25] : memref<128x128xf32, #tpu.memory_space<vmem>>, vector<128x128xf32>
    %dot_general3A_27 = arith.constant dense<0.000000e+00> : vector<1000x128xf32>
    %dot_general3A_28 = tpu.matmul %div3A_19, %get3A_26, %dot_general3A_27 {dimension_numbers = #tpu.dot_dimension_numbers<[1], [0], [0], [1], [0, 0, 1, 1], [], []>, transpose_lhs_hint = false} : vector<1000x128xf32>, vector<128x128xf32>, vector<1000x128xf32> -> vector<1000x128xf32>
    %add3A_29 = arith.addf %dot_general3A_23, %dot_general3A_28 : vector<1000x128xf32>
    %get3A_30 = arith.constant 0 : index
    %get3A_31 = arith.constant 0 : index
    %get3A_32 = vector.load %arg8[%get3A_30, %get3A_31] : memref<128x128xf32, #tpu.memory_space<vmem>>, vector<128x128xf32>
    %dot_general3A_33 = arith.constant dense<0.000000e+00> : vector<1000x128xf32>
    %dot_general3A_34 = tpu.matmul %div3A, %get3A_32, %dot_general3A_33 {dimension_numbers = #tpu.dot_dimension_numbers<[1], [0], [0], [1], [0, 0, 1, 1], [], []>, transpose_lhs_hint = false} : vector<1000x128xf32>, vector<128x128xf32>, vector<1000x128xf32> -> vector<1000x128xf32>
    %add3A_35 = arith.addf %add3A_29, %dot_general3A_34 : vector<1000x128xf32>
    %get3A_36 = arith.constant 0 : index
    %get3A_37 = arith.constant 0 : index
    %get3A_38 = vector.load %arg9[%get3A_36, %get3A_37] : memref<128x128xf32, #tpu.memory_space<vmem>>, vector<128x128xf32>
    %dot_general3A_39 = arith.constant dense<0.000000e+00> : vector<1000x128xf32>
    %dot_general3A_40 = tpu.matmul %get3A_1, %get3A_38, %dot_general3A_39 {dimension_numbers = #tpu.dot_dimension_numbers<[1], [0], [0], [1], [0, 0, 1, 1], [], []>, transpose_lhs_hint = false} : vector<1000x128xf32>, vector<128x128xf32>, vector<1000x128xf32> -> vector<1000x128xf32>
    %get3A_41 = arith.constant 0 : index
    %get3A_42 = arith.constant 0 : index
    %get3A_43 = vector.load %arg10[%get3A_41, %get3A_42] : memref<128x128xf32, #tpu.memory_space<vmem>>, vector<128x128xf32>
    %dot_general3A_44 = arith.constant dense<0.000000e+00> : vector<1000x128xf32>
    %dot_general3A_45 = tpu.matmul %div3A_19, %get3A_43, %dot_general3A_44 {dimension_numbers = #tpu.dot_dimension_numbers<[1], [0], [0], [1], [0, 0, 1, 1], [], []>, transpose_lhs_hint = false} : vector<1000x128xf32>, vector<128x128xf32>, vector<1000x128xf32> -> vector<1000x128xf32>
    %add3A_46 = arith.addf %dot_general3A_40, %dot_general3A_45 : vector<1000x128xf32>
    %get3A_47 = arith.constant 0 : index
    %get3A_48 = arith.constant 0 : index
    %get3A_49 = vector.load %arg11[%get3A_47, %get3A_48] : memref<128x128xf32, #tpu.memory_space<vmem>>, vector<128x128xf32>
    %dot_general3A_50 = arith.constant dense<0.000000e+00> : vector<1000x128xf32>
    %dot_general3A_51 = tpu.matmul %div3A, %get3A_49, %dot_general3A_50 {dimension_numbers = #tpu.dot_dimension_numbers<[1], [0], [0], [1], [0, 0, 1, 1], [], []>, transpose_lhs_hint = false} : vector<1000x128xf32>, vector<128x128xf32>, vector<1000x128xf32> -> vector<1000x128xf32>
    %add3A_52 = arith.addf %add3A_46, %dot_general3A_51 : vector<1000x128xf32>
    %logistic3A = arith.negf %add3A_35 : vector<1000x128xf32>
    %logistic3A_53 = math.exp %logistic3A : vector<1000x128xf32>
    %logistic3A_54 = arith.constant 1.000000e+00 : f32
    %logistic3A_55 = vector.broadcast %logistic3A_54 : f32 to vector<1000x128xf32>
    %logistic3A_56 = arith.addf %logistic3A_55, %logistic3A_53 : vector<1000x128xf32>
    %logistic3A_57 = arith.divf %logistic3A_55, %logistic3A_56 : vector<1000x128xf32>
    %mul3A = arith.mulf %add3A_35, %logistic3A_57 : vector<1000x128xf32>
    %mul3A_58 = arith.mulf %mul3A, %add3A_52 : vector<1000x128xf32>
    %get3A_59 = arith.constant 0 : index
    %get3A_60 = arith.constant 0 : index
    %get3A_61 = vector.load %arg12[%get3A_59, %get3A_60] : memref<128x128xf32, #tpu.memory_space<vmem>>, vector<128x128xf32>
    %dot_general3A_62 = arith.constant dense<0.000000e+00> : vector<1000x128xf32>
    %dot_general3A_63 = tpu.matmul %mul3A_58, %get3A_61, %dot_general3A_62 {dimension_numbers = #tpu.dot_dimension_numbers<[1], [0], [0], [1], [0, 0, 1, 1], [], []>, transpose_lhs_hint = false} : vector<1000x128xf32>, vector<128x128xf32>, vector<1000x128xf32> -> vector<1000x128xf32>
    %reduce_sum3A = arith.constant dense<0.000000e+00> : vector<1000xf32>
    %reduce_sum3A_64 = vector.multi_reduction <add>, %dot_general3A_63, %reduce_sum3A [1] : vector<1000x128xf32> to vector<1000xf32>
    %broadcast_in_dim3A = vector.shape_cast %reduce_sum3A_64 : vector<1000xf32> to vector<1000x1xf32>
    %div3A_65 = arith.constant 1.280000e+02 : f32
    %div3A_66 = vector.broadcast %div3A_65 : f32 to vector<1000x1xf32>
    %div3A_67 = arith.divf %broadcast_in_dim3A, %div3A_66 : vector<1000x1xf32>
    %sub3A = vector.broadcast %div3A_67 : vector<1000x1xf32> to vector<1000x128xf32>
    %sub3A_68 = arith.subf %dot_general3A_63, %sub3A : vector<1000x128xf32>
    %mul3A_69 = arith.mulf %sub3A_68, %sub3A_68 : vector<1000x128xf32>
    %reduce_sum3A_70 = arith.constant dense<0.000000e+00> : vector<1000xf32>
    %reduce_sum3A_71 = vector.multi_reduction <add>, %mul3A_69, %reduce_sum3A_70 [1] : vector<1000x128xf32> to vector<1000xf32>
    %broadcast_in_dim3A_72 = vector.shape_cast %reduce_sum3A_71 : vector<1000xf32> to vector<1000x1xf32>
    %div3A_73 = arith.constant 1.280000e+02 : f32
    %div3A_74 = vector.broadcast %div3A_73 : f32 to vector<1000x1xf32>
    %div3A_75 = arith.divf %broadcast_in_dim3A_72, %div3A_74 : vector<1000x1xf32>
    %add3A_76 = arith.constant 9.99999974E-6 : f32
    %add3A_77 = vector.broadcast %add3A_76 : f32 to vector<1000x1xf32>
    %add3A_78 = arith.addf %div3A_75, %add3A_77 : vector<1000x1xf32>
    %rsqrt3A = math.rsqrt %add3A_78 : vector<1000x1xf32>
    %mul3A_79 = vector.broadcast %rsqrt3A : vector<1000x1xf32> to vector<1000x128xf32>
    %mul3A_80 = arith.mulf %sub3A_68, %mul3A_79 : vector<1000x128xf32>
    %get3A_81 = arith.constant 0 : index
    %get3A_82 = arith.constant 0 : index
    %get3A_83 = vector.load %arg13[%get3A_81, %get3A_82] : memref<1x128xf32, #tpu.memory_space<vmem>>, vector<1x128xf32>
    %mul3A_84 = vector.broadcast %get3A_83 : vector<1x128xf32> to vector<1000x128xf32>
    %mul3A_85 = arith.mulf %mul3A_80, %mul3A_84 : vector<1000x128xf32>
    %get3A_86 = arith.constant 0 : index
    %get3A_87 = arith.constant 0 : index
    %get3A_88 = vector.load %arg14[%get3A_86, %get3A_87] : memref<1x128xf32, #tpu.memory_space<vmem>>, vector<1x128xf32>
    %add3A_89 = vector.broadcast %get3A_88 : vector<1x128xf32> to vector<1000x128xf32>
    %add3A_90 = arith.addf %mul3A_85, %add3A_89 : vector<1000x128xf32>
    %get3A_91 = arith.constant 0 : index
    %get3A_92 = arith.constant 0 : index
    %get3A_93 = vector.load %arg15[%get3A_91, %get3A_92] : memref<1x128xf32, #tpu.memory_space<vmem>>, vector<1x128xf32>
    %mul3A_94 = vector.broadcast %get3A_93 : vector<1x128xf32> to vector<1000x128xf32>
    %mul3A_95 = arith.mulf %mul3A_94, %get3A_1 : vector<1000x128xf32>
    %add3A_96 = arith.addf %add3A_90, %mul3A_95 : vector<1000x128xf32>
    %swap3A = arith.constant 0 : index
    %swap3A_97 = arith.constant 0 : index
    %swap3A_98 = vector.load %arg16[%swap3A, %swap3A_97] : memref<1000x128xf32, #tpu.memory_space<vmem>>, vector<1000x128xf32>
    tpu.vector_store %arg16[%swap3A, %swap3A_97], %add3A_96 {strides = array<i32>} : memref<1000x128xf32, #tpu.memory_space<vmem>>, vector<1000x128xf32>,
    return
  }
  func.func @transform_0(%arg0: i32) -> (i32, i32) {
    %c0_i32 = arith.constant 0 : i32
    %c0_i32_0 = arith.constant 0 : i32
    return %arg0, %c0_i32 : i32, i32
  }
  func.func @transform_1(%arg0: i32) -> (i32, i32) {
    %c0_i32 = arith.constant 0 : i32
    %c0_i32_0 = arith.constant 0 : i32
    return %arg0, %c0_i32 : i32, i32
  }
  func.func @transform_2(%arg0: i32) -> (i32, i32) {
    %c0_i32 = arith.constant 0 : i32
    %c0_i32_0 = arith.constant 0 : i32
    return %arg0, %c0_i32 : i32, i32
  }
  func.func @transform_3(%arg0: i32) -> (i32, i32) {
    %c0_i32 = arith.constant 0 : i32
    %c0_i32_0 = arith.constant 0 : i32
    return %arg0, %c0_i32 : i32, i32
  }
  func.func @transform_4(%arg0: i32) -> (i32, i32) {
    %c0_i32 = arith.constant 0 : i32
    %c0_i32_0 = arith.constant 0 : i32
    return %arg0, %c0_i32 : i32, i32
  }
  func.func @transform_5(%arg0: i32) -> (i32, i32) {
    %c0_i32 = arith.constant 0 : i32
    %c0_i32_0 = arith.constant 0 : i32
    %c0_i32_1 = arith.constant 0 : i32
    return %c0_i32, %c0_i32_0 : i32, i32
  }
  func.func @transform_6(%arg0: i32) -> (i32, i32) {
    %c0_i32 = arith.constant 0 : i32
    %c0_i32_0 = arith.constant 0 : i32
    %c0_i32_1 = arith.constant 0 : i32
    return %c0_i32, %c0_i32_0 : i32, i32
  }
  func.func @transform_7(%arg0: i32) -> (i32, i32) {
    %c0_i32 = arith.constant 0 : i32
    %c0_i32_0 = arith.constant 0 : i32
    %c0_i32_1 = arith.constant 0 : i32
    return %c0_i32, %c0_i32_0 : i32, i32
  }
  func.func @transform_8(%arg0: i32) -> (i32, i32) {
    %c0_i32 = arith.constant 0 : i32
    %c0_i32_0 = arith.constant 0 : i32
    %c0_i32_1 = arith.constant 0 : i32
    return %c0_i32, %c0_i32_0 : i32, i32
  }
  func.func @transform_9(%arg0: i32) -> (i32, i32) {
    %c0_i32 = arith.constant 0 : i32
    %c0_i32_0 = arith.constant 0 : i32
    %c0_i32_1 = arith.constant 0 : i32
    return %c0_i32, %c0_i32_0 : i32, i32
  }
  func.func @transform_10(%arg0: i32) -> (i32, i32) {
    %c0_i32 = arith.constant 0 : i32
    %c0_i32_0 = arith.constant 0 : i32
    %c0_i32_1 = arith.constant 0 : i32
    return %c0_i32, %c0_i32_0 : i32, i32
  }
  func.func @transform_11(%arg0: i32) -> (i32, i32) {
    %c0_i32 = arith.constant 0 : i32
    %c0_i32_0 = arith.constant 0 : i32
    %c0_i32_1 = arith.constant 0 : i32
    return %c0_i32, %c0_i32_0 : i32, i32
  }
  func.func @transform_12(%arg0: i32) -> (i32, i32) {
    %c0_i32 = arith.constant 0 : i32
    %c0_i32_0 = arith.constant 0 : i32
    %c0_i32_1 = arith.constant 0 : i32
    return %c0_i32, %c0_i32_0 : i32, i32
  }
  func.func @transform_13(%arg0: i32) -> (i32, i32) {
    %c0_i32 = arith.constant 0 : i32
    %c0_i32_0 = arith.constant 0 : i32
    %c0_i32_1 = arith.constant 0 : i32
    return %c0_i32, %c0_i32_0 : i32, i32
  }
  func.func @transform_14(%arg0: i32) -> (i32, i32) {
    %c0_i32 = arith.constant 0 : i32
    %c0_i32_0 = arith.constant 0 : i32
    %c0_i32_1 = arith.constant 0 : i32
    return %c0_i32, %c0_i32_0 : i32, i32
  }
  func.func @transform_15(%arg0: i32) -> (i32, i32) {
    %c0_i32 = arith.constant 0 : i32
    %c0_i32_0 = arith.constant 0 : i32
    return %arg0, %c0_i32 : i32, i32
  }
}

</mosaic_0001>

<sc_bundles>
// kernel: kernel.11.cloned.1.call-start
scs
__scs_entry_jumppad:
0x0: {  	(pc) =	sbr.rel $0x88, $3  }
0x1: {  	(tag) =	ssettag $0x0;
	lr =	simm.s32 $0x1  }
0x2: {  	[smem:$0x3F8F] =	sst lr;
	_ =	strace $0xD0000000  }
0x3: {  	_ = 	snop  }
0x4: {  	_ = 	snop  }
0x5: {  	_ = 	snop  }
0x6: {  	_ = 	snop  }
0x7: {  	_ = 	snop  }
__scs_overlays_trampoline_lowered:
0x8: {  	[smem:$0x3F9E] =	sst s0  }
0x9: {  	[smem:$0x3F9F] =	sst s1  }
0xa: {  	[smem:$0x3FA0] =	sst s2  }
0xb: {  	[smem:$0x3FA1] =	sst s3  }
0xc: {  	[smem:$0x3FA2] =	sst s4  }
0xd: {  	[smem:$0x3FA3] =	sst s5  }
0xe: {  	[smem:$0x3FA4] =	sst s6  }
0xf: {  	[smem:$0x3FA5] =	sst s7  }
0x10: {  	[smem:$0x3FA6] =	sst s8  }
0x11: {  	[smem:$0x3FA7] =	sst s9;
	s0 =	simm.s32 @!p0 $0x0  }
0x12: {  	s1 =	sld [smem:$0x3F8D];
	s0 =	simm.s32 @p0 $0x1  }
0x13: {  	[smem:$0x3FA8] =	sst s0;
	s0 =	simm.s32 @!p1 $0x0  }
0x14: {  	s2 =	sld [smem:$0x3F8C];
	s0 =	simm.s32 @p1 $0x1  }
0x15: {  	[smem:$0x3FA9] =	sst s0;
	s0 =	simm.s32 @!p2 $0x0  }
0x16: {  	s3 =	sld [smem:$0x3FDB];
	s0 =	simm.s32 @p2 $0x1  }
0x17: {  	s4 =	simm.s32 $0x1BF5;
	[smem:$0x3FAB] =	sst s0  }
0x18: {  	s0 =	sld [smem:$0x3F8E];
	_ =	swait.ge [sflag:s4], $0x0  }
0x19: {  	s7 =	sld [smem:$0x3F8F]  }
0x1a: {  	s8 =	sadd.s32 $0xFFFFE003, lr  }
0x1b: {  	s9 =	sadd.s32 $0xFFFFFEF7, lr;
	s5 =	simm.s32 $0xFFFFFFFF;
	p2 =	slt.u32 s8, $0xFFFFF086  }
0x1c: {  	p1 =	slt.u32 s9, $0xF7A;
	s5 =	simm.s32 @!p2 $0x0  }
0x1d: {  	s5 =	simm.s32 @p1 $0x1;
	p0 =	seq.s32 s7, s2  }
0x1e: {  	s7 =	smul.u32 @!p0 $0xF7A, s2;
	p2 =	seq.s32 @!p0 s5, $0x0  }
0x1f: {  	s9 =	smul.u32 $0xF7A, s1;
	s8 =	simm.s32 @!p0 $0x1BF5;
	p2 =	por !p2, p0  }
0x20: {  	[sflag:s8] =	ssyncset.s32 @!p0 $0xFFFFF086;
	s6 =	sadd.s32 @!p0 s3, s7;
	s7 =	simm.s32 @!p0 $0x108  }
0x21: {  	s3 =	sadd.s32 s3, s9;
	s6 =	sadd.s32 @!p0 $0x88, s6;
	s7 =	simm.s32 @p2 $0x1082  }
0x22: {  	[simem:s7], [sflag:s8] =	dma.local @!p0 [hbm:s6], $0xF7A  }
0x23: {  	s9 =	sor.u32 $0xD0000000, s2;
	s6 =	simm.s32 $0x108;
	_ =	swait.ge @!p0 [sflag:s8], $0x0  }
0x24: {  	s3 =	sadd.s32 $0x88, s3;
	s6 =	simm.s32 @!p1 $0x1082;
	[sflag:s4] =	ssyncset.s32 $0xFFFFF086  }
0x25: {  	[simem:s6], [sflag:s4] =	dma.local [hbm:s3], $0xF7A  }
0x26: {  	[smem:$0x3F8F] =	sst s1;
	(tag) =	ssettag s2;
	_ =	strace s9  }
0x27: {  	s1 =	sld [smem:$0x3F9F]  }
0x28: {  	s2 =	sld [smem:$0x3FA0]  }
0x29: {  	s4 =	sld [smem:$0x3FA2]  }
0x2a: {  	p0 =	seq.s32 s5, $0x0;
	s5 =	sld [smem:$0x3FA3]  }
0x2b: {  	s6 =	sld [smem:$0x3FA4]  }
0x2c: {  	s7 =	sld [smem:$0x3FA5]  }
0x2d: {  	s3 =	simm.s32 $0x108;
	s8 =	sld [smem:$0x3FA6]  }
0x2e: {  	s3 =	simm.s32 @!p0 $0x1082;
	s9 =	sld [smem:$0x3FA7]  }
0x2f: {  	lr =	sadd.s32 s0, s3;
	s0 =	sld [smem:$0x3F9E]  }
0x30: {  	s3 =	sld [smem:$0x3FA1]  }
0x31: {  	[smem:$0x3FAA] =	sst s10  }
0x32: {  	s10 =	sld [smem:$0x3FA8];
	_ =	sdelay $0x3  }
0x33: {  	p0 =	seq.s32 s10, $0x1;
	s10 =	sld [smem:$0x3FAA];
	_ =	sdelay $0x3  }
0x34: {  	[smem:$0x3FAA] =	sst s10  }
0x35: {  	s10 =	sld [smem:$0x3FA9];
	_ =	sdelay $0x3  }
0x36: {  	p1 =	seq.s32 s10, $0x1;
	s10 =	sld [smem:$0x3FAA];
	_ =	sdelay $0x3  }
0x37: {  	[smem:$0x3FAA] =	sst s10  }
0x38: {  	s10 =	sld [smem:$0x3FAB]  }
0x39: {  	_ = 	snop;
	(pc) =	sbr.ind lr, $3  }
0x3a: {  	_ = 	snop  }
0x3b: {  	_ = 	snop  }
0x3c: {  	p2 =	seq.s32 s10, $0x1;
	s10 =	sld [smem:$0x3FAA]  }
0x3d: {  	_ =	shalt  }
0x3e: {  	_ =	shalt  }
0x3f: {  	_ =	shalt  }
0x40: {  	_ =	shalt  }
0x41: {  	_ =	shalt  }
0x42: {  	_ =	shalt  }
0x43: {  	_ =	shalt  }
0x44: {  	_ =	shalt  }
0x45: {  	_ =	shalt  }
0x46: {  	_ =	shalt  }
0x47: {  	_ =	shalt  }
0x48: {  	_ =	shalt  }
0x49: {  	_ =	shalt  }
0x4a: {  	_ =	shalt  }
0x4b: {  	_ =	shalt  }
0x4c: {  	_ =	shalt  }
0x4d: {  	_ =	shalt  }
0x4e: {  	_ =	shalt  }
0x4f: {  	_ =	shalt  }
0x50: {  	_ =	shalt  }
0x51: {  	_ =	shalt  }
0x52: {  	_ =	shalt  }
0x53: {  	_ =	shalt  }
0x54: {  	_ =	shalt  }
0x55: {  	_ =	shalt  }
0x56: {  	_ =	shalt  }
0x57: {  	_ =	shalt  }
0x58: {  	_ =	shalt  }
0x59: {  	_ =	shalt  }
0x5a: {  	_ =	shalt  }
0x5b: {  	_ =	shalt  }
0x5c: {  	_ =	shalt  }
0x5d: {  	_ =	shalt  }
0x5e: {  	_ =	shalt  }
0x5f: {  	_ =	shalt  }
0x60: {  	_ =	shalt  }
0x61: {  	_ =	shalt  }
0x62: {  	_ =	shalt  }
0x63: {  	_ =	shalt  }
0x64: {  	_ =	shalt  }
0x65: {  	_ =	shalt  }
0x66: {  	_ =	shalt  }
0x67: {  	_ =	shalt  }
0x68: {  	_ =	shalt  }
0x69: {  	_ =	shalt  }
0x6a: {  	_ =	shalt  }
0x6b: {  	_ =	shalt  }
0x6c: {  	_ =	shalt  }
0x6d: {  	_ =	shalt  }
0x6e: {  	_ =	shalt  }
0x6f: {  	_ =	shalt  }
0x70: {  	_ =	shalt  }
0x71: {  	_ =	shalt  }
0x72: {  	_ =	shalt  }
0x73: {  	_ =	shalt  }
0x74: {  	_ =	shalt  }
0x75: {  	_ =	shalt  }
0x76: {  	_ =	shalt  }
0x77: {  	_ =	shalt  }
0x78: {  	_ =	shalt  }
0x79: {  	_ =	shalt  }
0x7a: {  	_ =	shalt  }
0x7b: {  	_ =	shalt  }
0x7c: {  	_ =	shalt  }
0x7d: {  	_ =	shalt  }
0x7e: {  	_ =	shalt  }
0x7f: {  	_ =	shalt  }
0x80: {  	_ =	shalt  }
0x81: {  	_ =	shalt  }
0x82: {  	_ =	shalt  }
0x83: {  	_ =	shalt  }
0x84: {  	_ =	shalt  }
0x85: {  	_ =	shalt  }
0x86: {  	_ =	shalt  }
0x87: {  	_ =	shalt  }
.Lfunc_end0:
.L_simem_size_0:
called_computation.1_lowered:
.L_overlay_start_0:
0x88: {  	s2 =	sld [smem:$0x3FD9]  }
0x89: {  	s3 =	sld [smem:$0x3FFE];
	_ =	sdelay $0x1  }
0x8a: {  	s1 =	srdreg.scid  }
0x8b: {  	s0 =	sand.u32 $0x1, s1  }
0x8c: {  	s15 =	sshll.u32 s0, $0xA;
	s2 =	sadd.s32 s3, s2  }
0x8d: {  	s2 =	sadd.s32 s2, s15  }
0x8e: {  	[smem:$0x3FB6] =	sst s2  }
0x8f: {  	_ = 	snop  }
0x90: {  	s4 =	sld [smem:$0x3FD0];
	_ =	sdelay $0x1  }
0x91: {  	s2 =	sld [smem:$0x3FC7]  }
0x92: {  	s5 =	simm.s32 $0xB;
	s6 =	simm.s32 $0x10;
	s16 =	sld [smem:$0x3FC6]  }
0x93: {  	[smem:s6], [sflag:s5] =	dma.local [hbm:s4], $0x1  }
0x94: {  	_ =	swait.eq [sflag:s5], $0x1  }
0x95: {  	[sflag:s5] =	ssyncset.done $0x0  }
0x96: {  	[sflag:s5] =	ssyncadd.s32 $0xFFFFFFFF  }
0x97: {  	s17 =	sld [smem:$0x10];
	(tm) =	ssettm $0x1  }
0x98: {  	s18 =	sld [smem:$0x3FFB];
	_ =	sdelay $0x3  }
0x99: {  	_ =	strace s18  }
0x9a: {  	s4 =	sld [smem:$0x3FFC];
	_ =	sdelay $0x3  }
0x9b: {  	_ =	strace s4  }
0x9c: {  	s4 =	sld [smem:$0x3FFD];
	_ =	sdelay $0x3  }
0x9d: {  	_ =	strace s4  }
0x9e: {  	_ =	strace $0x8FFFFFFF  }
0x9f: {  	s19 =	sld [smem:$0x3FDB];
	_ =	sdelay $0x1  }
0xa0: {  	s20 =	simm.s32 $_scs_section_size  }
0xa1: {  	s7 =	simm.s32 $_size__tile_overlayer_lowered;
	s8 =	simm.s32 $_tile_overlayer_lowered  }
0xa2: {  	s9 =	simm.s32 $0x1BFF;
	s21 =	sshll.u32 s8, $0x1;
	s6 =	sadd.s32 s20, s19  }
0xa3: {  	s22 =	simm.s32 $0x0;
	s7 =	sshll.u32 s7, $0x1;
	s8 =	sadd.s32 s21, s6  }
0xa4: {  	[timem:s22], [sflag:s9] =	dma.local [hbm:s8], s7  }
0xa5: {  	_ =	swait.ge [sflag:s9], s7  }
0xa6: {  	s7 =	ssub.s32 $0x0, s7;
	[sflag:s9] =	ssyncset.done $0x0  }
0xa7: {  	[sflag:s9] =	ssyncadd.s32 s7;
	_ =	sdelay $0x1  }
0xa8: {  	s23 =	simm.s32 $0x1B8B  }
0xa9: {  	_ =	swait.ge [sflag:s23], $0x1  }
0xaa: {  	[sflag:s23] =	ssyncset.done $0x0  }
0xab: {  	[sflag:s23] =	ssyncadd.s32 $0xFFFFFFFF  }
0xac: {  	s7 =	sld [smem:$0x0]  }
0xad: {  	s8 =	sand.u32 $0xFFFFFFFE, s1  }
0xae: {  	p0 =	sne.s32 s1, s8  }
0xaf: {  	s8 =	sshll.u32 @p0 s8, $0xE  }
0xb0: {  	s8 =	sadd.s32 @p0 $0x11B8D, s8;
	s9 =	sshll.u32 @p0 s7, $0x11  }
0xb1: {  	s8 =	sor.u32 @p0 s9, s8  }
0xb2: {  	[sflag:s8] =	ssyncadd.remote.s32 @p0 $0x1;
	_ =	sdelay $0x1  }
0xb3: {  	s8 =	simm.s32 @p0 $0x1B8D  }
0xb4: {  	_ =	swait.eq @p0 [sflag:s8], $0x1  }
0xb5: {  	[sflag:s8] =	ssyncadd.s32 @p0 $0xFFFFFFFF  }
0xb6: {  	s9 =	sshll.u32 @!p0 s1, $0xE  }
0xb7: {  	s9 =	sor.u32 @!p0 $0x4000, s9;
	s8 =	simm.s32 @!p0 $0x1B8D  }
0xb8: {  	s7 =	sshll.u32 @!p0 s7, $0x11;
	s9 =	sadd.s32 @!p0 $0x11B8D, s9;
	_ =	swait.eq @!p0 [sflag:s8], $0x1  }
0xb9: {  	s7 =	sor.u32 @!p0 s7, s9;
	[sflag:s8] =	ssyncadd.s32 @!p0 $0xFFFFFFFF  }
0xba: {  	s25 =	simm.s32 $0x1B8E;
	s24 =	sld [smem:$0x3FFE];
	[sflag:s7] =	ssyncadd.remote.s32 @!p0 $0x1  }
0xbb: {  	s26 =	simm.s32 $execute0_lowered;
	[smem:$0x3FD2] =	sst s25  }
0xbc: {  	s8 =	sshll.u32 s26, $0x1;
	_ =	strace $0x80000049;
	[dreg:$0x1] =	wrdreg $0xFFFFFFFF  }
0xbd: {  	s28 =	simm.s32 $_size_execute0_lowered;
	s6 =	sadd.s32 s6, s8;
	[dreg:$0x0] =	wrdreg $0x0  }
0xbe: {  	s8 =	sshll.u32 s28, $0x1;
	[dreg:$0x2] =	wrdreg s6  }
0xbf: {  	[dreg:$0x3] =	wrdreg s8  }
0xc0: {  	[dreg:$0x4] =	wrdreg $0xC0  }
0xc1: {  	_ =	task [dreg:s22], $0x5FFFF  }
0xc2: {  	[dreg:$0x1] =	wrdreg $0xFFFFFFFF  }
0xc3: {  	[dreg:$0x0] =	wrdreg $0x60  }
0xc4: {  	[dreg:$0x2] =	wrdreg s24  }
0xc5: {  	[dreg:$0x3] =	wrdreg s2  }
0xc6: {  	[dreg:$0x4] =	wrdreg s16  }
0xc7: {  	[dreg:$0x5] =	wrdreg s17  }
0xc8: {  	[dreg:$0x6] =	wrdreg $0x91800  }
0xc9: {  	[dreg:$0x7] =	wrdreg $0x9  }
0xca: {  	_ =	task.clear_ibuf [dreg:s22], $0x8FFFF;
	_ =	strace $0x90000049  }
0xcb: {  	s29 =	simm.s32 $0x9;
	_ =	strace $0x8000004B  }
0xcc: {  	_ =	swait.ge [sflag:s29], $0x1  }
0xcd: {  	[sflag:s29] =	ssyncadd.s32 $0xFFFFFFFF  }
0xce: {  	_ =	strace $0x9000004B  }
0xcf: {  	_ =	sfence  }
0xd0: {  	s30 =	sld [smem:$0x0];
	_ =	sdelay $0x2  }
0xd1: {  	s31 =	sshll.u32 s1, $0xD;
	s1 =	sshrl.u32 s1, $0x2  }
0xd2: {  	s3 =	sand.u32 $0x4000, s31;
	s1 =	sadd.s32 s1, s30  }
0xd3: {  	s0 =	sor.u32 s3, s0;
	s1 =	sshll.u32 s1, $0x11  }
0xd4: {  	s0 =	sor.u32 s1, s0  }
0xd5: {  	s0 =	sadd.s32 $0x8F2B, s0  }
0xd6: {  	[sflag:s0] =	ssyncadd.remote.s32 $0x1  }
0xd7: {  	_ =	sfence.sel $0xFFFF  }
0xd8: {  	[dreg:$0x0] =	wrdreg $0xFFFFFFFF;
	(pc) =	sbr.abs _section_cstart, $3  }
0xd9: {  	[dreg:$0x1] =	wrdreg $0xFFFFFFFF  }
0xda: {  	_ =	task.clear_ibuf [dreg:s22], $0x2FFFF;
	_ =	strace $0x9FFFFFFF  }
0xdb: {  	(tm) =	ssettm $0x7FFFFFFF  }
tec
execute0_lowered:
.L_overlay_start_1:
0x0: {  	(tag) =	ssettag $0x1  }
0x1: {  	s0 =	rddreg [dreg:$0x0]  }
0x2: {  	s4 =	rddreg [dreg:$0x1]  }
0x3: {  	s6 =	rddreg [dreg:$0x2]  }
0x4: {  	s1 =	rddreg [dreg:$0x4];
	s2 =	simm.s32 $0x0;
	s5 =	srdreg.scid  }
0x5: {  	s3 =	stileid.u32;
	s28 =	simm.s32 $0x1;
	s29 =	simm.s32 $0x80  }
0x6: {  	s30 =	simm.s32 $0x4100;
	s31 =	simm.s32 $0x2;
	s9 =	smul.u32 $0x4E20, s3  }
0x7: {  	[smem:$0x7FF] =	sst s2;
	s8 =	sadd.s32 $0x9C8800, s0;
	s12 =	smul.u32 $0x4E200, s3  }
0x8: {  	s7 =	sand.u32 $0x1, s5;
	s10 =	sadd.s32 $0xEAA800, s0;
	s26 =	smul.u32 $0x9C4, s3  }
0x9: {  	p3 =	seq.s32 s3, $0x0;
	s5 =	ssub.s32 $0x2, s7;
	p0 =	seq.s32 s7, $0x1  }
0xa: {  	p1 =	sne.s32 s7, $0x0;
	s7 =	sor.u32 s7, s3;
	s11 =	sshrl.u32 s5, $0x1  }
0xb: {  	s13 =	sshrl.u32 s9, $0x3;
	s14 =	sadd.s32 $0x4E00, s9;
	s16 =	sadd.s32 $0x100, s9  }
0xc: {  	s21 =	sadd.s32 $0x80, s9;
	s9 =	sadd.s32 s10, s12;
	p2 =	sne.s32 s7, $0x0  }
0xd: {  	p3 =	por !p3, !p0;
	s7 =	simm.s32 $0x8180;
	s11 =	ssub.s32 s5, s11  }
0xe: {  	s19 =	sadd.s32 s4, s13;
	s5 =	sadd.s32 s8, s12;
	s15 =	sshrl.u32 s14, $0x3  }
0xf: {  	s14 =	sshll.u32 s14, $0x4;
	s13 =	sadd.s32 s6, s13;
	[dreg:$0x6] =	wrdreg s19  }
0x10: {  	s23 =	sshrl.u32 s21, $0x3;
	s17 =	sadd.s32 s4, s15;
	[dreg:$0x9] =	wrdreg s13  }
0x11: {  	p4 =	por !p3, !p3;
	s20 =	sadd.s32 s8, s14;
	[dreg:$0x7] =	wrdreg s17  }
0x12: {  	p3 =	sne.s32 s3, $0x0;
	s22 =	sadd.s32 s6, s15;
	[dreg:$0x8] =	wrdreg s20  }
0x13: {  	s14 =	sadd.s32 s10, s14;
	s24 =	sadd.s32 s4, s23;
	[dreg:$0xa] =	wrdreg s22  }
0x14: {  	s13 =	sshll.u32 s21, $0x4;
	s19 =	sadd.s32 s6, s23;
	[dreg:$0xb] =	wrdreg s14  }
0x15: {  	s21 =	sadd.s32 $0x138C800, s0;
	s23 =	smax.u32 s11, $0x1;
	[dreg:$0xc] =	wrdreg s24  }
0x16: {  	s25 =	sadd.s32 s8, s13;
	s20 =	sshrl.u32 s16, $0x3;
	s16 =	sshll.u32 s16, $0x4  }
0x17: {  	s15 =	sadd.s32 s10, s13;
	s22 =	sadd.s32 $0x13B3A00, s0;
	s0 =	simm.s32 $0x4  }
0x18: {  	[dreg:$0xd] =	wrdreg s25;
	s8 =	sadd.s32 s8, s16;
	s17 =	sadd.s32 s10, s16  }
.Ltmp0:
0x19: {  	s18 =	sadd.s32 s4, s20;
	s20 =	sadd.s32 s6, s20;
	(pc) =	sbr.rel .LBB2_1-.Ltmp0, $4  }
0x1a: {  	s4 =	sadd.s32 s26, s4;
	s6 =	sadd.s32 s26, s6;
	s26 =	simm.s32 $0x100  }
0x1b: {  	s16 =	simm.s32 $0x3;
	s10 =	simm.s32 $0x0;
	[dreg:$0xe] =	wrdreg s8  }
0x1c: {  	s12 =	sadd.s32 $0x40, s4;
	s25 =	sadd.s32 $0x40, s6;
	s4 =	simm.s32 $0x8100  }
0x1d: {  	s6 =	simm.s32 $0x5;
	s8 =	simm.s32 $0x20;
	_ =	strace $0x8000004A  }
.LBB2_10:
0x1e: {  	_ =	swait.ge [sflag:s0], $0x4000  }
0x1f: {  	[sflag:s0] =	ssyncset.done $0x0  }
0x20: {  	s11 =	rddreg [dreg:$0xa];
	[sflag:s0] =	ssyncadd.s32 $0xFFFFC000  }
0x21: {  	[tilespmem:s4], [sflag:$0x5] =	stream.linear.gather [hbm4b:s11+s2], $0x20, $0x38;
	[tilespmem:$0x1CA00] =	vst v63  }
0x22: {  	_ =	swait.ge [sflag:s6], $0x20  }
0x23: {  	[sflag:s6] =	ssyncset.done $0x0  }
0x24: {  	s24 =	rddreg [dreg:$0xb];
	[sflag:s6] =	ssyncadd.s32 $0xFFFFFFE0  }
0x25: {  	[tilespmem:s7], [sflag:$0x5] =	stream.linear.gather [hbm4b:s24+s2], $0x1000, $0x38;
	[tilespmem:$0x1CA00] =	vst v63  }
0x26: {  	_ =	swait.ge [sflag:s6], $0x1000  }
0x27: {  	[sflag:s6] =	ssyncset.done $0x0  }
0x28: {  	[sflag:s6] =	ssyncadd.s32 $0xFFFFF000  }
0x29: {  	[spmem:s1] =	stream.indirect.scatter.add.f32 [tilespmem:s7], [sflag:$0x5], $0x80, s4, s8, $0xb8;
	[tilespmem:$0x1CA00] =	vst v63  }
0x2a: {  	_ =	swait.ge [sflag:s6], $0x1000  }
0x2b: {  	[sflag:s6] =	ssyncset.done $0x0  }
0x2c: {  	[sflag:s6] =	ssyncadd.s32 $0xFFFFF000  }
.LBB2_11:
0x2d: {  	s11 =	sshll.u32 @!p2 s3, $0x6  }
0x2e: {  	[bflag:$0x0] =	sbarrier.arrive $0xFFFF;
	s13 =	sshrl.u32 @!p2 s1, $0x3;
	s11 =	sor.u32 @!p2 $0x1C05, s11  }
0x2f: {  	[hbm:s21], [sflag:s11] =	dma.local @!p2 [spmem:s13], $0x27100  }
0x30: {  	s11 =	simm.s32 @!p2 $0x5  }
0x31: {  	s10 =	sadd.s32 $0x1, s10;
	_ =	swait.ge @!p2 [sflag:s11], $0x27100  }
0x32: {  	p5 =	sne.s32 s10, s23;
	[sflag:s11] =	ssyncset.done @!p2 $0x0  }
0x33: {  	s13 =	simm.s32 @p4 $0x1C05;
	[sflag:s11] =	ssyncadd.s32 @!p2 $0xFFFD8F00;
	s11 =	sshrl.u32 @p4 s1, $0x3  }
0x34: {  	[hbm:s22], [sflag:s13] =	dma.local @p4 [spmem:s11], $0x27100  }
.Ltmp1:
0x35: {  	_ = 	snop;
	(pc) =	sbr.rel @!p5 .LBB2_12-.Ltmp1, $4  }
0x36: {  	s11 =	simm.s32 @p4 $0x5  }
0x37: {  	_ =	swait.ge @p4 [sflag:s11], $0x27100  }
0x38: {  	[sflag:s11] =	ssyncset.done @p4 $0x0  }
0x39: {  	[sflag:s11] =	ssyncadd.s32 @p4 $0xFFFD8F00  }
.LBB2_1:
0x3a: {  	s11 =	sshrl.u32 @!p3 s1, $0x3;
	s13 =	simm.s32 @!p3 $0x1C05;
	s14 =	rddreg [dreg:$0x3]  }
0x3b: {  	[spmem:s11], [sflag:s13] =	dma.local @!p3 [hbm:s14], $0x27100  }
0x3c: {  	s11 =	simm.s32 @!p3 $0x5  }
.Ltmp2:
0x3d: {  	_ =	swait.ge @!p3 [sflag:s11], $0x27100;
	(pc) =	sbr.rel @p1 .LBB2_6-.Ltmp2, $3  }
0x3e: {  	[sflag:s11] =	ssyncset.done @!p3 $0x0  }
0x3f: {  	[sflag:s11] =	ssyncadd.s32 @!p3 $0xFFFD8F00  }
0x40: {  	[bflag:$0x0] =	sbarrier.arrive $0xFFFF;
	_ =	sdelay $0x1  }
0x41: {  	s11 =	simm.s32 $0x0;
	s13 =	rddreg [dreg:$0x6]  }
0x42: {  	[tilespmem:s11], [sflag:$0x1] =	stream.linear.gather [hbm4b:s13+s11], $0x80, $0x38;
	[tilespmem:$0x1CA00] =	vst v63  }
0x43: {  	_ = 	snop  }
0x44: {  	[tilespmem:s26], [sflag:$0x1] =	stream.linear.gather [hbm4b:s5+s11], $0x4000, $0x38;
	[tilespmem:$0x1CA00] =	vst v63  }
0x45: {  	_ =	swait.ge [sflag:s28], $0x80  }
0x46: {  	[sflag:s28] =	ssyncset.done $0x0  }
0x47: {  	[sflag:s28] =	ssyncadd.s32 $0xFFFFFF80  }
0x48: {  	_ =	swait.ge [sflag:s28], $0x4000  }
0x49: {  	[sflag:s28] =	ssyncset.done $0x0  }
0x4a: {  	[sflag:s28] =	ssyncadd.s32 $0xFFFFC000  }
0x4b: {  	[spmem:s1] =	stream.indirect.scatter.add.f32 [tilespmem:s26], [sflag:$0x3], $0x80, s11, s29, $0xb8;
	[tilespmem:$0x1CA00] =	vst v63  }
0x4c: {  	s24 =	rddreg [dreg:$0xc]  }
0x4d: {  	[tilespmem:s29], [sflag:$0x2] =	stream.linear.gather [hbm4b:s24+s11], $0x80, $0x38;
	[tilespmem:$0x1CA00] =	vst v63  }
0x4e: {  	s14 =	rddreg [dreg:$0xd]  }
0x4f: {  	[tilespmem:s30], [sflag:$0x2] =	stream.linear.gather [hbm4b:s14+s11], $0x4000, $0x38;
	[tilespmem:$0x1CA00] =	vst v63  }
0x50: {  	_ =	swait.ge [sflag:s31], $0x80  }
0x51: {  	[sflag:s31] =	ssyncset.done $0x0  }
0x52: {  	[sflag:s31] =	ssyncadd.s32 $0xFFFFFF80  }
0x53: {  	_ =	swait.ge [sflag:s31], $0x4000  }
0x54: {  	[sflag:s31] =	ssyncset.done $0x0  }
0x55: {  	[sflag:s31] =	ssyncadd.s32 $0xFFFFC000  }
0x56: {  	[spmem:s1] =	stream.indirect.scatter.add.f32 [tilespmem:s30], [sflag:$0x4], $0x80, s29, s29, $0xb8;
	[tilespmem:$0x1CA00] =	vst v63  }
0x57: {  	_ =	swait.ge [sflag:s16], $0x4000  }
0x58: {  	[sflag:s16] =	ssyncset.done $0x0  }
0x59: {  	[sflag:s16] =	ssyncadd.s32 $0xFFFFC000  }
0x5a: {  	[tilespmem:s11], [sflag:$0x1] =	stream.linear.gather [hbm4b:s18+s11], $0x80, $0x38;
	[tilespmem:$0x1CA00] =	vst v63  }
0x5b: {  	s24 =	rddreg [dreg:$0xe]  }
0x5c: {  	[tilespmem:s26], [sflag:$0x1] =	stream.linear.gather [hbm4b:s24+s11], $0x4000, $0x38;
	[tilespmem:$0x1CA00] =	vst v63  }
0x5d: {  	s24 =	smov.u32 s12  }
.LBB2_3:
0x5e: {  	_ =	swait.ge [sflag:s28], $0x80  }
0x5f: {  	[sflag:s28] =	ssyncset.done $0x0  }
0x60: {  	[sflag:s28] =	ssyncadd.s32 $0xFFFFFF80  }
0x61: {  	_ =	swait.ge [sflag:s28], $0x4000  }
0x62: {  	[sflag:s28] =	ssyncset.done $0x0  }
0x63: {  	[sflag:s28] =	ssyncadd.s32 $0xFFFFC000  }
0x64: {  	[spmem:s1] =	stream.indirect.scatter.add.f32 [tilespmem:s26], [sflag:$0x3], $0x80, s2, s29, $0xb8;
	[tilespmem:$0x1CA00] =	vst v63  }
0x65: {  	_ =	swait.ge [sflag:s0], $0x4000  }
0x66: {  	[sflag:s0] =	ssyncset.done $0x0  }
0x67: {  	s13 =	sadd.s32 $0xFFFFFFF0, s24;
	[sflag:s0] =	ssyncadd.s32 $0xFFFFC000  }
0x68: {  	[tilespmem:s29], [sflag:$0x2] =	stream.linear.gather [hbm4b:s13+s2], $0x80, $0x38;
	[tilespmem:$0x1CA00] =	vst v63  }
0x69: {  	s13 =	sadd.s32 s11, s5  }
0x6a: {  	s14 =	sadd.s32 $0x1800, s13  }
0x6b: {  	[tilespmem:s30], [sflag:$0x2] =	stream.linear.gather [hbm4b:s14+s2], $0x4000, $0x38;
	[tilespmem:$0x1CA00] =	vst v63  }
0x6c: {  	_ =	swait.ge [sflag:s31], $0x80  }
0x6d: {  	[sflag:s31] =	ssyncset.done $0x0  }
0x6e: {  	[sflag:s31] =	ssyncadd.s32 $0xFFFFFF80  }
0x6f: {  	_ =	swait.ge [sflag:s31], $0x4000  }
0x70: {  	p5 =	seq.s32 s11, $0x4C000;
	[sflag:s31] =	ssyncset.done $0x0  }
.Ltmp3:
0x71: {  	[sflag:s31] =	ssyncadd.s32 $0xFFFFC000;
	(pc) =	sbr.rel @p5 .LBB2_5-.Ltmp3, $4  }
0x72: {  	[spmem:s1] =	stream.indirect.scatter.add.f32 [tilespmem:s30], [sflag:$0x4], $0x80, s29, s29, $0xb8;
	[tilespmem:$0x1CA00] =	vst v63  }
0x73: {  	_ =	swait.ge [sflag:s16], $0x4000  }
0x74: {  	[sflag:s16] =	ssyncset.done $0x0  }
0x75: {  	[sflag:s16] =	ssyncadd.s32 $0xFFFFC000  }
.Ltmp4:
0x76: {  	(pc) =	sbr.rel .LBB2_3-.Ltmp4, $4  }
0x77: {  	_ = 	snop  }
0x78: {  	[tilespmem:s2], [sflag:$0x1] =	stream.linear.gather [hbm4b:s24+s2], $0x80, $0x38;
	[tilespmem:$0x1CA00] =	vst v63  }
0x79: {  	s13 =	sadd.s32 $0x2000, s13;
	s11 =	sadd.s32 $0x1000, s11;
	s24 =	sadd.s32 $0x20, s24  }
0x7a: {  	[tilespmem:s26], [sflag:$0x1] =	stream.linear.gather [hbm4b:s13+s2], $0x4000, $0x38;
	[tilespmem:$0x1CA00] =	vst v63  }
.LBB2_5:
0x7b: {  	_ =	swait.ge [sflag:s0], $0x4000  }
0x7c: {  	[sflag:s0] =	ssyncset.done $0x0  }
0x7d: {  	s11 =	rddreg [dreg:$0x7];
	[sflag:s0] =	ssyncadd.s32 $0xFFFFC000  }
0x7e: {  	[tilespmem:s4], [sflag:$0x5] =	stream.linear.gather [hbm4b:s11+s2], $0x20, $0x38;
	[tilespmem:$0x1CA00] =	vst v63  }
0x7f: {  	_ =	swait.ge [sflag:s6], $0x20  }
0x80: {  	[sflag:s6] =	ssyncset.done $0x0  }
0x81: {  	s24 =	rddreg [dreg:$0x8];
	[sflag:s6] =	ssyncadd.s32 $0xFFFFFFE0  }
0x82: {  	[tilespmem:s7], [sflag:$0x5] =	stream.linear.gather [hbm4b:s24+s2], $0x1000, $0x38;
	[tilespmem:$0x1CA00] =	vst v63  }
0x83: {  	_ =	swait.ge [sflag:s6], $0x1000  }
0x84: {  	[sflag:s6] =	ssyncset.done $0x0  }
0x85: {  	[sflag:s6] =	ssyncadd.s32 $0xFFFFF000  }
0x86: {  	[spmem:s1] =	stream.indirect.scatter.add.f32 [tilespmem:s7], [sflag:$0x5], $0x80, s4, s8, $0xb8;
	[tilespmem:$0x1CA00] =	vst v63  }
0x87: {  	_ =	swait.ge [sflag:s6], $0x1000  }
0x88: {  	[sflag:s6] =	ssyncset.done $0x0  }
0x89: {  	[sflag:s6] =	ssyncadd.s32 $0xFFFFF000  }
.LBB2_6:
.Ltmp5:
0x8a: {  	(pc) =	sbr.rel @!p0 .LBB2_11-.Ltmp5, $1  }
0x8b: {  	_ =	sdelay $0x3  }
0x8c: {  	s11 =	simm.s32 $0x0;
	s13 =	rddreg [dreg:$0x9]  }
0x8d: {  	[tilespmem:s11], [sflag:$0x1] =	stream.linear.gather [hbm4b:s13+s11], $0x80, $0x38;
	[tilespmem:$0x1CA00] =	vst v63  }
0x8e: {  	_ = 	snop  }
0x8f: {  	[tilespmem:s26], [sflag:$0x1] =	stream.linear.gather [hbm4b:s9+s11], $0x4000, $0x38;
	[tilespmem:$0x1CA00] =	vst v63  }
0x90: {  	_ =	swait.ge [sflag:s28], $0x80  }
0x91: {  	[sflag:s28] =	ssyncset.done $0x0  }
0x92: {  	[sflag:s28] =	ssyncadd.s32 $0xFFFFFF80  }
0x93: {  	_ =	swait.ge [sflag:s28], $0x4000  }
0x94: {  	[sflag:s28] =	ssyncset.done $0x0  }
0x95: {  	[sflag:s28] =	ssyncadd.s32 $0xFFFFC000  }
0x96: {  	[spmem:s1] =	stream.indirect.scatter.add.f32 [tilespmem:s26], [sflag:$0x3], $0x80, s11, s29, $0xb8;
	[tilespmem:$0x1CA00] =	vst v63  }
0x97: {  	_ = 	snop  }
0x98: {  	[tilespmem:s29], [sflag:$0x2] =	stream.linear.gather [hbm4b:s19+s11], $0x80, $0x38;
	[tilespmem:$0x1CA00] =	vst v63  }
0x99: {  	_ = 	snop  }
0x9a: {  	[tilespmem:s30], [sflag:$0x2] =	stream.linear.gather [hbm4b:s15+s11], $0x4000, $0x38;
	[tilespmem:$0x1CA00] =	vst v63  }
0x9b: {  	_ =	swait.ge [sflag:s31], $0x80  }
0x9c: {  	[sflag:s31] =	ssyncset.done $0x0  }
0x9d: {  	[sflag:s31] =	ssyncadd.s32 $0xFFFFFF80  }
0x9e: {  	_ =	swait.ge [sflag:s31], $0x4000  }
0x9f: {  	[sflag:s31] =	ssyncset.done $0x0  }
0xa0: {  	[sflag:s31] =	ssyncadd.s32 $0xFFFFC000  }
0xa1: {  	[spmem:s1] =	stream.indirect.scatter.add.f32 [tilespmem:s30], [sflag:$0x4], $0x80, s29, s29, $0xb8;
	[tilespmem:$0x1CA00] =	vst v63  }
0xa2: {  	_ =	swait.ge [sflag:s16], $0x4000  }
0xa3: {  	[sflag:s16] =	ssyncset.done $0x0  }
0xa4: {  	[sflag:s16] =	ssyncadd.s32 $0xFFFFC000  }
0xa5: {  	[tilespmem:s11], [sflag:$0x1] =	stream.linear.gather [hbm4b:s20+s11], $0x80, $0x38;
	[tilespmem:$0x1CA00] =	vst v63  }
0xa6: {  	s24 =	smov.u32 s25  }
0xa7: {  	[tilespmem:s26], [sflag:$0x1] =	stream.linear.gather [hbm4b:s17+s11], $0x4000, $0x38;
	[tilespmem:$0x1CA00] =	vst v63  }
.LBB2_8:
0xa8: {  	_ =	swait.ge [sflag:s28], $0x80  }
0xa9: {  	[sflag:s28] =	ssyncset.done $0x0  }
0xaa: {  	[sflag:s28] =	ssyncadd.s32 $0xFFFFFF80  }
0xab: {  	_ =	swait.ge [sflag:s28], $0x4000  }
0xac: {  	[sflag:s28] =	ssyncset.done $0x0  }
0xad: {  	[sflag:s28] =	ssyncadd.s32 $0xFFFFC000  }
0xae: {  	[spmem:s1] =	stream.indirect.scatter.add.f32 [tilespmem:s26], [sflag:$0x3], $0x80, s2, s29, $0xb8;
	[tilespmem:$0x1CA00] =	vst v63  }
0xaf: {  	_ =	swait.ge [sflag:s0], $0x4000  }
0xb0: {  	[sflag:s0] =	ssyncset.done $0x0  }
0xb1: {  	s13 =	sadd.s32 $0xFFFFFFF0, s24;
	[sflag:s0] =	ssyncadd.s32 $0xFFFFC000  }
0xb2: {  	[tilespmem:s29], [sflag:$0x2] =	stream.linear.gather [hbm4b:s13+s2], $0x80, $0x38;
	[tilespmem:$0x1CA00] =	vst v63  }
0xb3: {  	s13 =	sadd.s32 s11, s9  }
0xb4: {  	s14 =	sadd.s32 $0x1800, s13  }
0xb5: {  	[tilespmem:s30], [sflag:$0x2] =	stream.linear.gather [hbm4b:s14+s2], $0x4000, $0x38;
	[tilespmem:$0x1CA00] =	vst v63  }
0xb6: {  	_ =	swait.ge [sflag:s31], $0x80  }
0xb7: {  	[sflag:s31] =	ssyncset.done $0x0  }
0xb8: {  	[sflag:s31] =	ssyncadd.s32 $0xFFFFFF80  }
0xb9: {  	_ =	swait.ge [sflag:s31], $0x4000  }
0xba: {  	p5 =	seq.s32 s11, $0x4C000;
	[sflag:s31] =	ssyncset.done $0x0  }
.Ltmp6:
0xbb: {  	[sflag:s31] =	ssyncadd.s32 $0xFFFFC000;
	(pc) =	sbr.rel @p5 .LBB2_10-.Ltmp6, $4  }
0xbc: {  	[spmem:s1] =	stream.indirect.scatter.add.f32 [tilespmem:s30], [sflag:$0x4], $0x80, s29, s29, $0xb8;
	[tilespmem:$0x1CA00] =	vst v63  }
0xbd: {  	_ =	swait.ge [sflag:s16], $0x4000  }
0xbe: {  	[sflag:s16] =	ssyncset.done $0x0  }
0xbf: {  	[sflag:s16] =	ssyncadd.s32 $0xFFFFC000  }
.Ltmp7:
0xc0: {  	(pc) =	sbr.rel .LBB2_8-.Ltmp7, $4  }
0xc1: {  	_ = 	snop  }
0xc2: {  	[tilespmem:s2], [sflag:$0x1] =	stream.linear.gather [hbm4b:s24+s2], $0x80, $0x38;
	[tilespmem:$0x1CA00] =	vst v63  }
0xc3: {  	s13 =	sadd.s32 $0x2000, s13;
	s11 =	sadd.s32 $0x1000, s11;
	s24 =	sadd.s32 $0x20, s24  }
0xc4: {  	[tilespmem:s26], [sflag:$0x1] =	stream.linear.gather [hbm4b:s13+s2], $0x4000, $0x38;
	[tilespmem:$0x1CA00] =	vst v63  }
.LBB2_12:
0xc5: {  	_ =	sfence.sel $0x180000  }
0xc6: {  	[bflag:$0x0] =	sbarrier.arrive $0xFFFF  }
0xc7: {  	_ =	strace $0x9000004A  }
0xc8: {  	[bflag:$0x2] =	sbarrier.arrive $0xFFFF  }
0xc9: {  	s0 =	rddreg [dreg:$0x5]  }
0xca: {  	s0 =	sadd.s32 @!p3 $0x100000, s0  }
0xcb: {  	[sflag:s0] =	ssyncadd.tile.s32 @!p3 $0x1;
	_ =	shalt  }
.Lfunc_end2:
_tile_overlayer_lowered:
.L_overlay_start_2:
0xcc: {  	(tag) =	ssettag $0x2  }
0xcd: {  	s0 =	rddreg [dreg:$0x0];
	s2 =	stileid.u32  }
0xce: {  	s1 =	rddreg [dreg:$0x1];
	p0 =	sne.s32 s2, $0x0  }
0xcf: {  	s3 =	rddreg [dreg:$0x2];
	[bflag:$0x3] =	sbarrier.arrive $0xFFFF;
	s2 =	simm.s32 @!p0 $0x1C05  }
0xd0: {  	[timem:s3], [sflag:s2] =	dma.local @!p0 [hbm:s0], s1  }
0xd1: {  	s0 =	simm.s32 @!p0 $0x5  }
0xd2: {  	_ =	swait.ge @!p0 [sflag:s0], s1  }
0xd3: {  	s1 =	ssub.s32 @!p0 $0x0, s1;
	[sflag:s0] =	ssyncset.done @!p0 $0x0  }
0xd4: {  	[sflag:s0] =	ssyncadd.s32 @!p0 s1  }
0xd5: {  	[bflag:$0x3] =	sbarrier.arrive $0xFFFF  }
0xd6: {  	_ =	shalt  }

// kernel: kernel.14.cloned.1.call-start
scs
__scs_entry_jumppad:
0x0: {  	(pc) =	sbr.rel $0x88, $3  }
0x1: {  	(tag) =	ssettag $0x0;
	lr =	simm.s32 $0x1  }
0x2: {  	[smem:$0x3F8F] =	sst lr;
	_ =	strace $0xD0000000  }
0x3: {  	_ = 	snop  }
0x4: {  	_ = 	snop  }
0x5: {  	_ = 	snop  }
0x6: {  	_ = 	snop  }
0x7: {  	_ = 	snop  }
__scs_overlays_trampoline_lowered:
0x8: {  	[smem:$0x3F9E] =	sst s0  }
0x9: {  	[smem:$0x3F9F] =	sst s1  }
0xa: {  	[smem:$0x3FA0] =	sst s2  }
0xb: {  	[smem:$0x3FA1] =	sst s3  }
0xc: {  	[smem:$0x3FA2] =	sst s4  }
0xd: {  	[smem:$0x3FA3] =	sst s5  }
0xe: {  	[smem:$0x3FA4] =	sst s6  }
0xf: {  	[smem:$0x3FA5] =	sst s7  }
0x10: {  	[smem:$0x3FA6] =	sst s8  }
0x11: {  	[smem:$0x3FA7] =	sst s9;
	s0 =	simm.s32 @!p0 $0x0  }
0x12: {  	s1 =	sld [smem:$0x3F8D];
	s0 =	simm.s32 @p0 $0x1  }
0x13: {  	[smem:$0x3FA8] =	sst s0;
	s0 =	simm.s32 @!p1 $0x0  }
0x14: {  	s2 =	sld [smem:$0x3F8C];
	s0 =	simm.s32 @p1 $0x1  }
0x15: {  	[smem:$0x3FA9] =	sst s0;
	s0 =	simm.s32 @!p2 $0x0  }
0x16: {  	s3 =	sld [smem:$0x3FDB];
	s0 =	simm.s32 @p2 $0x1  }
0x17: {  	s4 =	simm.s32 $0x1BF5;
	[smem:$0x3FAB] =	sst s0  }
0x18: {  	s0 =	sld [smem:$0x3F8E];
	_ =	swait.ge [sflag:s4], $0x0  }
0x19: {  	s7 =	sld [smem:$0x3F8F]  }
0x1a: {  	s8 =	sadd.s32 $0xFFFFE003, lr  }
0x1b: {  	s9 =	sadd.s32 $0xFFFFFEF7, lr;
	s5 =	simm.s32 $0xFFFFFFFF;
	p2 =	slt.u32 s8, $0xFFFFF086  }
0x1c: {  	p1 =	slt.u32 s9, $0xF7A;
	s5 =	simm.s32 @!p2 $0x0  }
0x1d: {  	s5 =	simm.s32 @p1 $0x1;
	p0 =	seq.s32 s7, s2  }
0x1e: {  	s7 =	smul.u32 @!p0 $0xF7A, s2;
	p2 =	seq.s32 @!p0 s5, $0x0  }
0x1f: {  	s9 =	smul.u32 $0xF7A, s1;
	s8 =	simm.s32 @!p0 $0x1BF5;
	p2 =	por !p2, p0  }
0x20: {  	[sflag:s8] =	ssyncset.s32 @!p0 $0xFFFFF086;
	s6 =	sadd.s32 @!p0 s3, s7;
	s7 =	simm.s32 @!p0 $0x108  }
0x21: {  	s3 =	sadd.s32 s3, s9;
	s6 =	sadd.s32 @!p0 $0x88, s6;
	s7 =	simm.s32 @p2 $0x1082  }
0x22: {  	[simem:s7], [sflag:s8] =	dma.local @!p0 [hbm:s6], $0xF7A  }
0x23: {  	s9 =	sor.u32 $0xD0000000, s2;
	s6 =	simm.s32 $0x108;
	_ =	swait.ge @!p0 [sflag:s8], $0x0  }
0x24: {  	s3 =	sadd.s32 $0x88, s3;
	s6 =	simm.s32 @!p1 $0x1082;
	[sflag:s4] =	ssyncset.s32 $0xFFFFF086  }
0x25: {  	[simem:s6], [sflag:s4] =	dma.local [hbm:s3], $0xF7A  }
0x26: {  	[smem:$0x3F8F] =	sst s1;
	(tag) =	ssettag s2;
	_ =	strace s9  }
0x27: {  	s1 =	sld [smem:$0x3F9F]  }
0x28: {  	s2 =	sld [smem:$0x3FA0]  }
0x29: {  	s4 =	sld [smem:$0x3FA2]  }
0x2a: {  	p0 =	seq.s32 s5, $0x0;
	s5 =	sld [smem:$0x3FA3]  }
0x2b: {  	s6 =	sld [smem:$0x3FA4]  }
0x2c: {  	s7 =	sld [smem:$0x3FA5]  }
0x2d: {  	s3 =	simm.s32 $0x108;
	s8 =	sld [smem:$0x3FA6]  }
0x2e: {  	s3 =	simm.s32 @!p0 $0x1082;
	s9 =	sld [smem:$0x3FA7]  }
0x2f: {  	lr =	sadd.s32 s0, s3;
	s0 =	sld [smem:$0x3F9E]  }
0x30: {  	s3 =	sld [smem:$0x3FA1]  }
0x31: {  	[smem:$0x3FAA] =	sst s10  }
0x32: {  	s10 =	sld [smem:$0x3FA8];
	_ =	sdelay $0x3  }
0x33: {  	p0 =	seq.s32 s10, $0x1;
	s10 =	sld [smem:$0x3FAA];
	_ =	sdelay $0x3  }
0x34: {  	[smem:$0x3FAA] =	sst s10  }
0x35: {  	s10 =	sld [smem:$0x3FA9];
	_ =	sdelay $0x3  }
0x36: {  	p1 =	seq.s32 s10, $0x1;
	s10 =	sld [smem:$0x3FAA];
	_ =	sdelay $0x3  }
0x37: {  	[smem:$0x3FAA] =	sst s10  }
0x38: {  	s10 =	sld [smem:$0x3FAB]  }
0x39: {  	_ = 	snop;
	(pc) =	sbr.ind lr, $3  }
0x3a: {  	_ = 	snop  }
0x3b: {  	_ = 	snop  }
0x3c: {  	p2 =	seq.s32 s10, $0x1;
	s10 =	sld [smem:$0x3FAA]  }
0x3d: {  	_ =	shalt  }
0x3e: {  	_ =	shalt  }
0x3f: {  	_ =	shalt  }
0x40: {  	_ =	shalt  }
0x41: {  	_ =	shalt  }
0x42: {  	_ =	shalt  }
0x43: {  	_ =	shalt  }
0x44: {  	_ =	shalt  }
0x45: {  	_ =	shalt  }
0x46: {  	_ =	shalt  }
0x47: {  	_ =	shalt  }
0x48: {  	_ =	shalt  }
0x49: {  	_ =	shalt  }
0x4a: {  	_ =	shalt  }
0x4b: {  	_ =	shalt  }
0x4c: {  	_ =	shalt  }
0x4d: {  	_ =	shalt  }
0x4e: {  	_ =	shalt  }
0x4f: {  	_ =	shalt  }
0x50: {  	_ =	shalt  }
0x51: {  	_ =	shalt  }
0x52: {  	_ =	shalt  }
0x53: {  	_ =	shalt  }
0x54: {  	_ =	shalt  }
0x55: {  	_ =	shalt  }
0x56: {  	_ =	shalt  }
0x57: {  	_ =	shalt  }
0x58: {  	_ =	shalt  }
0x59: {  	_ =	shalt  }
0x5a: {  	_ =	shalt  }
0x5b: {  	_ =	shalt  }
0x5c: {  	_ =	shalt  }
0x5d: {  	_ =	shalt  }
0x5e: {  	_ =	shalt  }
0x5f: {  	_ =	shalt  }
0x60: {  	_ =	shalt  }
0x61: {  	_ =	shalt  }
0x62: {  	_ =	shalt  }
0x63: {  	_ =	shalt  }
0x64: {  	_ =	shalt  }
0x65: {  	_ =	shalt  }
0x66: {  	_ =	shalt  }
0x67: {  	_ =	shalt  }
0x68: {  	_ =	shalt  }
0x69: {  	_ =	shalt  }
0x6a: {  	_ =	shalt  }
0x6b: {  	_ =	shalt  }
0x6c: {  	_ =	shalt  }
0x6d: {  	_ =	shalt  }
0x6e: {  	_ =	shalt  }
0x6f: {  	_ =	shalt  }
0x70: {  	_ =	shalt  }
0x71: {  	_ =	shalt  }
0x72: {  	_ =	shalt  }
0x73: {  	_ =	shalt  }
0x74: {  	_ =	shalt  }
0x75: {  	_ =	shalt  }
0x76: {  	_ =	shalt  }
0x77: {  	_ =	shalt  }
0x78: {  	_ =	shalt  }
0x79: {  	_ =	shalt  }
0x7a: {  	_ =	shalt  }
0x7b: {  	_ =	shalt  }
0x7c: {  	_ =	shalt  }
0x7d: {  	_ =	shalt  }
0x7e: {  	_ =	shalt  }
0x7f: {  	_ =	shalt  }
0x80: {  	_ =	shalt  }
0x81: {  	_ =	shalt  }
0x82: {  	_ =	shalt  }
0x83: {  	_ =	shalt  }
0x84: {  	_ =	shalt  }
0x85: {  	_ =	shalt  }
0x86: {  	_ =	shalt  }
0x87: {  	_ =	shalt  }
.Lfunc_end0:
.L_simem_size_0:
called_computation.2_lowered:
.L_overlay_start_0:
0x88: {  	s2 =	sld [smem:$0x3FD9]  }
0x89: {  	s3 =	sld [smem:$0x3FFE];
	_ =	sdelay $0x1  }
0x8a: {  	s1 =	srdreg.scid  }
0x8b: {  	s0 =	sand.u32 $0x1, s1  }
0x8c: {  	s15 =	sshll.u32 s0, $0xA;
	s2 =	sadd.s32 s3, s2  }
0x8d: {  	s2 =	sadd.s32 s2, s15  }
0x8e: {  	[smem:$0x3FB6] =	sst s2  }
0x8f: {  	_ = 	snop  }
0x90: {  	s4 =	sld [smem:$0x3FD0];
	_ =	sdelay $0x1  }
0x91: {  	s2 =	sld [smem:$0x3FC7]  }
0x92: {  	s5 =	simm.s32 $0xB;
	s6 =	simm.s32 $0x10;
	s16 =	sld [smem:$0x3FC6]  }
0x93: {  	[smem:s6], [sflag:s5] =	dma.local [hbm:s4], $0x1  }
0x94: {  	_ =	swait.eq [sflag:s5], $0x1  }
0x95: {  	[sflag:s5] =	ssyncset.done $0x0  }
0x96: {  	[sflag:s5] =	ssyncadd.s32 $0xFFFFFFFF  }
0x97: {  	s17 =	sld [smem:$0x10];
	(tm) =	ssettm $0x1  }
0x98: {  	s18 =	sld [smem:$0x3FFB];
	_ =	sdelay $0x3  }
0x99: {  	_ =	strace s18  }
0x9a: {  	s4 =	sld [smem:$0x3FFC];
	_ =	sdelay $0x3  }
0x9b: {  	_ =	strace s4  }
0x9c: {  	s4 =	sld [smem:$0x3FFD];
	_ =	sdelay $0x3  }
0x9d: {  	_ =	strace s4  }
0x9e: {  	_ =	strace $0x8FFFFFFF  }
0x9f: {  	s19 =	sld [smem:$0x3FDB];
	_ =	sdelay $0x1  }
0xa0: {  	s20 =	simm.s32 $_scs_section_size  }
0xa1: {  	s7 =	simm.s32 $_size__tile_overlayer_lowered;
	s8 =	simm.s32 $_tile_overlayer_lowered  }
0xa2: {  	s9 =	simm.s32 $0x1BFF;
	s21 =	sshll.u32 s8, $0x1;
	s6 =	sadd.s32 s20, s19  }
0xa3: {  	s22 =	simm.s32 $0x0;
	s7 =	sshll.u32 s7, $0x1;
	s8 =	sadd.s32 s21, s6  }
0xa4: {  	[timem:s22], [sflag:s9] =	dma.local [hbm:s8], s7  }
0xa5: {  	_ =	swait.ge [sflag:s9], s7  }
0xa6: {  	s7 =	ssub.s32 $0x0, s7;
	[sflag:s9] =	ssyncset.done $0x0  }
0xa7: {  	[sflag:s9] =	ssyncadd.s32 s7;
	_ =	sdelay $0x1  }
0xa8: {  	s23 =	simm.s32 $0x1B8B  }
0xa9: {  	_ =	swait.ge [sflag:s23], $0x1  }
0xaa: {  	[sflag:s23] =	ssyncset.done $0x0  }
0xab: {  	[sflag:s23] =	ssyncadd.s32 $0xFFFFFFFF  }
0xac: {  	s7 =	sld [smem:$0x0]  }
0xad: {  	s8 =	sand.u32 $0xFFFFFFFE, s1  }
0xae: {  	p0 =	sne.s32 s1, s8  }
0xaf: {  	s8 =	sshll.u32 @p0 s8, $0xE  }
0xb0: {  	s8 =	sadd.s32 @p0 $0x11B8D, s8;
	s9 =	sshll.u32 @p0 s7, $0x11  }
0xb1: {  	s8 =	sor.u32 @p0 s9, s8  }
0xb2: {  	[sflag:s8] =	ssyncadd.remote.s32 @p0 $0x1;
	_ =	sdelay $0x1  }
0xb3: {  	s8 =	simm.s32 @p0 $0x1B8D  }
0xb4: {  	_ =	swait.eq @p0 [sflag:s8], $0x1  }
0xb5: {  	[sflag:s8] =	ssyncadd.s32 @p0 $0xFFFFFFFF  }
0xb6: {  	s9 =	sshll.u32 @!p0 s1, $0xE  }
0xb7: {  	s9 =	sor.u32 @!p0 $0x4000, s9;
	s8 =	simm.s32 @!p0 $0x1B8D  }
0xb8: {  	s7 =	sshll.u32 @!p0 s7, $0x11;
	s9 =	sadd.s32 @!p0 $0x11B8D, s9;
	_ =	swait.eq @!p0 [sflag:s8], $0x1  }
0xb9: {  	s7 =	sor.u32 @!p0 s7, s9;
	[sflag:s8] =	ssyncadd.s32 @!p0 $0xFFFFFFFF  }
0xba: {  	s25 =	simm.s32 $0x1B8E;
	s24 =	sld [smem:$0x3FFE];
	[sflag:s7] =	ssyncadd.remote.s32 @!p0 $0x1  }
0xbb: {  	s26 =	simm.s32 $execute0_lowered;
	[smem:$0x3FD2] =	sst s25  }
0xbc: {  	s8 =	sshll.u32 s26, $0x1;
	_ =	strace $0x8000004C;
	[dreg:$0x1] =	wrdreg $0xFFFFFFFF  }
0xbd: {  	s28 =	simm.s32 $_size_execute0_lowered;
	s6 =	sadd.s32 s6, s8;
	[dreg:$0x0] =	wrdreg $0x0  }
0xbe: {  	s8 =	sshll.u32 s28, $0x1;
	[dreg:$0x2] =	wrdreg s6  }
0xbf: {  	[dreg:$0x3] =	wrdreg s8  }
0xc0: {  	[dreg:$0x4] =	wrdreg $0xC0  }
0xc1: {  	_ =	task [dreg:s22], $0x5FFFF  }
0xc2: {  	[dreg:$0x1] =	wrdreg $0xFFFFFFFF  }
0xc3: {  	[dreg:$0x0] =	wrdreg $0x60  }
0xc4: {  	[dreg:$0x2] =	wrdreg s24  }
0xc5: {  	[dreg:$0x3] =	wrdreg s2  }
0xc6: {  	[dreg:$0x4] =	wrdreg s16  }
0xc7: {  	[dreg:$0x5] =	wrdreg s17  }
0xc8: {  	[dreg:$0x6] =	wrdreg $0x91800  }
0xc9: {  	[dreg:$0x7] =	wrdreg $0xA  }
0xca: {  	_ =	task.clear_ibuf [dreg:s22], $0x8FFFF;
	_ =	strace $0x9000004C  }
0xcb: {  	s29 =	simm.s32 $0xA;
	_ =	strace $0x8000004E  }
0xcc: {  	_ =	swait.ge [sflag:s29], $0x1  }
0xcd: {  	[sflag:s29] =	ssyncadd.s32 $0xFFFFFFFF  }
0xce: {  	_ =	strace $0x9000004E  }
0xcf: {  	_ =	sfence  }
0xd0: {  	s30 =	sld [smem:$0x0];
	_ =	sdelay $0x2  }
0xd1: {  	s31 =	sshll.u32 s1, $0xD;
	s1 =	sshrl.u32 s1, $0x2  }
0xd2: {  	s3 =	sand.u32 $0x4000, s31;
	s1 =	sadd.s32 s1, s30  }
0xd3: {  	s0 =	sor.u32 s3, s0;
	s1 =	sshll.u32 s1, $0x11  }
0xd4: {  	s0 =	sor.u32 s1, s0  }
0xd5: {  	s0 =	sadd.s32 $0x8F2B, s0  }
0xd6: {  	[sflag:s0] =	ssyncadd.remote.s32 $0x1  }
0xd7: {  	_ =	sfence.sel $0xFFFF  }
0xd8: {  	[dreg:$0x0] =	wrdreg $0xFFFFFFFF;
	(pc) =	sbr.abs _section_cstart, $3  }
0xd9: {  	[dreg:$0x1] =	wrdreg $0xFFFFFFFF  }
0xda: {  	_ =	task.clear_ibuf [dreg:s22], $0x2FFFF;
	_ =	strace $0x9FFFFFFF  }
0xdb: {  	(tm) =	ssettm $0x7FFFFFFF  }
tec
execute0_lowered:
.L_overlay_start_1:
0x0: {  	(tag) =	ssettag $0x1  }
0x1: {  	s0 =	rddreg [dreg:$0x0]  }
0x2: {  	s4 =	rddreg [dreg:$0x1]  }
0x3: {  	s6 =	rddreg [dreg:$0x2]  }
0x4: {  	s1 =	rddreg [dreg:$0x4];
	s2 =	simm.s32 $0x0;
	s5 =	srdreg.scid  }
0x5: {  	s3 =	stileid.u32;
	s28 =	simm.s32 $0x1;
	s29 =	simm.s32 $0x80  }
0x6: {  	s30 =	simm.s32 $0x4100;
	s31 =	simm.s32 $0x2;
	s9 =	smul.u32 $0x4E20, s3  }
0x7: {  	[smem:$0x7FF] =	sst s2;
	s8 =	sadd.s32 $0x13DAC00, s0;
	s12 =	smul.u32 $0x4E200, s3  }
0x8: {  	s7 =	sand.u32 $0x1, s5;
	s10 =	sadd.s32 $0x18BCC00, s0;
	s26 =	smul.u32 $0x9C4, s3  }
0x9: {  	p3 =	seq.s32 s3, $0x0;
	s5 =	ssub.s32 $0x2, s7;
	p0 =	seq.s32 s7, $0x1  }
0xa: {  	p1 =	sne.s32 s7, $0x0;
	s7 =	sor.u32 s7, s3;
	s11 =	sshrl.u32 s5, $0x1  }
0xb: {  	s13 =	sshrl.u32 s9, $0x3;
	s14 =	sadd.s32 $0x4E00, s9;
	s16 =	sadd.s32 $0x100, s9  }
0xc: {  	s21 =	sadd.s32 $0x80, s9;
	s9 =	sadd.s32 s10, s12;
	p2 =	sne.s32 s7, $0x0  }
0xd: {  	p3 =	por !p3, !p0;
	s7 =	simm.s32 $0x8180;
	s11 =	ssub.s32 s5, s11  }
0xe: {  	s19 =	sadd.s32 s4, s13;
	s5 =	sadd.s32 s8, s12;
	s15 =	sshrl.u32 s14, $0x3  }
0xf: {  	s14 =	sshll.u32 s14, $0x4;
	s13 =	sadd.s32 s6, s13;
	[dreg:$0x6] =	wrdreg s19  }
0x10: {  	s23 =	sshrl.u32 s21, $0x3;
	s17 =	sadd.s32 s4, s15;
	[dreg:$0x9] =	wrdreg s13  }
0x11: {  	p4 =	por !p3, !p3;
	s20 =	sadd.s32 s8, s14;
	[dreg:$0x7] =	wrdreg s17  }
0x12: {  	p3 =	sne.s32 s3, $0x0;
	s22 =	sadd.s32 s6, s15;
	[dreg:$0x8] =	wrdreg s20  }
0x13: {  	s14 =	sadd.s32 s10, s14;
	s24 =	sadd.s32 s4, s23;
	[dreg:$0xa] =	wrdreg s22  }
0x14: {  	s13 =	sshll.u32 s21, $0x4;
	s19 =	sadd.s32 s6, s23;
	[dreg:$0xb] =	wrdreg s14  }
0x15: {  	s21 =	sadd.s32 $0x4800, s0;
	s23 =	smax.u32 s11, $0x1;
	[dreg:$0xc] =	wrdreg s24  }
0x16: {  	s25 =	sadd.s32 s8, s13;
	s20 =	sshrl.u32 s16, $0x3;
	s16 =	sshll.u32 s16, $0x4  }
0x17: {  	s15 =	sadd.s32 s10, s13;
	s22 =	sadd.s32 $0x2BA00, s0;
	s0 =	simm.s32 $0x4  }
0x18: {  	[dreg:$0xd] =	wrdreg s25;
	s8 =	sadd.s32 s8, s16;
	s17 =	sadd.s32 s10, s16  }
.Ltmp0:
0x19: {  	s18 =	sadd.s32 s4, s20;
	s20 =	sadd.s32 s6, s20;
	(pc) =	sbr.rel .LBB2_1-.Ltmp0, $4  }
0x1a: {  	s4 =	sadd.s32 s26, s4;
	s6 =	sadd.s32 s26, s6;
	s26 =	simm.s32 $0x100  }
0x1b: {  	s16 =	simm.s32 $0x3;
	s10 =	simm.s32 $0x0;
	[dreg:$0xe] =	wrdreg s8  }
0x1c: {  	s12 =	sadd.s32 $0x40, s4;
	s25 =	sadd.s32 $0x40, s6;
	s4 =	simm.s32 $0x8100  }
0x1d: {  	s6 =	simm.s32 $0x5;
	s8 =	simm.s32 $0x20;
	_ =	strace $0x8000004D  }
.LBB2_10:
0x1e: {  	_ =	swait.ge [sflag:s0], $0x4000  }
0x1f: {  	[sflag:s0] =	ssyncset.done $0x0  }
0x20: {  	s11 =	rddreg [dreg:$0xa];
	[sflag:s0] =	ssyncadd.s32 $0xFFFFC000  }
0x21: {  	[tilespmem:s4], [sflag:$0x5] =	stream.linear.gather [hbm4b:s11+s2], $0x20, $0x38;
	[tilespmem:$0x1CA00] =	vst v63  }
0x22: {  	_ =	swait.ge [sflag:s6], $0x20  }
0x23: {  	[sflag:s6] =	ssyncset.done $0x0  }
0x24: {  	s24 =	rddreg [dreg:$0xb];
	[sflag:s6] =	ssyncadd.s32 $0xFFFFFFE0  }
0x25: {  	[tilespmem:s7], [sflag:$0x5] =	stream.linear.gather [hbm4b:s24+s2], $0x1000, $0x38;
	[tilespmem:$0x1CA00] =	vst v63  }
0x26: {  	_ =	swait.ge [sflag:s6], $0x1000  }
0x27: {  	[sflag:s6] =	ssyncset.done $0x0  }
0x28: {  	[sflag:s6] =	ssyncadd.s32 $0xFFFFF000  }
0x29: {  	[spmem:s1] =	stream.indirect.scatter.add.f32 [tilespmem:s7], [sflag:$0x5], $0x80, s4, s8, $0xb8;
	[tilespmem:$0x1CA00] =	vst v63  }
0x2a: {  	_ =	swait.ge [sflag:s6], $0x1000  }
0x2b: {  	[sflag:s6] =	ssyncset.done $0x0  }
0x2c: {  	[sflag:s6] =	ssyncadd.s32 $0xFFFFF000  }
.LBB2_11:
0x2d: {  	s11 =	sshll.u32 @!p2 s3, $0x6  }
0x2e: {  	[bflag:$0x0] =	sbarrier.arrive $0xFFFF;
	s13 =	sshrl.u32 @!p2 s1, $0x3;
	s11 =	sor.u32 @!p2 $0x1C05, s11  }
0x2f: {  	[hbm:s21], [sflag:s11] =	dma.local @!p2 [spmem:s13], $0x27100  }
0x30: {  	s11 =	simm.s32 @!p2 $0x5  }
0x31: {  	s10 =	sadd.s32 $0x1, s10;
	_ =	swait.ge @!p2 [sflag:s11], $0x27100  }
0x32: {  	p5 =	sne.s32 s10, s23;
	[sflag:s11] =	ssyncset.done @!p2 $0x0  }
0x33: {  	s13 =	simm.s32 @p4 $0x1C05;
	[sflag:s11] =	ssyncadd.s32 @!p2 $0xFFFD8F00;
	s11 =	sshrl.u32 @p4 s1, $0x3  }
0x34: {  	[hbm:s22], [sflag:s13] =	dma.local @p4 [spmem:s11], $0x27100  }
.Ltmp1:
0x35: {  	_ = 	snop;
	(pc) =	sbr.rel @!p5 .LBB2_12-.Ltmp1, $4  }
0x36: {  	s11 =	simm.s32 @p4 $0x5  }
0x37: {  	_ =	swait.ge @p4 [sflag:s11], $0x27100  }
0x38: {  	[sflag:s11] =	ssyncset.done @p4 $0x0  }
0x39: {  	[sflag:s11] =	ssyncadd.s32 @p4 $0xFFFD8F00  }
.LBB2_1:
0x3a: {  	s11 =	sshrl.u32 @!p3 s1, $0x3;
	s13 =	simm.s32 @!p3 $0x1C05;
	s14 =	rddreg [dreg:$0x3]  }
0x3b: {  	[spmem:s11], [sflag:s13] =	dma.local @!p3 [hbm:s14], $0x27100  }
0x3c: {  	s11 =	simm.s32 @!p3 $0x5  }
.Ltmp2:
0x3d: {  	_ =	swait.ge @!p3 [sflag:s11], $0x27100;
	(pc) =	sbr.rel @p1 .LBB2_6-.Ltmp2, $3  }
0x3e: {  	[sflag:s11] =	ssyncset.done @!p3 $0x0  }
0x3f: {  	[sflag:s11] =	ssyncadd.s32 @!p3 $0xFFFD8F00  }
0x40: {  	[bflag:$0x0] =	sbarrier.arrive $0xFFFF;
	_ =	sdelay $0x1  }
0x41: {  	s11 =	simm.s32 $0x0;
	s13 =	rddreg [dreg:$0x6]  }
0x42: {  	[tilespmem:s11], [sflag:$0x1] =	stream.linear.gather [hbm4b:s13+s11], $0x80, $0x38;
	[tilespmem:$0x1CA00] =	vst v63  }
0x43: {  	_ = 	snop  }
0x44: {  	[tilespmem:s26], [sflag:$0x1] =	stream.linear.gather [hbm4b:s5+s11], $0x4000, $0x38;
	[tilespmem:$0x1CA00] =	vst v63  }
0x45: {  	_ =	swait.ge [sflag:s28], $0x80  }
0x46: {  	[sflag:s28] =	ssyncset.done $0x0  }
0x47: {  	[sflag:s28] =	ssyncadd.s32 $0xFFFFFF80  }
0x48: {  	_ =	swait.ge [sflag:s28], $0x4000  }
0x49: {  	[sflag:s28] =	ssyncset.done $0x0  }
0x4a: {  	[sflag:s28] =	ssyncadd.s32 $0xFFFFC000  }
0x4b: {  	[spmem:s1] =	stream.indirect.scatter.add.f32 [tilespmem:s26], [sflag:$0x3], $0x80, s11, s29, $0xb8;
	[tilespmem:$0x1CA00] =	vst v63  }
0x4c: {  	s24 =	rddreg [dreg:$0xc]  }
0x4d: {  	[tilespmem:s29], [sflag:$0x2] =	stream.linear.gather [hbm4b:s24+s11], $0x80, $0x38;
	[tilespmem:$0x1CA00] =	vst v63  }
0x4e: {  	s14 =	rddreg [dreg:$0xd]  }
0x4f: {  	[tilespmem:s30], [sflag:$0x2] =	stream.linear.gather [hbm4b:s14+s11], $0x4000, $0x38;
	[tilespmem:$0x1CA00] =	vst v63  }
0x50: {  	_ =	swait.ge [sflag:s31], $0x80  }
0x51: {  	[sflag:s31] =	ssyncset.done $0x0  }
0x52: {  	[sflag:s31] =	ssyncadd.s32 $0xFFFFFF80  }
0x53: {  	_ =	swait.ge [sflag:s31], $0x4000  }
0x54: {  	[sflag:s31] =	ssyncset.done $0x0  }
0x55: {  	[sflag:s31] =	ssyncadd.s32 $0xFFFFC000  }
0x56: {  	[spmem:s1] =	stream.indirect.scatter.add.f32 [tilespmem:s30], [sflag:$0x4], $0x80, s29, s29, $0xb8;
	[tilespmem:$0x1CA00] =	vst v63  }
0x57: {  	_ =	swait.ge [sflag:s16], $0x4000  }
0x58: {  	[sflag:s16] =	ssyncset.done $0x0  }
0x59: {  	[sflag:s16] =	ssyncadd.s32 $0xFFFFC000  }
0x5a: {  	[tilespmem:s11], [sflag:$0x1] =	stream.linear.gather [hbm4b:s18+s11], $0x80, $0x38;
	[tilespmem:$0x1CA00] =	vst v63  }
0x5b: {  	s24 =	rddreg [dreg:$0xe]  }
0x5c: {  	[tilespmem:s26], [sflag:$0x1] =	stream.linear.gather [hbm4b:s24+s11], $0x4000, $0x38;
	[tilespmem:$0x1CA00] =	vst v63  }
0x5d: {  	s24 =	smov.u32 s12  }
.LBB2_3:
0x5e: {  	_ =	swait.ge [sflag:s28], $0x80  }
0x5f: {  	[sflag:s28] =	ssyncset.done $0x0  }
0x60: {  	[sflag:s28] =	ssyncadd.s32 $0xFFFFFF80  }
0x61: {  	_ =	swait.ge [sflag:s28], $0x4000  }
0x62: {  	[sflag:s28] =	ssyncset.done $0x0  }
0x63: {  	[sflag:s28] =	ssyncadd.s32 $0xFFFFC000  }
0x64: {  	[spmem:s1] =	stream.indirect.scatter.add.f32 [tilespmem:s26], [sflag:$0x3], $0x80, s2, s29, $0xb8;
	[tilespmem:$0x1CA00] =	vst v63  }
0x65: {  	_ =	swait.ge [sflag:s0], $0x4000  }
0x66: {  	[sflag:s0] =	ssyncset.done $0x0  }
0x67: {  	s13 =	sadd.s32 $0xFFFFFFF0, s24;
	[sflag:s0] =	ssyncadd.s32 $0xFFFFC000  }
0x68: {  	[tilespmem:s29], [sflag:$0x2] =	stream.linear.gather [hbm4b:s13+s2], $0x80, $0x38;
	[tilespmem:$0x1CA00] =	vst v63  }
0x69: {  	s13 =	sadd.s32 s11, s5  }
0x6a: {  	s14 =	sadd.s32 $0x1800, s13  }
0x6b: {  	[tilespmem:s30], [sflag:$0x2] =	stream.linear.gather [hbm4b:s14+s2], $0x4000, $0x38;
	[tilespmem:$0x1CA00] =	vst v63  }
0x6c: {  	_ =	swait.ge [sflag:s31], $0x80  }
0x6d: {  	[sflag:s31] =	ssyncset.done $0x0  }
0x6e: {  	[sflag:s31] =	ssyncadd.s32 $0xFFFFFF80  }
0x6f: {  	_ =	swait.ge [sflag:s31], $0x4000  }
0x70: {  	p5 =	seq.s32 s11, $0x4C000;
	[sflag:s31] =	ssyncset.done $0x0  }
.Ltmp3:
0x71: {  	[sflag:s31] =	ssyncadd.s32 $0xFFFFC000;
	(pc) =	sbr.rel @p5 .LBB2_5-.Ltmp3, $4  }
0x72: {  	[spmem:s1] =	stream.indirect.scatter.add.f32 [tilespmem:s30], [sflag:$0x4], $0x80, s29, s29, $0xb8;
	[tilespmem:$0x1CA00] =	vst v63  }
0x73: {  	_ =	swait.ge [sflag:s16], $0x4000  }
0x74: {  	[sflag:s16] =	ssyncset.done $0x0  }
0x75: {  	[sflag:s16] =	ssyncadd.s32 $0xFFFFC000  }
.Ltmp4:
0x76: {  	(pc) =	sbr.rel .LBB2_3-.Ltmp4, $4  }
0x77: {  	_ = 	snop  }
0x78: {  	[tilespmem:s2], [sflag:$0x1] =	stream.linear.gather [hbm4b:s24+s2], $0x80, $0x38;
	[tilespmem:$0x1CA00] =	vst v63  }
0x79: {  	s13 =	sadd.s32 $0x2000, s13;
	s11 =	sadd.s32 $0x1000, s11;
	s24 =	sadd.s32 $0x20, s24  }
0x7a: {  	[tilespmem:s26], [sflag:$0x1] =	stream.linear.gather [hbm4b:s13+s2], $0x4000, $0x38;
	[tilespmem:$0x1CA00] =	vst v63  }
.LBB2_5:
0x7b: {  	_ =	swait.ge [sflag:s0], $0x4000  }
0x7c: {  	[sflag:s0] =	ssyncset.done $0x0  }
0x7d: {  	s11 =	rddreg [dreg:$0x7];
	[sflag:s0] =	ssyncadd.s32 $0xFFFFC000  }
0x7e: {  	[tilespmem:s4], [sflag:$0x5] =	stream.linear.gather [hbm4b:s11+s2], $0x20, $0x38;
	[tilespmem:$0x1CA00] =	vst v63  }
0x7f: {  	_ =	swait.ge [sflag:s6], $0x20  }
0x80: {  	[sflag:s6] =	ssyncset.done $0x0  }
0x81: {  	s24 =	rddreg [dreg:$0x8];
	[sflag:s6] =	ssyncadd.s32 $0xFFFFFFE0  }
0x82: {  	[tilespmem:s7], [sflag:$0x5] =	stream.linear.gather [hbm4b:s24+s2], $0x1000, $0x38;
	[tilespmem:$0x1CA00] =	vst v63  }
0x83: {  	_ =	swait.ge [sflag:s6], $0x1000  }
0x84: {  	[sflag:s6] =	ssyncset.done $0x0  }
0x85: {  	[sflag:s6] =	ssyncadd.s32 $0xFFFFF000  }
0x86: {  	[spmem:s1] =	stream.indirect.scatter.add.f32 [tilespmem:s7], [sflag:$0x5], $0x80, s4, s8, $0xb8;
	[tilespmem:$0x1CA00] =	vst v63  }
0x87: {  	_ =	swait.ge [sflag:s6], $0x1000  }
0x88: {  	[sflag:s6] =	ssyncset.done $0x0  }
0x89: {  	[sflag:s6] =	ssyncadd.s32 $0xFFFFF000  }
.LBB2_6:
.Ltmp5:
0x8a: {  	(pc) =	sbr.rel @!p0 .LBB2_11-.Ltmp5, $1  }
0x8b: {  	_ =	sdelay $0x3  }
0x8c: {  	s11 =	simm.s32 $0x0;
	s13 =	rddreg [dreg:$0x9]  }
0x8d: {  	[tilespmem:s11], [sflag:$0x1] =	stream.linear.gather [hbm4b:s13+s11], $0x80, $0x38;
	[tilespmem:$0x1CA00] =	vst v63  }
0x8e: {  	_ = 	snop  }
0x8f: {  	[tilespmem:s26], [sflag:$0x1] =	stream.linear.gather [hbm4b:s9+s11], $0x4000, $0x38;
	[tilespmem:$0x1CA00] =	vst v63  }
0x90: {  	_ =	swait.ge [sflag:s28], $0x80  }
0x91: {  	[sflag:s28] =	ssyncset.done $0x0  }
0x92: {  	[sflag:s28] =	ssyncadd.s32 $0xFFFFFF80  }
0x93: {  	_ =	swait.ge [sflag:s28], $0x4000  }
0x94: {  	[sflag:s28] =	ssyncset.done $0x0  }
0x95: {  	[sflag:s28] =	ssyncadd.s32 $0xFFFFC000  }
0x96: {  	[spmem:s1] =	stream.indirect.scatter.add.f32 [tilespmem:s26], [sflag:$0x3], $0x80, s11, s29, $0xb8;
	[tilespmem:$0x1CA00] =	vst v63  }
0x97: {  	_ = 	snop  }
0x98: {  	[tilespmem:s29], [sflag:$0x2] =	stream.linear.gather [hbm4b:s19+s11], $0x80, $0x38;
	[tilespmem:$0x1CA00] =	vst v63  }
0x99: {  	_ = 	snop  }
0x9a: {  	[tilespmem:s30], [sflag:$0x2] =	stream.linear.gather [hbm4b:s15+s11], $0x4000, $0x38;
	[tilespmem:$0x1CA00] =	vst v63  }
0x9b: {  	_ =	swait.ge [sflag:s31], $0x80  }
0x9c: {  	[sflag:s31] =	ssyncset.done $0x0  }
0x9d: {  	[sflag:s31] =	ssyncadd.s32 $0xFFFFFF80  }
0x9e: {  	_ =	swait.ge [sflag:s31], $0x4000  }
0x9f: {  	[sflag:s31] =	ssyncset.done $0x0  }
0xa0: {  	[sflag:s31] =	ssyncadd.s32 $0xFFFFC000  }
0xa1: {  	[spmem:s1] =	stream.indirect.scatter.add.f32 [tilespmem:s30], [sflag:$0x4], $0x80, s29, s29, $0xb8;
	[tilespmem:$0x1CA00] =	vst v63  }
0xa2: {  	_ =	swait.ge [sflag:s16], $0x4000  }
0xa3: {  	[sflag:s16] =	ssyncset.done $0x0  }
0xa4: {  	[sflag:s16] =	ssyncadd.s32 $0xFFFFC000  }
0xa5: {  	[tilespmem:s11], [sflag:$0x1] =	stream.linear.gather [hbm4b:s20+s11], $0x80, $0x38;
	[tilespmem:$0x1CA00] =	vst v63  }
0xa6: {  	s24 =	smov.u32 s25  }
0xa7: {  	[tilespmem:s26], [sflag:$0x1] =	stream.linear.gather [hbm4b:s17+s11], $0x4000, $0x38;
	[tilespmem:$0x1CA00] =	vst v63  }
.LBB2_8:
0xa8: {  	_ =	swait.ge [sflag:s28], $0x80  }
0xa9: {  	[sflag:s28] =	ssyncset.done $0x0  }
0xaa: {  	[sflag:s28] =	ssyncadd.s32 $0xFFFFFF80  }
0xab: {  	_ =	swait.ge [sflag:s28], $0x4000  }
0xac: {  	[sflag:s28] =	ssyncset.done $0x0  }
0xad: {  	[sflag:s28] =	ssyncadd.s32 $0xFFFFC000  }
0xae: {  	[spmem:s1] =	stream.indirect.scatter.add.f32 [tilespmem:s26], [sflag:$0x3], $0x80, s2, s29, $0xb8;
	[tilespmem:$0x1CA00] =	vst v63  }
0xaf: {  	_ =	swait.ge [sflag:s0], $0x4000  }
0xb0: {  	[sflag:s0] =	ssyncset.done $0x0  }
0xb1: {  	s13 =	sadd.s32 $0xFFFFFFF0, s24;
	[sflag:s0] =	ssyncadd.s32 $0xFFFFC000  }
0xb2: {  	[tilespmem:s29], [sflag:$0x2] =	stream.linear.gather [hbm4b:s13+s2], $0x80, $0x38;
	[tilespmem:$0x1CA00] =	vst v63  }
0xb3: {  	s13 =	sadd.s32 s11, s9  }
0xb4: {  	s14 =	sadd.s32 $0x1800, s13  }
0xb5: {  	[tilespmem:s30], [sflag:$0x2] =	stream.linear.gather [hbm4b:s14+s2], $0x4000, $0x38;
	[tilespmem:$0x1CA00] =	vst v63  }
0xb6: {  	_ =	swait.ge [sflag:s31], $0x80  }
0xb7: {  	[sflag:s31] =	ssyncset.done $0x0  }
0xb8: {  	[sflag:s31] =	ssyncadd.s32 $0xFFFFFF80  }
0xb9: {  	_ =	swait.ge [sflag:s31], $0x4000  }
0xba: {  	p5 =	seq.s32 s11, $0x4C000;
	[sflag:s31] =	ssyncset.done $0x0  }
.Ltmp6:
0xbb: {  	[sflag:s31] =	ssyncadd.s32 $0xFFFFC000;
	(pc) =	sbr.rel @p5 .LBB2_10-.Ltmp6, $4  }
0xbc: {  	[spmem:s1] =	stream.indirect.scatter.add.f32 [tilespmem:s30], [sflag:$0x4], $0x80, s29, s29, $0xb8;
	[tilespmem:$0x1CA00] =	vst v63  }
0xbd: {  	_ =	swait.ge [sflag:s16], $0x4000  }
0xbe: {  	[sflag:s16] =	ssyncset.done $0x0  }
0xbf: {  	[sflag:s16] =	ssyncadd.s32 $0xFFFFC000  }
.Ltmp7:
0xc0: {  	(pc) =	sbr.rel .LBB2_8-.Ltmp7, $4  }
0xc1: {  	_ = 	snop  }
0xc2: {  	[tilespmem:s2], [sflag:$0x1] =	stream.linear.gather [hbm4b:s24+s2], $0x80, $0x38;
	[tilespmem:$0x1CA00] =	vst v63  }
0xc3: {  	s13 =	sadd.s32 $0x2000, s13;
	s11 =	sadd.s32 $0x1000, s11;
	s24 =	sadd.s32 $0x20, s24  }
0xc4: {  	[tilespmem:s26], [sflag:$0x1] =	stream.linear.gather [hbm4b:s13+s2], $0x4000, $0x38;
	[tilespmem:$0x1CA00] =	vst v63  }
.LBB2_12:
0xc5: {  	_ =	sfence.sel $0x180000  }
0xc6: {  	[bflag:$0x0] =	sbarrier.arrive $0xFFFF  }
0xc7: {  	_ =	strace $0x9000004D  }
0xc8: {  	[bflag:$0x2] =	sbarrier.arrive $0xFFFF  }
0xc9: {  	s0 =	rddreg [dreg:$0x5]  }
0xca: {  	s0 =	sadd.s32 @!p3 $0x100000, s0  }
0xcb: {  	[sflag:s0] =	ssyncadd.tile.s32 @!p3 $0x1;
	_ =	shalt  }
.Lfunc_end2:
_tile_overlayer_lowered:
.L_overlay_start_2:
0xcc: {  	(tag) =	ssettag $0x2  }
0xcd: {  	s0 =	rddreg [dreg:$0x0];
	s2 =	stileid.u32  }
0xce: {  	s1 =	rddreg [dreg:$0x1];
	p0 =	sne.s32 s2, $0x0  }
0xcf: {  	s3 =	rddreg [dreg:$0x2];
	[bflag:$0x3] =	sbarrier.arrive $0xFFFF;
	s2 =	simm.s32 @!p0 $0x1C05  }
0xd0: {  	[timem:s3], [sflag:s2] =	dma.local @!p0 [hbm:s0], s1  }
0xd1: {  	s0 =	simm.s32 @!p0 $0x5  }
0xd2: {  	_ =	swait.ge @!p0 [sflag:s0], s1  }
0xd3: {  	s1 =	ssub.s32 @!p0 $0x0, s1;
	[sflag:s0] =	ssyncset.done @!p0 $0x0  }
0xd4: {  	[sflag:s0] =	ssyncadd.s32 @!p0 s1  }
0xd5: {  	[bflag:$0x3] =	sbarrier.arrive $0xFFFF  }
0xd6: {  	_ =	shalt  }

// kernel: kernel.8.cloned.1.call-start
scs
__scs_entry_jumppad:
0x0: {  	(pc) =	sbr.rel $0x88, $3  }
0x1: {  	(tag) =	ssettag $0x0;
	lr =	simm.s32 $0x1  }
0x2: {  	[smem:$0x3F8F] =	sst lr;
	_ =	strace $0xD0000000  }
0x3: {  	_ = 	snop  }
0x4: {  	_ = 	snop  }
0x5: {  	_ = 	snop  }
0x6: {  	_ = 	snop  }
0x7: {  	_ = 	snop  }
__scs_overlays_trampoline_lowered:
0x8: {  	[smem:$0x3F9E] =	sst s0  }
0x9: {  	[smem:$0x3F9F] =	sst s1  }
0xa: {  	[smem:$0x3FA0] =	sst s2  }
0xb: {  	[smem:$0x3FA1] =	sst s3  }
0xc: {  	[smem:$0x3FA2] =	sst s4  }
0xd: {  	[smem:$0x3FA3] =	sst s5  }
0xe: {  	[smem:$0x3FA4] =	sst s6  }
0xf: {  	[smem:$0x3FA5] =	sst s7  }
0x10: {  	[smem:$0x3FA6] =	sst s8  }
0x11: {  	[smem:$0x3FA7] =	sst s9;
	s0 =	simm.s32 @!p0 $0x0  }
0x12: {  	s1 =	sld [smem:$0x3F8D];
	s0 =	simm.s32 @p0 $0x1  }
0x13: {  	[smem:$0x3FA8] =	sst s0;
	s0 =	simm.s32 @!p1 $0x0  }
0x14: {  	s2 =	sld [smem:$0x3F8C];
	s0 =	simm.s32 @p1 $0x1  }
0x15: {  	[smem:$0x3FA9] =	sst s0;
	s0 =	simm.s32 @!p2 $0x0  }
0x16: {  	s3 =	sld [smem:$0x3FDB];
	s0 =	simm.s32 @p2 $0x1  }
0x17: {  	s4 =	simm.s32 $0x1BF5;
	[smem:$0x3FAB] =	sst s0  }
0x18: {  	s0 =	sld [smem:$0x3F8E];
	_ =	swait.ge [sflag:s4], $0x0  }
0x19: {  	s7 =	sld [smem:$0x3F8F]  }
0x1a: {  	s8 =	sadd.s32 $0xFFFFE003, lr  }
0x1b: {  	s9 =	sadd.s32 $0xFFFFFEF7, lr;
	s5 =	simm.s32 $0xFFFFFFFF;
	p2 =	slt.u32 s8, $0xFFFFF086  }
0x1c: {  	p1 =	slt.u32 s9, $0xF7A;
	s5 =	simm.s32 @!p2 $0x0  }
0x1d: {  	s5 =	simm.s32 @p1 $0x1;
	p0 =	seq.s32 s7, s2  }
0x1e: {  	s7 =	smul.u32 @!p0 $0xF7A, s2;
	p2 =	seq.s32 @!p0 s5, $0x0  }
0x1f: {  	s9 =	smul.u32 $0xF7A, s1;
	s8 =	simm.s32 @!p0 $0x1BF5;
	p2 =	por !p2, p0  }
0x20: {  	[sflag:s8] =	ssyncset.s32 @!p0 $0xFFFFF086;
	s6 =	sadd.s32 @!p0 s3, s7;
	s7 =	simm.s32 @!p0 $0x108  }
0x21: {  	s3 =	sadd.s32 s3, s9;
	s6 =	sadd.s32 @!p0 $0x88, s6;
	s7 =	simm.s32 @p2 $0x1082  }
0x22: {  	[simem:s7], [sflag:s8] =	dma.local @!p0 [hbm:s6], $0xF7A  }
0x23: {  	s9 =	sor.u32 $0xD0000000, s2;
	s6 =	simm.s32 $0x108;
	_ =	swait.ge @!p0 [sflag:s8], $0x0  }
0x24: {  	s3 =	sadd.s32 $0x88, s3;
	s6 =	simm.s32 @!p1 $0x1082;
	[sflag:s4] =	ssyncset.s32 $0xFFFFF086  }
0x25: {  	[simem:s6], [sflag:s4] =	dma.local [hbm:s3], $0xF7A  }
0x26: {  	[smem:$0x3F8F] =	sst s1;
	(tag) =	ssettag s2;
	_ =	strace s9  }
0x27: {  	s1 =	sld [smem:$0x3F9F]  }
0x28: {  	s2 =	sld [smem:$0x3FA0]  }
0x29: {  	s4 =	sld [smem:$0x3FA2]  }
0x2a: {  	p0 =	seq.s32 s5, $0x0;
	s5 =	sld [smem:$0x3FA3]  }
0x2b: {  	s6 =	sld [smem:$0x3FA4]  }
0x2c: {  	s7 =	sld [smem:$0x3FA5]  }
0x2d: {  	s3 =	simm.s32 $0x108;
	s8 =	sld [smem:$0x3FA6]  }
0x2e: {  	s3 =	simm.s32 @!p0 $0x1082;
	s9 =	sld [smem:$0x3FA7]  }
0x2f: {  	lr =	sadd.s32 s0, s3;
	s0 =	sld [smem:$0x3F9E]  }
0x30: {  	s3 =	sld [smem:$0x3FA1]  }
0x31: {  	[smem:$0x3FAA] =	sst s10  }
0x32: {  	s10 =	sld [smem:$0x3FA8];
	_ =	sdelay $0x3  }
0x33: {  	p0 =	seq.s32 s10, $0x1;
	s10 =	sld [smem:$0x3FAA];
	_ =	sdelay $0x3  }
0x34: {  	[smem:$0x3FAA] =	sst s10  }
0x35: {  	s10 =	sld [smem:$0x3FA9];
	_ =	sdelay $0x3  }
0x36: {  	p1 =	seq.s32 s10, $0x1;
	s10 =	sld [smem:$0x3FAA];
	_ =	sdelay $0x3  }
0x37: {  	[smem:$0x3FAA] =	sst s10  }
0x38: {  	s10 =	sld [smem:$0x3FAB]  }
0x39: {  	_ = 	snop;
	(pc) =	sbr.ind lr, $3  }
0x3a: {  	_ = 	snop  }
0x3b: {  	_ = 	snop  }
0x3c: {  	p2 =	seq.s32 s10, $0x1;
	s10 =	sld [smem:$0x3FAA]  }
0x3d: {  	_ =	shalt  }
0x3e: {  	_ =	shalt  }
0x3f: {  	_ =	shalt  }
0x40: {  	_ =	shalt  }
0x41: {  	_ =	shalt  }
0x42: {  	_ =	shalt  }
0x43: {  	_ =	shalt  }
0x44: {  	_ =	shalt  }
0x45: {  	_ =	shalt  }
0x46: {  	_ =	shalt  }
0x47: {  	_ =	shalt  }
0x48: {  	_ =	shalt  }
0x49: {  	_ =	shalt  }
0x4a: {  	_ =	shalt  }
0x4b: {  	_ =	shalt  }
0x4c: {  	_ =	shalt  }
0x4d: {  	_ =	shalt  }
0x4e: {  	_ =	shalt  }
0x4f: {  	_ =	shalt  }
0x50: {  	_ =	shalt  }
0x51: {  	_ =	shalt  }
0x52: {  	_ =	shalt  }
0x53: {  	_ =	shalt  }
0x54: {  	_ =	shalt  }
0x55: {  	_ =	shalt  }
0x56: {  	_ =	shalt  }
0x57: {  	_ =	shalt  }
0x58: {  	_ =	shalt  }
0x59: {  	_ =	shalt  }
0x5a: {  	_ =	shalt  }
0x5b: {  	_ =	shalt  }
0x5c: {  	_ =	shalt  }
0x5d: {  	_ =	shalt  }
0x5e: {  	_ =	shalt  }
0x5f: {  	_ =	shalt  }
0x60: {  	_ =	shalt  }
0x61: {  	_ =	shalt  }
0x62: {  	_ =	shalt  }
0x63: {  	_ =	shalt  }
0x64: {  	_ =	shalt  }
0x65: {  	_ =	shalt  }
0x66: {  	_ =	shalt  }
0x67: {  	_ =	shalt  }
0x68: {  	_ =	shalt  }
0x69: {  	_ =	shalt  }
0x6a: {  	_ =	shalt  }
0x6b: {  	_ =	shalt  }
0x6c: {  	_ =	shalt  }
0x6d: {  	_ =	shalt  }
0x6e: {  	_ =	shalt  }
0x6f: {  	_ =	shalt  }
0x70: {  	_ =	shalt  }
0x71: {  	_ =	shalt  }
0x72: {  	_ =	shalt  }
0x73: {  	_ =	shalt  }
0x74: {  	_ =	shalt  }
0x75: {  	_ =	shalt  }
0x76: {  	_ =	shalt  }
0x77: {  	_ =	shalt  }
0x78: {  	_ =	shalt  }
0x79: {  	_ =	shalt  }
0x7a: {  	_ =	shalt  }
0x7b: {  	_ =	shalt  }
0x7c: {  	_ =	shalt  }
0x7d: {  	_ =	shalt  }
0x7e: {  	_ =	shalt  }
0x7f: {  	_ =	shalt  }
0x80: {  	_ =	shalt  }
0x81: {  	_ =	shalt  }
0x82: {  	_ =	shalt  }
0x83: {  	_ =	shalt  }
0x84: {  	_ =	shalt  }
0x85: {  	_ =	shalt  }
0x86: {  	_ =	shalt  }
0x87: {  	_ =	shalt  }
.Lfunc_end0:
.L_simem_size_0:
called_computation_lowered:
.L_overlay_start_0:
0x88: {  	s2 =	sld [smem:$0x3FD9]  }
0x89: {  	s3 =	sld [smem:$0x3FFE];
	_ =	sdelay $0x1  }
0x8a: {  	s1 =	srdreg.scid  }
0x8b: {  	s0 =	sand.u32 $0x1, s1  }
0x8c: {  	s17 =	sshll.u32 s0, $0xA;
	s2 =	sadd.s32 s3, s2  }
0x8d: {  	s2 =	sadd.s32 s2, s17  }
0x8e: {  	[smem:$0x3FB6] =	sst s2  }
0x8f: {  	_ = 	snop  }
0x90: {  	s2 =	sld [smem:$0x3FC9]  }
0x91: {  	s18 =	sld [smem:$0x3FC7]  }
0x92: {  	s4 =	sld [smem:$0x3FC6];
	(tm) =	ssettm $0x1  }
0x93: {  	s5 =	sld [smem:$0x3FFB];
	_ =	sdelay $0x3  }
0x94: {  	_ =	strace s5  }
0x95: {  	s5 =	sld [smem:$0x3FFC];
	_ =	sdelay $0x3  }
0x96: {  	_ =	strace s5  }
0x97: {  	s5 =	sld [smem:$0x3FFD];
	_ =	sdelay $0x3  }
0x98: {  	_ =	strace s5  }
0x99: {  	_ =	strace $0x8FFFFFFF  }
0x9a: {  	s19 =	sld [smem:$0x3FDB];
	_ =	sdelay $0x1  }
0x9b: {  	s6 =	simm.s32 $_scs_section_size  }
0x9c: {  	s7 =	simm.s32 $_size__tile_overlayer_lowered;
	s8 =	simm.s32 $_tile_overlayer_lowered  }
0x9d: {  	s22 =	simm.s32 $0x1BFF;
	s21 =	sshll.u32 s8, $0x1;
	s5 =	sadd.s32 s6, s19  }
0x9e: {  	s9 =	simm.s32 $0x0;
	s20 =	sshll.u32 s7, $0x1;
	s7 =	sadd.s32 s21, s5  }
0x9f: {  	[timem:s9], [sflag:s22] =	dma.local [hbm:s7], s20  }
0xa0: {  	_ =	swait.ge [sflag:s22], s20  }
0xa1: {  	s6 =	ssub.s32 $0x0, s20;
	[sflag:s22] =	ssyncset.done $0x0  }
0xa2: {  	[sflag:s22] =	ssyncadd.s32 s6;
	_ =	sdelay $0x1  }
0xa3: {  	s23 =	simm.s32 $0x1B8B  }
0xa4: {  	_ =	swait.ge [sflag:s23], $0x1  }
0xa5: {  	[sflag:s23] =	ssyncset.done $0x0  }
0xa6: {  	s25 =	simm.s32 $0x1B8E;
	s24 =	sld [smem:$0x3FFE];
	[sflag:s23] =	ssyncadd.s32 $0xFFFFFFFF  }
0xa7: {  	s26 =	simm.s32 $execute0_lowered;
	[smem:$0x3FD2] =	sst s25  }
0xa8: {  	s7 =	sshll.u32 s26, $0x1;
	_ =	strace $0x80000046;
	[dreg:$0x1] =	wrdreg $0xFFFFFFFF  }
0xa9: {  	s28 =	simm.s32 $_size_execute0_lowered;
	s5 =	sadd.s32 s5, s7;
	[dreg:$0x0] =	wrdreg $0x0  }
0xaa: {  	s7 =	sshll.u32 s28, $0x1;
	[dreg:$0x2] =	wrdreg s5  }
0xab: {  	[dreg:$0x3] =	wrdreg s7  }
0xac: {  	[dreg:$0x4] =	wrdreg $0xC0  }
0xad: {  	_ =	task [dreg:s9], $0x5FFFF  }
0xae: {  	[dreg:$0x1] =	wrdreg $0xFFFFFFFF  }
0xaf: {  	[dreg:$0x0] =	wrdreg $0x60  }
0xb0: {  	[dreg:$0x2] =	wrdreg s2  }
0xb1: {  	[dreg:$0x3] =	wrdreg s18  }
0xb2: {  	[dreg:$0x4] =	wrdreg s4  }
0xb3: {  	[dreg:$0x5] =	wrdreg s24  }
0xb4: {  	[dreg:$0x6] =	wrdreg $0xA  }
0xb5: {  	_ =	task.clear_ibuf [dreg:s9], $0x7FFFF;
	_ =	strace $0x90000046  }
0xb6: {  	s29 =	simm.s32 $0xA;
	_ =	strace $0x80000048  }
0xb7: {  	_ =	swait.ge [sflag:s29], $0x1  }
0xb8: {  	[sflag:s29] =	ssyncadd.s32 $0xFFFFFFFF  }
0xb9: {  	_ =	strace $0x90000048  }
0xba: {  	_ =	sfence  }
0xbb: {  	s30 =	sld [smem:$0x0];
	_ =	sdelay $0x2  }
0xbc: {  	s31 =	sshll.u32 s1, $0xD;
	s1 =	sshrl.u32 s1, $0x2  }
0xbd: {  	s3 =	sand.u32 $0x4000, s31;
	s1 =	sadd.s32 s1, s30  }
0xbe: {  	s0 =	sor.u32 s3, s0;
	s1 =	sshll.u32 s1, $0x11  }
0xbf: {  	s0 =	sor.u32 s1, s0  }
0xc0: {  	s0 =	sadd.s32 $0x8F2B, s0  }
0xc1: {  	[sflag:s0] =	ssyncadd.remote.s32 $0x1  }
0xc2: {  	_ =	sfence.sel $0xFFFF  }
0xc3: {  	[dreg:$0x0] =	wrdreg $0xFFFFFFFF;
	(pc) =	sbr.abs _section_cstart, $3  }
0xc4: {  	[dreg:$0x1] =	wrdreg $0xFFFFFFFF  }
0xc5: {  	_ =	task.clear_ibuf [dreg:s9], $0x2FFFF;
	_ =	strace $0x9FFFFFFF  }
0xc6: {  	(tm) =	ssettm $0x7FFFFFFF  }
0xc7: {  	_ =	shalt  }
tec
execute0_lowered:
.L_overlay_start_1:
0x0: {  	(tag) =	ssettag $0x1  }
0x1: {  	s1 =	rddreg [dreg:$0x0]  }
0x2: {  	s2 =	rddreg [dreg:$0x1]  }
0x3: {  	s4 =	rddreg [dreg:$0x2];
	s0 =	srdreg.scid  }
0x4: {  	s14 =	stileid.u32;
	s3 =	rddreg [dreg:$0x3]  }
0x5: {  	s5 =	simm.s32 $0x0;
	s28 =	simm.s32 $0x1;
	s29 =	simm.s32 $0x100  }
0x6: {  	s30 =	simm.s32 $0x3;
	s31 =	simm.s32 $0x4180;
	s12 =	smul.u32 $0x4E20, s14  }
0x7: {  	s0 =	sand.u32 $0x1, s0;
	s6 =	sshll.u32 s14, $0x1;
	s18 =	smul.u32 $0x271000, s14  }
0x8: {  	[smem:$0x7FF] =	sst s5;
	s8 =	sadd.s32 $0x4800, s3;
	s26 =	smul.u32 $0x2710, s0  }
0x9: {  	s6 =	sor.u32 s0, s6;
	s7 =	ssub.s32 $0x2, s0;
	s20 =	smul.u32 $0x138800, s0  }
0xa: {  	s3 =	sadd.s32 $0x4E6800, s3;
	s6 =	smul.u32 $0x2710, s6;
	s9 =	sshrl.u32 s7, $0x1  }
0xb: {  	_ =	strace $0x80000047;
	s0 =	smul.u32 $0x27100, s0;
	s7 =	ssub.s32 s7, s9  }
0xc: {  	s19 =	sadd.s32 s26, s12;
	s23 =	sshrl.u32 s6, $0x3;
	s7 =	smax.u32 s7, $0x1  }
0xd: {  	s6 =	sadd.s32 $0x2700, s6;
	s10 =	sadd.s32 s2, s23;
	[dreg:$0xd] =	wrdreg s7  }
0xe: {  	s24 =	sadd.s32 $0x10, s23;
	s9 =	sadd.s32 s4, s23;
	[dreg:$0x5] =	wrdreg s10  }
0xf: {  	s25 =	sshrl.u32 s6, $0x3;
	s11 =	sadd.s32 s2, s24;
	[dreg:$0x9] =	wrdreg s9  }
0x10: {  	s6 =	sshll.u32 s6, $0x4;
	s13 =	sadd.s32 s2, s25;
	[dreg:$0x6] =	wrdreg s11  }
0x11: {  	s12 =	simm.s32 $0x0;
	s15 =	sadd.s32 s8, s6;
	[dreg:$0x7] =	wrdreg s13  }
0x12: {  	s21 =	sadd.s32 $0x200, s19;
	s10 =	sadd.s32 s4, s24;
	[dreg:$0x8] =	wrdreg s15  }
0x13: {  	s7 =	sshrl.u32 s21, $0x3;
	s17 =	sadd.s32 s4, s25;
	[dreg:$0xa] =	wrdreg s10  }
0x14: {  	s6 =	sadd.s32 s3, s6;
	s23 =	sadd.s32 s7, s2;
	[dreg:$0xb] =	wrdreg s17  }
0x15: {  	s7 =	sadd.s32 s7, s4;
	s15 =	smul.u32 $0x4E200, s14;
	[dreg:$0xc] =	wrdreg s6  }
0x16: {  	s10 =	sadd.s32 s20, s18;
	[dreg:$0xe] =	wrdreg s23;
	s17 =	sadd.s32 $0x180, s19  }
0x17: {  	s6 =	sadd.s32 $0x100, s19;
	[dreg:$0x10] =	wrdreg s7;
	s7 =	simm.s32 $0x6  }
0x18: {  	s10 =	sadd.s32 $0x8000, s10;
	s6 =	sshrl.u32 s6, $0x3;
	s22 =	sadd.s32 s15, s8  }
0x19: {  	s10 =	sshrl.u32 s10, $0x3;
	s24 =	sadd.s32 s15, s3;
	s25 =	sadd.s32 s6, s2  }
0x1a: {  	s26 =	sadd.s32 s6, s4;
	s6 =	simm.s32 $0x5;
	s16 =	sadd.s32 s0, s22  }
0x1b: {  	s18 =	sadd.s32 s10, s8;
	[dreg:$0xf] =	wrdreg s25;
	s21 =	sadd.s32 s0, s24  }
0x1c: {  	s22 =	sadd.s32 s10, s3;
	[dreg:$0x11] =	wrdreg s26;
	s24 =	simm.s32 $0x80  }
0x1d: {  	s25 =	simm.s32 $0x2;
	s26 =	simm.s32 $0x180;
	s3 =	simm.s32 $0x4  }
0x1e: {  	s0 =	simm.s32 $0x8180;
	s8 =	simm.s32 $0x7;
	s10 =	simm.s32 $0x8  }
.LBB2_1:
0x1f: {  	s9 =	rddreg [dreg:$0x5]  }
0x20: {  	[tilespmem:s5], [sflag:$0x2] =	stream.linear.gather [hbm4b:s9+s5], $0x80, $0x38;
	[tilespmem:$0xC200] =	vst v63  }
0x21: {  	s20 =	rddreg [dreg:$0x6]  }
0x22: {  	[tilespmem:s24], [sflag:$0x3] =	stream.linear.gather [hbm4b:s20+s5], $0x80, $0x38;
	[tilespmem:$0xC200] =	vst v63  }
0x23: {  	_ =	swait.ge [sflag:s25], $0x80  }
0x24: {  	p0 =	por $0x1, $0x1;
	[sflag:s25] =	ssyncset.done $0x0  }
0x25: {  	s11 =	simm.s32 @!p0 $0x5;
	[sflag:s25] =	ssyncadd.s32 $0xFFFFFF80  }
0x26: {  	_ =	swait.ge @!p0 [sflag:s11], $0x4000  }
0x27: {  	[sflag:s11] =	ssyncset.done @!p0 $0x0  }
0x28: {  	[sflag:s11] =	ssyncadd.s32 @!p0 $0xFFFFC000  }
0x29: {  	[tilespmem:s26], [sflag:$0x1] =	stream.indirect.gather [hbm4b:s1+s24], $0x80, s5, s24, $0xb8;
	[tilespmem:$0xC200] =	vst v63  }
0x2a: {  	_ =	swait.ge [sflag:s28], $0x4000  }
0x2b: {  	[sflag:s28] =	ssyncset.done $0x0  }
0x2c: {  	s15 =	rddreg [dreg:$0xf];
	[sflag:s28] =	ssyncadd.s32 $0xFFFFC000  }
0x2d: {  	[tilespmem:s29], [sflag:$0x4] =	stream.linear.gather [hbm4b:s15+s5], $0x80, $0x38;
	[tilespmem:$0xC200] =	vst v63  }
0x2e: {  	s23 =	sadd.s32 $0x0, s16  }
0x2f: {  	[hbm4b:s23+s5] =	stream.linear.scatter [tilespmem:s26], [sflag:$0x5], $0x4000, $0x38;
	[tilespmem:$0xC200] =	vst v63  }
0x30: {  	_ =	swait.ge [sflag:s30], $0x80  }
0x31: {  	[sflag:s30] =	ssyncset.done $0x0  }
0x32: {  	s13 =	simm.s32 @!p0 $0x6;
	[sflag:s30] =	ssyncadd.s32 $0xFFFFFF80  }
0x33: {  	_ =	swait.ge @!p0 [sflag:s13], $0x4000  }
0x34: {  	[sflag:s13] =	ssyncset.done @!p0 $0x0  }
0x35: {  	[sflag:s13] =	ssyncadd.s32 @!p0 $0xFFFFC000  }
0x36: {  	[tilespmem:s31], [sflag:$0x1] =	stream.indirect.gather [hbm4b:s1+s24], $0x80, s24, s24, $0xb8;
	[tilespmem:$0xC200] =	vst v63  }
0x37: {  	p1 =	por $0x0, $0x0;
	_ =	swait.ge [sflag:s28], $0x4000  }
0x38: {  	s13 =	sshrl.u32 @!p1 s17, $0x3;
	[sflag:s28] =	ssyncset.done $0x0  }
0x39: {  	s14 =	simm.s32 @!p1 $0x0;
	s13 =	sadd.s32 @!p1 s2, s13;
	[sflag:s28] =	ssyncadd.s32 $0xFFFFC000  }
0x3a: {  	[tilespmem:s14], [sflag:$0x2] =	stream.linear.gather @!p1 [hbm4b:s13+s14], $0x80, $0x38;
	[tilespmem:$0xC200] =	vst v63  }
0x3b: {  	s11 =	sadd.s32 $0x800, s23  }
0x3c: {  	[hbm4b:s11+s5] =	stream.linear.scatter [tilespmem:s31], [sflag:$0x6], $0x4000, $0x38;
	[tilespmem:$0xC200] =	vst v63  }
0x3d: {  	_ =	swait.ge [sflag:s3], $0x80  }
0x3e: {  	[sflag:s3] =	ssyncset.done $0x0  }
0x3f: {  	s11 =	simm.s32 @!p0 $0x7;
	[sflag:s3] =	ssyncadd.s32 $0xFFFFFF80  }
0x40: {  	_ =	swait.ge @!p0 [sflag:s11], $0x4000  }
0x41: {  	[sflag:s11] =	ssyncset.done @!p0 $0x0  }
0x42: {  	[sflag:s11] =	ssyncadd.s32 @!p0 $0xFFFFC000  }
0x43: {  	[tilespmem:s0], [sflag:$0x1] =	stream.indirect.gather [hbm4b:s1+s24], $0x80, s29, s24, $0xb8;
	[tilespmem:$0xC200] =	vst v63  }
0x44: {  	_ =	swait.ge [sflag:s28], $0x4000  }
0x45: {  	s19 =	sadd.s32 $0x0, s18;
	s13 =	simm.s32 $0x1800;
	[sflag:s28] =	ssyncset.done $0x0  }
0x46: {  	s11 =	simm.s32 @!p1 $0x80;
	s9 =	rddreg [dreg:$0xe];
	[sflag:s28] =	ssyncadd.s32 $0xFFFFC000  }
0x47: {  	[tilespmem:s11], [sflag:$0x3] =	stream.linear.gather @!p1 [hbm4b:s9+s14], $0x80, $0x38;
	[tilespmem:$0xC200] =	vst v63  }
0x48: {  	s14 =	sadd.s32 $0x30, s15;
	s11 =	sadd.s32 $0x30, s9;
	s15 =	sadd.s32 $0x180, s17  }
.LBB2_2:
0x49: {  	[hbm4b:s19+s5] =	stream.linear.scatter [tilespmem:s0], [sflag:$0x7], $0x4000, $0x38;
	[tilespmem:$0xC200] =	vst v63  }
0x4a: {  	s19 =	smov.u32 s13;
	s13 =	sadd.s32 $0x1800, s13;
	_ =	swait.ge [sflag:s25], $0x80  }
0x4b: {  	p1 =	seq.s32 s19, $0x0;
	p0 =	sne.s32 s13, $0x27000;
	[sflag:s25] =	ssyncset.done $0x0  }
0x4c: {  	s20 =	simm.s32 @!p1 $0x5;
	[sflag:s25] =	ssyncadd.s32 $0xFFFFFF80  }
0x4d: {  	_ =	swait.ge @!p1 [sflag:s20], $0x4000  }
0x4e: {  	[sflag:s20] =	ssyncset.done @!p1 $0x0  }
0x4f: {  	[sflag:s20] =	ssyncadd.s32 @!p1 $0xFFFFC000  }
0x50: {  	[tilespmem:s26], [sflag:$0x1] =	stream.indirect.gather [hbm4b:s1+s24], $0x80, s5, s24, $0xb8;
	[tilespmem:$0xC200] =	vst v63  }
0x51: {  	_ =	swait.ge [sflag:s28], $0x4000  }
0x52: {  	[sflag:s28] =	ssyncset.done $0x0  }
0x53: {  	[sflag:s28] =	ssyncadd.s32 $0xFFFFC000  }
0x54: {  	[tilespmem:s29], [sflag:$0x4] =	stream.linear.gather [hbm4b:s14+s5], $0x80, $0x38;
	[tilespmem:$0xC200] =	vst v63  }
0x55: {  	s20 =	sadd.s32 s19, s16  }
0x56: {  	[hbm4b:s20+s5] =	stream.linear.scatter [tilespmem:s26], [sflag:$0x5], $0x4000, $0x38;
	[tilespmem:$0xC200] =	vst v63  }
0x57: {  	_ =	swait.ge [sflag:s30], $0x80  }
0x58: {  	[sflag:s30] =	ssyncset.done $0x0  }
0x59: {  	s23 =	simm.s32 @!p1 $0x6;
	[sflag:s30] =	ssyncadd.s32 $0xFFFFFF80  }
0x5a: {  	_ =	swait.ge @!p1 [sflag:s23], $0x4000  }
0x5b: {  	[sflag:s23] =	ssyncset.done @!p1 $0x0  }
0x5c: {  	[sflag:s23] =	ssyncadd.s32 @!p1 $0xFFFFC000  }
0x5d: {  	[tilespmem:s31], [sflag:$0x1] =	stream.indirect.gather [hbm4b:s1+s24], $0x80, s24, s24, $0xb8;
	[tilespmem:$0xC200] =	vst v63  }
0x5e: {  	p2 =	seq.s32 s19, $0x25800;
	_ =	swait.ge [sflag:s28], $0x4000  }
0x5f: {  	s23 =	sshrl.u32 @!p2 s15, $0x3;
	[sflag:s28] =	ssyncset.done $0x0  }
0x60: {  	s9 =	simm.s32 @!p2 $0x0;
	s23 =	sadd.s32 @!p2 s2, s23;
	[sflag:s28] =	ssyncadd.s32 $0xFFFFC000  }
0x61: {  	[tilespmem:s9], [sflag:$0x2] =	stream.linear.gather @!p2 [hbm4b:s23+s9], $0x80, $0x38;
	[tilespmem:$0xC200] =	vst v63  }
0x62: {  	s20 =	sadd.s32 $0x800, s20  }
0x63: {  	[hbm4b:s20+s5] =	stream.linear.scatter [tilespmem:s31], [sflag:$0x6], $0x4000, $0x38;
	[tilespmem:$0xC200] =	vst v63  }
0x64: {  	_ =	swait.ge [sflag:s3], $0x80  }
0x65: {  	[sflag:s3] =	ssyncset.done $0x0  }
0x66: {  	s20 =	simm.s32 @!p1 $0x7;
	[sflag:s3] =	ssyncadd.s32 $0xFFFFFF80  }
0x67: {  	_ =	swait.ge @!p1 [sflag:s20], $0x4000  }
0x68: {  	[sflag:s20] =	ssyncset.done @!p1 $0x0  }
0x69: {  	[sflag:s20] =	ssyncadd.s32 @!p1 $0xFFFFC000  }
0x6a: {  	[tilespmem:s0], [sflag:$0x1] =	stream.indirect.gather [hbm4b:s1+s24], $0x80, s29, s24, $0xb8;
	[tilespmem:$0xC200] =	vst v63  }
.Ltmp0:
0x6b: {  	_ =	swait.ge [sflag:s28], $0x4000;
	(pc) =	sbr.rel @p0 .LBB2_2-.Ltmp0, $4  }
0x6c: {  	[sflag:s28] =	ssyncset.done $0x0  }
0x6d: {  	s14 =	sadd.s32 $0x30, s14;
	s20 =	simm.s32 @!p2 $0x80;
	[sflag:s28] =	ssyncadd.s32 $0xFFFFC000  }
0x6e: {  	[tilespmem:s20], [sflag:$0x3] =	stream.linear.gather @!p2 [hbm4b:s11+s9], $0x80, $0x38;
	[tilespmem:$0xC200] =	vst v63  }
0x6f: {  	s19 =	sadd.s32 s19, s18;
	s15 =	sadd.s32 $0x180, s15;
	s11 =	sadd.s32 $0x30, s11  }
0x70: {  	[hbm4b:s19+s5] =	stream.linear.scatter [tilespmem:s0], [sflag:$0x7], $0x4000, $0x38;
	[tilespmem:$0xC200] =	vst v63  }
0x71: {  	_ =	swait.ge [sflag:s6], $0x4000  }
0x72: {  	[sflag:s6] =	ssyncset.done $0x0  }
0x73: {  	[sflag:s6] =	ssyncadd.s32 $0xFFFFC000  }
0x74: {  	_ =	swait.ge [sflag:s7], $0x4000  }
0x75: {  	[sflag:s7] =	ssyncset.done $0x0  }
0x76: {  	[sflag:s7] =	ssyncadd.s32 $0xFFFFC000  }
0x77: {  	_ =	swait.ge [sflag:s8], $0x4000  }
0x78: {  	s9 =	simm.s32 $0x0;
	[sflag:s8] =	ssyncset.done $0x0  }
0x79: {  	s13 =	simm.s32 $0xC180;
	s11 =	rddreg [dreg:$0x7];
	[sflag:s8] =	ssyncadd.s32 $0xFFFFC000  }
0x7a: {  	[tilespmem:s13], [sflag:$0x8] =	stream.linear.gather [hbm4b:s11+s9], $0x10, $0x38;
	[tilespmem:$0xC200] =	vst v63  }
0x7b: {  	_ =	swait.ge [sflag:s10], $0x10  }
0x7c: {  	[sflag:s10] =	ssyncset.done $0x0  }
0x7d: {  	s14 =	simm.s32 $0x10;
	[sflag:s10] =	ssyncadd.s32 $0xFFFFFFF0  }
0x7e: {  	[tilespmem:s26], [sflag:$0x1] =	stream.indirect.gather [hbm4b:s1+s14], $0x80, s13, s14, $0xb8;
	[tilespmem:$0xC200] =	vst v63  }
0x7f: {  	_ =	swait.ge [sflag:s28], $0x800  }
0x80: {  	[sflag:s28] =	ssyncset.done $0x0  }
0x81: {  	s15 =	rddreg [dreg:$0x8];
	[sflag:s28] =	ssyncadd.s32 $0xFFFFF800  }
0x82: {  	[hbm4b:s15+s9] =	stream.linear.scatter [tilespmem:s26], [sflag:$0x8], $0x800, $0x38;
	[tilespmem:$0xC200] =	vst v63  }
0x83: {  	_ =	swait.ge [sflag:s10], $0x800  }
0x84: {  	[sflag:s10] =	ssyncset.done $0x0  }
0x85: {  	s19 =	rddreg [dreg:$0x9];
	[sflag:s10] =	ssyncadd.s32 $0xFFFFF800  }
0x86: {  	[tilespmem:s9], [sflag:$0x2] =	stream.linear.gather [hbm4b:s19+s9], $0x80, $0x38;
	[tilespmem:$0xC200] =	vst v63  }
0x87: {  	s20 =	rddreg [dreg:$0xa]  }
0x88: {  	[tilespmem:s24], [sflag:$0x3] =	stream.linear.gather [hbm4b:s20+s9], $0x80, $0x38;
	[tilespmem:$0xC200] =	vst v63  }
0x89: {  	_ =	swait.ge [sflag:s25], $0x80  }
0x8a: {  	p0 =	por $0x1, $0x1;
	[sflag:s25] =	ssyncset.done $0x0  }
0x8b: {  	s9 =	simm.s32 @!p0 $0x5;
	[sflag:s25] =	ssyncadd.s32 $0xFFFFFF80  }
0x8c: {  	_ =	swait.ge @!p0 [sflag:s9], $0x4000  }
0x8d: {  	[sflag:s9] =	ssyncset.done @!p0 $0x0  }
0x8e: {  	[sflag:s9] =	ssyncadd.s32 @!p0 $0xFFFFC000  }
0x8f: {  	[tilespmem:s26], [sflag:$0x1] =	stream.indirect.gather [hbm4b:s1+s24], $0x80, s5, s24, $0xb8;
	[tilespmem:$0xC200] =	vst v63  }
0x90: {  	_ =	swait.ge [sflag:s28], $0x4000  }
0x91: {  	[sflag:s28] =	ssyncset.done $0x0  }
0x92: {  	s14 =	rddreg [dreg:$0x11];
	[sflag:s28] =	ssyncadd.s32 $0xFFFFC000  }
0x93: {  	[tilespmem:s29], [sflag:$0x4] =	stream.linear.gather [hbm4b:s14+s5], $0x80, $0x38;
	[tilespmem:$0xC200] =	vst v63  }
0x94: {  	s23 =	sadd.s32 $0x0, s21  }
0x95: {  	[hbm4b:s23+s5] =	stream.linear.scatter [tilespmem:s26], [sflag:$0x5], $0x4000, $0x38;
	[tilespmem:$0xC200] =	vst v63  }
0x96: {  	_ =	swait.ge [sflag:s30], $0x80  }
0x97: {  	[sflag:s30] =	ssyncset.done $0x0  }
0x98: {  	s11 =	simm.s32 @!p0 $0x6;
	[sflag:s30] =	ssyncadd.s32 $0xFFFFFF80  }
0x99: {  	_ =	swait.ge @!p0 [sflag:s11], $0x4000  }
0x9a: {  	[sflag:s11] =	ssyncset.done @!p0 $0x0  }
0x9b: {  	[sflag:s11] =	ssyncadd.s32 @!p0 $0xFFFFC000  }
0x9c: {  	[tilespmem:s31], [sflag:$0x1] =	stream.indirect.gather [hbm4b:s1+s24], $0x80, s24, s24, $0xb8;
	[tilespmem:$0xC200] =	vst v63  }
0x9d: {  	p1 =	por $0x0, $0x0;
	_ =	swait.ge [sflag:s28], $0x4000  }
0x9e: {  	s11 =	sshrl.u32 @!p1 s17, $0x3;
	[sflag:s28] =	ssyncset.done $0x0  }
0x9f: {  	s13 =	simm.s32 @!p1 $0x0;
	s11 =	sadd.s32 @!p1 s4, s11;
	[sflag:s28] =	ssyncadd.s32 $0xFFFFC000  }
0xa0: {  	[tilespmem:s13], [sflag:$0x2] =	stream.linear.gather @!p1 [hbm4b:s11+s13], $0x80, $0x38;
	[tilespmem:$0xC200] =	vst v63  }
0xa1: {  	s9 =	sadd.s32 $0x800, s23  }
0xa2: {  	[hbm4b:s9+s5] =	stream.linear.scatter [tilespmem:s31], [sflag:$0x6], $0x4000, $0x38;
	[tilespmem:$0xC200] =	vst v63  }
0xa3: {  	_ =	swait.ge [sflag:s3], $0x80  }
0xa4: {  	[sflag:s3] =	ssyncset.done $0x0  }
0xa5: {  	s9 =	simm.s32 @!p0 $0x7;
	[sflag:s3] =	ssyncadd.s32 $0xFFFFFF80  }
0xa6: {  	_ =	swait.ge @!p0 [sflag:s9], $0x4000  }
0xa7: {  	[sflag:s9] =	ssyncset.done @!p0 $0x0  }
0xa8: {  	[sflag:s9] =	ssyncadd.s32 @!p0 $0xFFFFC000  }
0xa9: {  	[tilespmem:s0], [sflag:$0x1] =	stream.indirect.gather [hbm4b:s1+s24], $0x80, s29, s24, $0xb8;
	[tilespmem:$0xC200] =	vst v63  }
0xaa: {  	_ =	swait.ge [sflag:s28], $0x4000  }
0xab: {  	s15 =	sadd.s32 $0x180, s17;
	s19 =	sadd.s32 $0x0, s22;
	[sflag:s28] =	ssyncset.done $0x0  }
0xac: {  	s9 =	simm.s32 @!p1 $0x80;
	s11 =	rddreg [dreg:$0x10];
	[sflag:s28] =	ssyncadd.s32 $0xFFFFC000  }
0xad: {  	[tilespmem:s9], [sflag:$0x3] =	stream.linear.gather @!p1 [hbm4b:s11+s13], $0x80, $0x38;
	[tilespmem:$0xC200] =	vst v63  }
0xae: {  	s14 =	sadd.s32 $0x30, s14;
	s13 =	simm.s32 $0x1800;
	s11 =	sadd.s32 $0x30, s11  }
.LBB2_4:
0xaf: {  	[hbm4b:s19+s5] =	stream.linear.scatter [tilespmem:s0], [sflag:$0x7], $0x4000, $0x38;
	[tilespmem:$0xC200] =	vst v63  }
0xb0: {  	s19 =	smov.u32 s13;
	s13 =	sadd.s32 $0x1800, s13;
	_ =	swait.ge [sflag:s25], $0x80  }
0xb1: {  	p1 =	seq.s32 s19, $0x0;
	p0 =	sne.s32 s13, $0x27000;
	[sflag:s25] =	ssyncset.done $0x0  }
0xb2: {  	s9 =	simm.s32 @!p1 $0x5;
	[sflag:s25] =	ssyncadd.s32 $0xFFFFFF80  }
0xb3: {  	_ =	swait.ge @!p1 [sflag:s9], $0x4000  }
0xb4: {  	[sflag:s9] =	ssyncset.done @!p1 $0x0  }
0xb5: {  	[sflag:s9] =	ssyncadd.s32 @!p1 $0xFFFFC000  }
0xb6: {  	[tilespmem:s26], [sflag:$0x1] =	stream.indirect.gather [hbm4b:s1+s24], $0x80, s5, s24, $0xb8;
	[tilespmem:$0xC200] =	vst v63  }
0xb7: {  	_ =	swait.ge [sflag:s28], $0x4000  }
0xb8: {  	[sflag:s28] =	ssyncset.done $0x0  }
0xb9: {  	[sflag:s28] =	ssyncadd.s32 $0xFFFFC000  }
0xba: {  	[tilespmem:s29], [sflag:$0x4] =	stream.linear.gather [hbm4b:s14+s5], $0x80, $0x38;
	[tilespmem:$0xC200] =	vst v63  }
0xbb: {  	s9 =	sadd.s32 s19, s21  }
0xbc: {  	[hbm4b:s9+s5] =	stream.linear.scatter [tilespmem:s26], [sflag:$0x5], $0x4000, $0x38;
	[tilespmem:$0xC200] =	vst v63  }
0xbd: {  	_ =	swait.ge [sflag:s30], $0x80  }
0xbe: {  	[sflag:s30] =	ssyncset.done $0x0  }
0xbf: {  	s20 =	simm.s32 @!p1 $0x6;
	[sflag:s30] =	ssyncadd.s32 $0xFFFFFF80  }
0xc0: {  	_ =	swait.ge @!p1 [sflag:s20], $0x4000  }
0xc1: {  	[sflag:s20] =	ssyncset.done @!p1 $0x0  }
0xc2: {  	[sflag:s20] =	ssyncadd.s32 @!p1 $0xFFFFC000  }
0xc3: {  	[tilespmem:s31], [sflag:$0x1] =	stream.indirect.gather [hbm4b:s1+s24], $0x80, s24, s24, $0xb8;
	[tilespmem:$0xC200] =	vst v63  }
0xc4: {  	p2 =	seq.s32 s19, $0x25800;
	_ =	swait.ge [sflag:s28], $0x4000  }
0xc5: {  	s20 =	sshrl.u32 @!p2 s15, $0x3;
	[sflag:s28] =	ssyncset.done $0x0  }
0xc6: {  	s23 =	simm.s32 @!p2 $0x0;
	s20 =	sadd.s32 @!p2 s4, s20;
	[sflag:s28] =	ssyncadd.s32 $0xFFFFC000  }
0xc7: {  	[tilespmem:s23], [sflag:$0x2] =	stream.linear.gather @!p2 [hbm4b:s20+s23], $0x80, $0x38;
	[tilespmem:$0xC200] =	vst v63  }
0xc8: {  	s9 =	sadd.s32 $0x800, s9  }
0xc9: {  	[hbm4b:s9+s5] =	stream.linear.scatter [tilespmem:s31], [sflag:$0x6], $0x4000, $0x38;
	[tilespmem:$0xC200] =	vst v63  }
0xca: {  	_ =	swait.ge [sflag:s3], $0x80  }
0xcb: {  	[sflag:s3] =	ssyncset.done $0x0  }
0xcc: {  	s9 =	simm.s32 @!p1 $0x7;
	[sflag:s3] =	ssyncadd.s32 $0xFFFFFF80  }
0xcd: {  	_ =	swait.ge @!p1 [sflag:s9], $0x4000  }
0xce: {  	[sflag:s9] =	ssyncset.done @!p1 $0x0  }
0xcf: {  	[sflag:s9] =	ssyncadd.s32 @!p1 $0xFFFFC000  }
0xd0: {  	[tilespmem:s0], [sflag:$0x1] =	stream.indirect.gather [hbm4b:s1+s24], $0x80, s29, s24, $0xb8;
	[tilespmem:$0xC200] =	vst v63  }
.Ltmp1:
0xd1: {  	_ =	swait.ge [sflag:s28], $0x4000;
	(pc) =	sbr.rel @p0 .LBB2_4-.Ltmp1, $4  }
0xd2: {  	[sflag:s28] =	ssyncset.done $0x0  }
0xd3: {  	s14 =	sadd.s32 $0x30, s14;
	s9 =	simm.s32 @!p2 $0x80;
	[sflag:s28] =	ssyncadd.s32 $0xFFFFC000  }
0xd4: {  	[tilespmem:s9], [sflag:$0x3] =	stream.linear.gather @!p2 [hbm4b:s11+s23], $0x80, $0x38;
	[tilespmem:$0xC200] =	vst v63  }
0xd5: {  	s19 =	sadd.s32 s19, s22;
	s15 =	sadd.s32 $0x180, s15;
	s11 =	sadd.s32 $0x30, s11  }
0xd6: {  	[hbm4b:s19+s5] =	stream.linear.scatter [tilespmem:s0], [sflag:$0x7], $0x4000, $0x38;
	[tilespmem:$0xC200] =	vst v63  }
0xd7: {  	_ =	swait.ge [sflag:s6], $0x4000  }
0xd8: {  	[sflag:s6] =	ssyncset.done $0x0  }
0xd9: {  	[sflag:s6] =	ssyncadd.s32 $0xFFFFC000  }
0xda: {  	_ =	swait.ge [sflag:s7], $0x4000  }
0xdb: {  	[sflag:s7] =	ssyncset.done $0x0  }
0xdc: {  	[sflag:s7] =	ssyncadd.s32 $0xFFFFC000  }
0xdd: {  	_ =	swait.ge [sflag:s8], $0x4000  }
0xde: {  	[sflag:s8] =	ssyncset.done $0x0  }
0xdf: {  	s11 =	simm.s32 $0xC180;
	s9 =	rddreg [dreg:$0xb];
	[sflag:s8] =	ssyncadd.s32 $0xFFFFC000  }
0xe0: {  	[tilespmem:s11], [sflag:$0x8] =	stream.linear.gather [hbm4b:s9+s5], $0x10, $0x38;
	[tilespmem:$0xC200] =	vst v63  }
0xe1: {  	_ =	swait.ge [sflag:s10], $0x10  }
0xe2: {  	[sflag:s10] =	ssyncset.done $0x0  }
0xe3: {  	s19 =	simm.s32 $0x10;
	[sflag:s10] =	ssyncadd.s32 $0xFFFFFFF0  }
0xe4: {  	[tilespmem:s26], [sflag:$0x1] =	stream.indirect.gather [hbm4b:s1+s19], $0x80, s11, s19, $0xb8;
	[tilespmem:$0xC200] =	vst v63  }
0xe5: {  	_ =	swait.ge [sflag:s28], $0x800  }
0xe6: {  	[sflag:s28] =	ssyncset.done $0x0  }
0xe7: {  	s20 =	rddreg [dreg:$0xc];
	[sflag:s28] =	ssyncadd.s32 $0xFFFFF800  }
0xe8: {  	[hbm4b:s20+s5] =	stream.linear.scatter [tilespmem:s26], [sflag:$0x8], $0x800, $0x38;
	[tilespmem:$0xC200] =	vst v63  }
0xe9: {  	_ =	swait.ge [sflag:s10], $0x800  }
0xea: {  	s12 =	sadd.s32 $0x1, s12;
	s23 =	rddreg [dreg:$0xd]  }
0xeb: {  	p0 =	sne.s32 s12, s23  }
.Ltmp2:
0xec: {  	_ = 	snop;
	(pc) =	sbr.rel @p0 .LBB2_1-.Ltmp2, $3  }
0xed: {  	_ =	sdelay $0x1  }
0xee: {  	[sflag:s10] =	ssyncset.done $0x0  }
0xef: {  	[sflag:s10] =	ssyncadd.s32 $0xFFFFF800  }
0xf0: {  	_ =	sfence.sel $0x180000  }
0xf1: {  	[bflag:$0x0] =	sbarrier.arrive $0xFFFF  }
0xf2: {  	_ =	strace $0x90000047  }
0xf3: {  	s0 =	stileid.u32;
	[bflag:$0x2] =	sbarrier.arrive $0xFFFF  }
0xf4: {  	p0 =	sne.s32 s0, $0x0;
	s0 =	rddreg [dreg:$0x4]  }
0xf5: {  	s0 =	sadd.s32 @!p0 $0x100000, s0  }
0xf6: {  	[sflag:s0] =	ssyncadd.tile.s32 @!p0 $0x1;
	_ =	shalt  }
.Lfunc_end2:
_tile_overlayer_lowered:
.L_overlay_start_2:
0xf7: {  	(tag) =	ssettag $0x2  }
0xf8: {  	s0 =	rddreg [dreg:$0x0];
	s2 =	stileid.u32  }
0xf9: {  	s1 =	rddreg [dreg:$0x1];
	p0 =	sne.s32 s2, $0x0  }
0xfa: {  	s3 =	rddreg [dreg:$0x2];
	[bflag:$0x3] =	sbarrier.arrive $0xFFFF;
	s2 =	simm.s32 @!p0 $0x1C08  }
0xfb: {  	[timem:s3], [sflag:s2] =	dma.local @!p0 [hbm:s0], s1  }
0xfc: {  	s0 =	simm.s32 @!p0 $0x8  }
0xfd: {  	_ =	swait.ge @!p0 [sflag:s0], s1  }
0xfe: {  	s1 =	ssub.s32 @!p0 $0x0, s1;
	[sflag:s0] =	ssyncset.done @!p0 $0x0  }
0xff: {  	[sflag:s0] =	ssyncadd.s32 @!p0 s1  }
0x100: {  	[bflag:$0x3] =	sbarrier.arrive $0xFFFF  }
0x101: {  	_ =	shalt  }

</sc_bundles>
